<compile_context>
chip_gen: v7x
topology: tpu7x:2x2x1
jax: 0.10.2.dev20260603
libtpu: 0.0.44.dev20260713+nightly
codegen_flags: <defaults>
</compile_context>

<pallas_src>
import functools

import jax
import jax.numpy as jnp
from jax import lax
from jax.experimental import pallas as pl
from jax.experimental.pallas import tpu as pltpu
from jax.experimental.pallas import tpu_sc as plsc

_B, _C, _N, _K, _A, _NT, _NOUT, _H = 1, 128, 10000, 16, 2, 8, 128, 32

_N_PAD = 10240
_NSPLIT = 2
_NH = _N_PAD // _NSPLIT
_ROWS_H = _K * _NH
_CHUNK = 128
_NW = 32
_CPW = _ROWS_H // (_NW * _CHUNK)
_NBUF = 2
_GROUPS = _CPW // _NBUF

_BN = 512
_GRID_H = _NH // _BN


def _sc_gather(table, idx2):
    mesh = plsc.VectorSubcoreMesh(core_axis_name="c", subcore_axis_name="s")
    info = plsc.get_sparse_core_info()
    ncores = info.num_cores

    @functools.partial(
        pl.kernel,
        out_type=jax.ShapeDtypeStruct((_ROWS_H, _C), jnp.float32),
        mesh=mesh,
        scratch_types=[
            pltpu.VMEM((_CPW, _CHUNK), jnp.int32),
            pltpu.VMEM((_NBUF, _CHUNK, _C), jnp.float32),
            pltpu.VMEM_SHARED((_N_PAD, _C), jnp.float32),
            [pltpu.SemaphoreType.DMA] * _NBUF,
            [pltpu.SemaphoreType.DMA] * _NBUF,
        ],
    )
    def gather_kernel(table_hbm, idx_hbm, out_hbm, idx_all, rows_v,
                      table_sp, gsems, ssems):
        sid = lax.axis_index("s")
        wid = sid * ncores + lax.axis_index("c")
        stripe = _N_PAD // 16
        pltpu.sync_copy(table_hbm.at[pl.ds(sid * stripe, stripe)],
                        table_sp.at[pl.ds(sid * stripe, stripe)])
        pltpu.sync_copy(idx_hbm.at[wid], idx_all)
        plsc.subcore_barrier()

        def wait_gather(b):
            pltpu.make_async_copy(
                table_hbm.at[pl.ds(0, _CHUNK)], rows_v.at[b],
                gsems[b]).wait()

        def wait_store(b):
            pltpu.make_async_copy(
                rows_v.at[b], out_hbm.at[pl.ds(0, _CHUNK)],
                ssems[b]).wait()

        @pl.loop(0, _GROUPS)
        def group(j):
            for b in range(_NBUF):
                c = j * _NBUF + b

                @pl.when(j > 0)
                def _():
                    wait_store(b)

                pltpu.async_copy(table_sp.at[idx_all.at[c]],
                                 rows_v.at[b], gsems[b])
            for b in range(_NBUF):
                c = j * _NBUF + b
                wait_gather(b)
                base = (wid * _CPW + c) * _CHUNK
                pltpu.async_copy(rows_v.at[b],
                                 out_hbm.at[pl.ds(base, _CHUNK)], ssems[b])

        for b in range(_NBUF):
            wait_store(b)

    return gather_kernel(table, idx2)


def _dn(a, b, ca, cb):
    return jax.lax.dot_general(a, b, (((ca,), (cb,)), ((), ())),
                               preferred_element_type=jnp.float32)


def _tc_body(nbr_ref, ctr_ref, w1t_ref, b1_ref, w2t_ref, b2_ref,
             wt3_ref, wst_ref, bg_ref, *refs):
    out_ref = refs[-1]
    ctr = ctr_ref[...]
    w1t = w1t_ref[...]
    w2t = w2t_ref[...]
    ctrw_t = _dn(w1t, ctr, 0, 1) - b1_ref[...]
    nbr_all = nbr_ref[...].reshape(_K * _BN, _C)
    h_t = _dn(w1t, nbr_all, 0, 1)
    h_t = jnp.maximum(h_t - jnp.concatenate([ctrw_t] * _K, axis=1), 0.0)
    lg_t = _dn(w2t, h_t, 0, 0) + b2_ref[...]
    ex_t = jnp.exp(lg_t)
    etn_t = ex_t / jnp.sum(ex_t, axis=0, keepdims=True)
    aggs = [jnp.zeros((_C, _BN), jnp.float32) for _ in range(_NT)]
    for k in range(_K):
        nbr_kt = nbr_ref[k].T
        et_kt = etn_t[:, k * _BN:(k + 1) * _BN]
        for t in range(_NT):
            aggs[t] = aggs[t] + et_kt[t:t + 1, :] * nbr_kt
    msg_t = _dn(wt3_ref[0], aggs[0], 0, 0)
    for t in range(1, _NT):
        msg_t = msg_t + _dn(wt3_ref[t], aggs[t], 0, 0)
    self_t = _dn(wst_ref[...], ctr, 0, 1)
    res_t = jnp.maximum(msg_t + self_t + bg_ref[...], 0.0)
    out_ref[0, 0] = res_t
    out_ref[0, 1] = res_t


def _tc_call(nbrh, pts_t, w1t, b1c, w2t, b2c, wt3, wst, bgc, y_prev, off):
    in_specs = [
        pl.BlockSpec((_K, _BN, _C), lambda i: (0, i, 0)),
        pl.BlockSpec((_BN, _C), lambda i: (i + off, 0)),
        pl.BlockSpec((_C, _H), lambda i: (0, 0)),
        pl.BlockSpec((_H, 1), lambda i: (0, 0)),
        pl.BlockSpec((_H, _NT), lambda i: (0, 0)),
        pl.BlockSpec((_NT, 1), lambda i: (0, 0)),
        pl.BlockSpec((_NT, _C, _NOUT), lambda i: (0, 0, 0)),
        pl.BlockSpec((_C, _NOUT), lambda i: (0, 0)),
        pl.BlockSpec((_NOUT, 1), lambda i: (0, 0)),
    ]
    args = [nbrh, pts_t, w1t, b1c, w2t, b2c, wt3, wst, bgc]
    aliases = {}
    if y_prev is not None:
        in_specs.append(pl.BlockSpec(memory_space=pltpu.MemorySpace.HBM))
        args.append(y_prev)
        aliases = {9: 0}
    return pl.pallas_call(
        _tc_body,
        grid=(_GRID_H,),
        in_specs=in_specs,
        out_specs=pl.BlockSpec((1, _A, _NOUT, _BN),
                               lambda i: (0, 0, 0, i + off)),
        out_shape=jax.ShapeDtypeStruct((_B, _A, _NOUT, _N), jnp.float32),
        input_output_aliases=aliases,
    )(*args)


def kernel(pts, nn_idx, nstep, W1, b1, W2, b2, Wt, Ws, bg):
    pts_t = pts[0].T
    pts_tp = jnp.pad(pts_t, ((0, _N_PAD - _N), (0, 0)))
    idx_t = jnp.pad(nn_idx[0].astype(jnp.int32).T,
                    ((0, 0), (0, _N_PAD - _N)))
    mask = (jnp.asarray(nstep) == 0).astype(jnp.float32)
    w1t = W1.T
    w2t = W2.T
    b1c = b1.reshape(_H, 1)
    b2c = b2.reshape(_NT, 1)
    bgc = bg.reshape(_NOUT, 1)
    wt3 = (Wt * (mask / _K)).transpose(0, 2, 1)
    wst = Ws.T

    y = None
    for h in range(_NSPLIT):
        idxh = idx_t[:, h * _NH:(h + 1) * _NH].reshape(
            _NW, _CPW, _CHUNK)
        nbrh = _sc_gather(pts_tp, idxh).reshape(_K, _NH, _C)
        y = _tc_call(nbrh, pts_t, w1t, b1c, w2t, b2c, wt3, wst, bgc,
                     y, h * _GRID_H)
    return y[..., None]

# --- scband reference (transcript-rebuilt; emitter-appended) ---
"""Pipeline reference for scband-masked-graph-embedding-35914516529839 (READ-ONLY COPY).

The authoritative reference and input builder live on the scoring server;
editing this copy changes nothing except your own understanding.
"""

import jax, jax.numpy as jnp
import numpy as np

B, C, N, K, A, NT, NOUT, H = 1, 128, 10000, 16, 2, 8, 128, 32


def get_nn_node_feature(pts, nn_idx):
    # pts: [B, C, N], nn_idx: [B, N, K] -> [B, C, N, K]
    pts_t = jnp.transpose(pts, (0, 2, 1))  # [B, N, C]
    b_idx = jnp.arange(pts.shape[0])[:, None, None]
    g = pts_t[b_idx, nn_idx]  # [B, N, K, C]
    return jnp.transpose(g, (0, 3, 1, 2))


def get_edge_feature(pts_knn, pts):
    # relative edge feature: neighbor - center, [B, C, N, K]
    return pts_knn - pts[:, :, :, None]


def etype_net(ef, W1, b1, W2, b2):
    # 1x1 conv MLP over edge features -> soft edge-type assignment [B, NT, N, K]
    h = jnp.einsum('oc,bcnk->bonk', W1, ef) + b1[None, :, None, None]
    h = jax.nn.relu(h)
    h = jnp.einsum('oc,bcnk->bonk', W2, h) + b2[None, :, None, None]
    return jax.nn.softmax(h, axis=1)


def gnn_op(nf, nn_idx, etype, Wt, Ws, bg):
    # nf: [B, A, C, N, 1], nn_idx: [B, A, N, K], etype: [B, A, NT, N, K]
    x = nf[..., 0]                                # [B, A, C, N]
    xt = jnp.transpose(x, (0, 1, 3, 2))           # [B, A, N, C]
    Bs, As = nn_idx.shape[0], nn_idx.shape[1]
    bi = jnp.arange(Bs)[:, None, None, None]
    ai = jnp.arange(As)[None, :, None, None]
    nbr = xt[bi, ai, nn_idx]                      # [B, A, N, K, C] gather
    agg = jnp.einsum('batnk,bankc->batnc', etype, nbr) / float(nn_idx.shape[-1])
    msg = jnp.einsum('toc,batnc->baon', Wt, agg)  # per-edge-type transform, summed over types
    self_t = jnp.einsum('oc,bacn->baon', Ws, x)
    out = jax.nn.relu(msg + self_t + bg[None, None, :, None])
    return out[..., None]                          # [B, A, NOUT, N, 1]


def setup_inputs(seed: int = 0) -> dict:
    key = jax.random.key(seed)
    ks = jax.random.split(key, 8)
    pts = jax.random.normal(ks[0], (B, C, N), dtype=jnp.float32)
    nn_idx = jax.random.randint(ks[1], (B, N, K), 0, N)
    W1 = jax.random.normal(ks[2], (H, C), dtype=jnp.float32) * 0.05
    b1 = jnp.zeros((H,), dtype=jnp.float32)
    W2 = jax.random.normal(ks[3], (NT, H), dtype=jnp.float32) * 0.05
    b2 = jnp.zeros((NT,), dtype=jnp.float32)
    Wt = jax.random.normal(ks[4], (NT, NOUT, C), dtype=jnp.float32) * 0.05
    Ws = jax.random.normal(ks[5], (NOUT, C), dtype=jnp.float32) * 0.05
    bg = jnp.zeros((NOUT,), dtype=jnp.float32)
    return {"pts": pts, "nn_idx": nn_idx, "nstep": 0,
            "W1": W1, "b1": b1, "W2": W2, "b2": b2,
            "Wt": Wt, "Ws": Ws, "bg": bg}


def reference(pts, nn_idx, nstep, W1, b1, W2, b2, Wt, Ws, bg):
    pts_knn = get_nn_node_feature(pts, nn_idx)
    ef = get_edge_feature(pts_knn, pts)
    et = etype_net(ef, W1, b1, W2, b2)        # [B, NT, N, K]
    et_full = jnp.repeat(et[:, None], A, axis=1)  # [B, A, NT, N, K]
    etype = jnp.where(nstep == 0, et_full, jnp.zeros_like(et_full))
    nn2 = jnp.repeat(nn_idx[:, None], A, axis=1)    # [B, A, N, K]
    nfeature = jnp.repeat(pts[:, None, :, :, None], A, axis=1)  # [B, A, C, N, 1]
    return gnn_op(nfeature, nn2, etype, Wt, Ws, bg)

if __name__ == "__main__":
    import jax
    _d = setup_inputs()
    print(jax.jit(kernel)(*tuple(_d.values())))

</pallas_src>

<mosaic_0001>
#map = affine_map<(d0, d1) -> (0, 0)>
#map1 = affine_map<(d0, d1) -> (0, 0, 0)>
module attributes {stable_mosaic.version = 14 : i64} {
  func.func @gather_kernel(%arg0: i32, %arg1: i32, %arg2: memref<10240x128xf32, #tpu.memory_space<hbm>>, %arg3: memref<32x20x128xi32, #tpu.memory_space<hbm>>, %arg4: memref<81920x128xf32, #tpu.memory_space<hbm>>, %arg5: memref<20x128xi32, #tpu.memory_space<vmem>>, %arg6: memref<2x128x128xf32, #tpu.memory_space<vmem>>, %arg7: memref<10240x128xf32, #tpu.memory_space<vmem_shared>>, %arg8: memref<!tpu.dma_semaphore, #tpu.memory_space<semaphore_mem>>, %arg9: memref<!tpu.dma_semaphore, #tpu.memory_space<semaphore_mem>>, %arg10: memref<!tpu.dma_semaphore, #tpu.memory_space<semaphore_mem>>, %arg11: memref<!tpu.dma_semaphore, #tpu.memory_space<semaphore_mem>>) attributes {dimension_semantics = [#tpu.dimension_semantics<core_parallel>, #tpu.dimension_semantics<subcore_parallel>], iteration_bounds = array<i64: 2, 16>, scalar_prefetch = 0 : i64, scratch_operands = 7 : i64, tpu.core_type = #tpu.core_type<sc_vector_subcore>, window_params = [{transform_indices = #map}, {transform_indices = #map1}, {transform_indices = #map}]} {
    %mul3A = arith.constant 2 : i32
    %mul3A_0 = arith.muli %arg1, %mul3A : i32
    %add3A = arith.addi %mul3A_0, %arg0 : i32
    %mul3A_1 = arith.constant 640 : i32
    %mul3A_2 = arith.muli %arg1, %mul3A_1 : i32
    %mul3A_3 = arith.constant 640 : i32
    %mul3A_4 = arith.muli %arg1, %mul3A_3 : i32
    "tpu.region"() ({
      %run_scoped3A = tpu.sem_alloc : memref<!tpu.dma_semaphore, #tpu.memory_space<semaphore_mem>>
      %dma_start3A = arith.constant 0 : i32
      %dma_start3A_38 = tpu.memref_slice %arg7[%mul3A_4, %dma_start3A] : memref<10240x128xf32, #tpu.memory_space<vmem_shared>> -> memref<640x128xf32, #tpu.memory_space<vmem_shared>>
      %dma_start3A_39 = arith.constant 0 : i32
      %dma_start3A_40 = tpu.memref_slice %arg2[%mul3A_2, %dma_start3A_39] : memref<10240x128xf32, #tpu.memory_space<hbm>> -> memref<640x128xf32, #tpu.memory_space<hbm>>
      tpu.enqueue_dma source(%dma_start3A_40 : memref<640x128xf32, #tpu.memory_space<hbm>>) target(%dma_start3A_38 : memref<640x128xf32, #tpu.memory_space<vmem_shared>>) target_semaphore(%run_scoped3A : memref<!tpu.dma_semaphore, #tpu.memory_space<semaphore_mem>>)
      %dma_wait3A_41 = arith.constant 0 : i32
      %dma_wait3A_42 = tpu.memref_slice %arg7[%mul3A_4, %dma_wait3A_41] : memref<10240x128xf32, #tpu.memory_space<vmem_shared>> -> memref<640x128xf32, #tpu.memory_space<vmem_shared>>
      %dma_wait3A_43 = arith.constant 0 : i32
      %dma_wait3A_44 = tpu.memref_slice %arg2[%mul3A_2, %dma_wait3A_43] : memref<10240x128xf32, #tpu.memory_space<hbm>> -> memref<640x128xf32, #tpu.memory_space<hbm>>
      tpu.wait_dma2 semaphore(%run_scoped3A : memref<!tpu.dma_semaphore, #tpu.memory_space<semaphore_mem>>) src(%dma_wait3A_44 : memref<640x128xf32, #tpu.memory_space<hbm>>) dst(%dma_wait3A_42 : memref<640x128xf32, #tpu.memory_space<vmem_shared>>)
      tpu.yield
    }) : () -> ()
    "tpu.region"() ({
      %run_scoped3A = tpu.sem_alloc : memref<!tpu.dma_semaphore, #tpu.memory_space<semaphore_mem>>
      %dma_start3A = arith.constant 0 : i32
      %dma_start3A_38 = arith.constant 0 : i32
      %dma_start3A_39 = tpu.memref_slice %arg3[%add3A, %dma_start3A, %dma_start3A_38] : memref<32x20x128xi32, #tpu.memory_space<hbm>> -> memref<1x20x128xi32, #tpu.memory_space<hbm>>
      %dma_start3A_40 = tpu.memref_squeeze %dma_start3A_39 : memref<1x20x128xi32, #tpu.memory_space<hbm>> -> memref<20x128xi32, #tpu.memory_space<hbm>>
      %dma_start3A_41 = arith.constant 0 : i32
      %dma_start3A_42 = arith.constant 0 : i32
      %dma_start3A_43 = tpu.memref_slice %arg3[%add3A, %dma_start3A_41, %dma_start3A_42] : memref<32x20x128xi32, #tpu.memory_space<hbm>> -> memref<1x20x128xi32, #tpu.memory_space<hbm>>
      %dma_start3A_44 = tpu.memref_squeeze %dma_start3A_43 : memref<1x20x128xi32, #tpu.memory_space<hbm>> -> memref<20x128xi32, #tpu.memory_space<hbm>>
      tpu.enqueue_dma source(%dma_start3A_44 : memref<20x128xi32, #tpu.memory_space<hbm>>) target(%arg5 : memref<20x128xi32, #tpu.memory_space<vmem>>) target_semaphore(%run_scoped3A : memref<!tpu.dma_semaphore, #tpu.memory_space<semaphore_mem>>)
      %dma_wait3A_45 = arith.constant 0 : i32
      %dma_wait3A_46 = arith.constant 0 : i32
      %dma_wait3A_47 = tpu.memref_slice %arg3[%add3A, %dma_wait3A_45, %dma_wait3A_46] : memref<32x20x128xi32, #tpu.memory_space<hbm>> -> memref<1x20x128xi32, #tpu.memory_space<hbm>>
      %dma_wait3A_48 = tpu.memref_squeeze %dma_wait3A_47 : memref<1x20x128xi32, #tpu.memory_space<hbm>> -> memref<20x128xi32, #tpu.memory_space<hbm>>
      %dma_wait3A_49 = arith.constant 0 : i32
      %dma_wait3A_50 = arith.constant 0 : i32
      %dma_wait3A_51 = tpu.memref_slice %arg3[%add3A, %dma_wait3A_49, %dma_wait3A_50] : memref<32x20x128xi32, #tpu.memory_space<hbm>> -> memref<1x20x128xi32, #tpu.memory_space<hbm>>
      %dma_wait3A_52 = tpu.memref_squeeze %dma_wait3A_51 : memref<1x20x128xi32, #tpu.memory_space<hbm>> -> memref<20x128xi32, #tpu.memory_space<hbm>>
      tpu.wait_dma2 semaphore(%run_scoped3A : memref<!tpu.dma_semaphore, #tpu.memory_space<semaphore_mem>>) src(%dma_wait3A_52 : memref<20x128xi32, #tpu.memory_space<hbm>>) dst(%arg5 : memref<20x128xi32, #tpu.memory_space<vmem>>)
      tpu.yield
    }) : () -> ()
    %barrier3A = arith.constant 0 : index
    tpu.barrier barrier_id(%barrier3A)
    %scan3A = arith.constant 0 : i32
    %scan3A_5 = arith.constant 10 : i32
    %scan3A_6 = arith.addi %scan3A, %scan3A_5 : i32
    %scan3A_7 = arith.constant 1 : i32
    scf.for %scan3A_38 = %scan3A to %scan3A_6 step %scan3A_7  : i32 {
      %mul3A_39 = arith.constant 1 : i32
      %mul3A_40 = arith.muli %scan3A_38, %mul3A_39 : i32
      %add3A_41 = arith.constant 0 : i32
      %add3A_42 = arith.addi %add3A_41, %mul3A_40 : i32
      %mul3A_43 = arith.constant 2 : i32
      %mul3A_44 = arith.muli %add3A_42, %mul3A_43 : i32
      %add3A_45 = arith.constant 0 : i32
      %add3A_46 = arith.addi %mul3A_44, %add3A_45 : i32
      %gt3A = arith.constant 0 : i32
      %gt3A_47 = arith.cmpi sgt, %add3A_42, %gt3A : i32
      %convert_element_type3A = arith.extui %gt3A_47 : i1 to i32
      %cond3A = arith.constant 0 : i32
      %cond3A_48 = arith.cmpi ne, %convert_element_type3A, %cond3A : i32
      scf.if %cond3A_48 {
        %dma_wait3A_153 = arith.constant 0 : i32
        %dma_wait3A_154 = arith.constant 0 : i32
        %dma_wait3A_155 = arith.constant 0 : i32
        %dma_wait3A_156 = tpu.memref_slice %arg6[%dma_wait3A_153, %dma_wait3A_154, %dma_wait3A_155] : memref<2x128x128xf32, #tpu.memory_space<vmem>> -> memref<1x128x128xf32, #tpu.memory_space<vmem>>
        %dma_wait3A_157 = tpu.memref_squeeze %dma_wait3A_156 : memref<1x128x128xf32, #tpu.memory_space<vmem>> -> memref<128x128xf32, #tpu.memory_space<vmem>>
        %dma_wait3A_158 = arith.constant 0 : i32
        %dma_wait3A_159 = arith.constant 0 : i32
        %dma_wait3A_160 = tpu.memref_slice %arg4[%dma_wait3A_158, %dma_wait3A_159] : memref<81920x128xf32, #tpu.memory_space<hbm>> -> memref<128x128xf32, #tpu.memory_space<hbm>>
        %dma_wait3A_161 = arith.constant 0 : i32
        %dma_wait3A_162 = arith.constant 0 : i32
        %dma_wait3A_163 = tpu.memref_slice %arg4[%dma_wait3A_161, %dma_wait3A_162] : memref<81920x128xf32, #tpu.memory_space<hbm>> -> memref<128x128xf32, #tpu.memory_space<hbm>>
        %dma_wait3A_164 = arith.constant 0 : i32
        %dma_wait3A_165 = arith.constant 0 : i32
        %dma_wait3A_166 = tpu.memref_slice %arg6[%dma_wait3A_153, %dma_wait3A_164, %dma_wait3A_165] : memref<2x128x128xf32, #tpu.memory_space<vmem>> -> memref<1x128x128xf32, #tpu.memory_space<vmem>>
        %dma_wait3A_167 = tpu.memref_squeeze %dma_wait3A_166 : memref<1x128x128xf32, #tpu.memory_space<vmem>> -> memref<128x128xf32, #tpu.memory_space<vmem>>
        tpu.wait_dma2 semaphore(%arg10 : memref<!tpu.dma_semaphore, #tpu.memory_space<semaphore_mem>>) src(%dma_wait3A_167 : memref<128x128xf32, #tpu.memory_space<vmem>>) dst(%dma_wait3A_163 : memref<128x128xf32, #tpu.memory_space<hbm>>)
      } else {
      }
      %dma_start3A = arith.constant 0 : i32
      %dma_start3A_49 = arith.constant 0 : i32
      %dma_start3A_50 = arith.constant 0 : i32
      %dma_start3A_51 = tpu.memref_slice %arg6[%dma_start3A, %dma_start3A_49, %dma_start3A_50] : memref<2x128x128xf32, #tpu.memory_space<vmem>> -> memref<1x128x128xf32, #tpu.memory_space<vmem>>
      %dma_start3A_52 = tpu.memref_squeeze %dma_start3A_51 : memref<1x128x128xf32, #tpu.memory_space<vmem>> -> memref<128x128xf32, #tpu.memory_space<vmem>>
      %dma_start3A_53 = arith.constant 0 : i32
      %dma_start3A_54 = tpu.memref_slice %arg5[%add3A_46, %dma_start3A_53] : memref<20x128xi32, #tpu.memory_space<vmem>> -> memref<1x128xi32, #tpu.memory_space<vmem>>
      %dma_start3A_55 = tpu.memref_squeeze %dma_start3A_54 : memref<1x128xi32, #tpu.memory_space<vmem>> -> memref<128xi32, #tpu.memory_space<vmem>>
      %dma_start3A_56 = arith.constant 0 : i32
      %dma_start3A_57 = arith.constant 0 : i32
      %dma_start3A_58 = tpu.memref_slice %arg7[%dma_start3A_56, %dma_start3A_57] : memref<10240x128xf32, #tpu.memory_space<vmem_shared>> -> memref<10240x128xf32, #tpu.memory_space<vmem_shared>>
      tpu.enqueue_indirect_dma source(%dma_start3A_58 : memref<10240x128xf32, #tpu.memory_space<vmem_shared>>) target(%dma_start3A_52 : memref<128x128xf32, #tpu.memory_space<vmem>>) offsets(%dma_start3A_55 : memref<128xi32, #tpu.memory_space<vmem>>) semaphore(%arg8 : memref<!tpu.dma_semaphore, #tpu.memory_space<semaphore_mem>>)
      %mul3A_59 = arith.constant 2 : i32
      %mul3A_60 = arith.muli %add3A_42, %mul3A_59 : i32
      %add3A_61 = arith.constant 1 : i32
      %add3A_62 = arith.addi %mul3A_60, %add3A_61 : i32
      %gt3A_63 = arith.constant 0 : i32
      %gt3A_64 = arith.cmpi sgt, %add3A_42, %gt3A_63 : i32
      %convert_element_type3A_65 = arith.extui %gt3A_64 : i1 to i32
      %cond3A_66 = arith.constant 0 : i32
      %cond3A_67 = arith.cmpi ne, %convert_element_type3A_65, %cond3A_66 : i32
      scf.if %cond3A_67 {
        %dma_wait3A_153 = arith.constant 1 : i32
        %dma_wait3A_154 = arith.constant 0 : i32
        %dma_wait3A_155 = arith.constant 0 : i32
        %dma_wait3A_156 = tpu.memref_slice %arg6[%dma_wait3A_153, %dma_wait3A_154, %dma_wait3A_155] : memref<2x128x128xf32, #tpu.memory_space<vmem>> -> memref<1x128x128xf32, #tpu.memory_space<vmem>>
        %dma_wait3A_157 = tpu.memref_squeeze %dma_wait3A_156 : memref<1x128x128xf32, #tpu.memory_space<vmem>> -> memref<128x128xf32, #tpu.memory_space<vmem>>
        %dma_wait3A_158 = arith.constant 0 : i32
        %dma_wait3A_159 = arith.constant 0 : i32
        %dma_wait3A_160 = tpu.memref_slice %arg4[%dma_wait3A_158, %dma_wait3A_159] : memref<81920x128xf32, #tpu.memory_space<hbm>> -> memref<128x128xf32, #tpu.memory_space<hbm>>
        %dma_wait3A_161 = arith.constant 0 : i32
        %dma_wait3A_162 = arith.constant 0 : i32
        %dma_wait3A_163 = tpu.memref_slice %arg4[%dma_wait3A_161, %dma_wait3A_162] : memref<81920x128xf32, #tpu.memory_space<hbm>> -> memref<128x128xf32, #tpu.memory_space<hbm>>
        %dma_wait3A_164 = arith.constant 0 : i32
        %dma_wait3A_165 = arith.constant 0 : i32
        %dma_wait3A_166 = tpu.memref_slice %arg6[%dma_wait3A_153, %dma_wait3A_164, %dma_wait3A_165] : memref<2x128x128xf32, #tpu.memory_space<vmem>> -> memref<1x128x128xf32, #tpu.memory_space<vmem>>
        %dma_wait3A_167 = tpu.memref_squeeze %dma_wait3A_166 : memref<1x128x128xf32, #tpu.memory_space<vmem>> -> memref<128x128xf32, #tpu.memory_space<vmem>>
        tpu.wait_dma2 semaphore(%arg11 : memref<!tpu.dma_semaphore, #tpu.memory_space<semaphore_mem>>) src(%dma_wait3A_167 : memref<128x128xf32, #tpu.memory_space<vmem>>) dst(%dma_wait3A_163 : memref<128x128xf32, #tpu.memory_space<hbm>>)
      } else {
      }
      %dma_start3A_68 = arith.constant 1 : i32
      %dma_start3A_69 = arith.constant 0 : i32
      %dma_start3A_70 = arith.constant 0 : i32
      %dma_start3A_71 = tpu.memref_slice %arg6[%dma_start3A_68, %dma_start3A_69, %dma_start3A_70] : memref<2x128x128xf32, #tpu.memory_space<vmem>> -> memref<1x128x128xf32, #tpu.memory_space<vmem>>
      %dma_start3A_72 = tpu.memref_squeeze %dma_start3A_71 : memref<1x128x128xf32, #tpu.memory_space<vmem>> -> memref<128x128xf32, #tpu.memory_space<vmem>>
      %dma_start3A_73 = arith.constant 0 : i32
      %dma_start3A_74 = tpu.memref_slice %arg5[%add3A_62, %dma_start3A_73] : memref<20x128xi32, #tpu.memory_space<vmem>> -> memref<1x128xi32, #tpu.memory_space<vmem>>
      %dma_start3A_75 = tpu.memref_squeeze %dma_start3A_74 : memref<1x128xi32, #tpu.memory_space<vmem>> -> memref<128xi32, #tpu.memory_space<vmem>>
      %dma_start3A_76 = arith.constant 0 : i32
      %dma_start3A_77 = arith.constant 0 : i32
      %dma_start3A_78 = tpu.memref_slice %arg7[%dma_start3A_76, %dma_start3A_77] : memref<10240x128xf32, #tpu.memory_space<vmem_shared>> -> memref<10240x128xf32, #tpu.memory_space<vmem_shared>>
      tpu.enqueue_indirect_dma source(%dma_start3A_78 : memref<10240x128xf32, #tpu.memory_space<vmem_shared>>) target(%dma_start3A_72 : memref<128x128xf32, #tpu.memory_space<vmem>>) offsets(%dma_start3A_75 : memref<128xi32, #tpu.memory_space<vmem>>) semaphore(%arg9 : memref<!tpu.dma_semaphore, #tpu.memory_space<semaphore_mem>>)
      %mul3A_79 = arith.constant 2 : i32
      %mul3A_80 = arith.muli %add3A_42, %mul3A_79 : i32
      %add3A_81 = arith.constant 0 : i32
      %add3A_82 = arith.addi %mul3A_80, %add3A_81 : i32
      %dma_wait3A_83 = arith.constant 0 : i32
      %dma_wait3A_84 = arith.constant 0 : i32
      %dma_wait3A_85 = arith.constant 0 : i32
      %dma_wait3A_86 = tpu.memref_slice %arg6[%dma_wait3A_83, %dma_wait3A_84, %dma_wait3A_85] : memref<2x128x128xf32, #tpu.memory_space<vmem>> -> memref<1x128x128xf32, #tpu.memory_space<vmem>>
      %dma_wait3A_87 = tpu.memref_squeeze %dma_wait3A_86 : memref<1x128x128xf32, #tpu.memory_space<vmem>> -> memref<128x128xf32, #tpu.memory_space<vmem>>
      %dma_wait3A_88 = arith.constant 0 : i32
      %dma_wait3A_89 = arith.constant 0 : i32
      %dma_wait3A_90 = tpu.memref_slice %arg2[%dma_wait3A_88, %dma_wait3A_89] : memref<10240x128xf32, #tpu.memory_space<hbm>> -> memref<128x128xf32, #tpu.memory_space<hbm>>
      %dma_wait3A_91 = arith.constant 0 : i32
      %dma_wait3A_92 = arith.constant 0 : i32
      %dma_wait3A_93 = tpu.memref_slice %arg6[%dma_wait3A_83, %dma_wait3A_91, %dma_wait3A_92] : memref<2x128x128xf32, #tpu.memory_space<vmem>> -> memref<1x128x128xf32, #tpu.memory_space<vmem>>
      %dma_wait3A_94 = tpu.memref_squeeze %dma_wait3A_93 : memref<1x128x128xf32, #tpu.memory_space<vmem>> -> memref<128x128xf32, #tpu.memory_space<vmem>>
      %dma_wait3A_95 = arith.constant 0 : i32
      %dma_wait3A_96 = arith.constant 0 : i32
      %dma_wait3A_97 = tpu.memref_slice %arg2[%dma_wait3A_95, %dma_wait3A_96] : memref<10240x128xf32, #tpu.memory_space<hbm>> -> memref<128x128xf32, #tpu.memory_space<hbm>>
      tpu.wait_dma2 semaphore(%arg8 : memref<!tpu.dma_semaphore, #tpu.memory_space<semaphore_mem>>) src(%dma_wait3A_97 : memref<128x128xf32, #tpu.memory_space<hbm>>) dst(%dma_wait3A_94 : memref<128x128xf32, #tpu.memory_space<vmem>>)
      %mul3A_98 = arith.constant 20 : i32
      %mul3A_99 = arith.muli %add3A, %mul3A_98 : i32
      %add3A_100 = arith.addi %mul3A_99, %add3A_82 : i32
      %mul3A_101 = arith.constant 128 : i32
      %mul3A_102 = arith.muli %add3A_100, %mul3A_101 : i32
      %dma_start3A_103 = arith.constant 0 : i32
      %dma_start3A_104 = arith.constant 0 : i32
      %dma_start3A_105 = arith.constant 0 : i32
      %dma_start3A_106 = tpu.memref_slice %arg6[%dma_start3A_103, %dma_start3A_104, %dma_start3A_105] : memref<2x128x128xf32, #tpu.memory_space<vmem>> -> memref<1x128x128xf32, #tpu.memory_space<vmem>>
      %dma_start3A_107 = tpu.memref_squeeze %dma_start3A_106 : memref<1x128x128xf32, #tpu.memory_space<vmem>> -> memref<128x128xf32, #tpu.memory_space<vmem>>
      %dma_start3A_108 = arith.constant 0 : i32
      %dma_start3A_109 = tpu.memref_slice %arg4[%mul3A_102, %dma_start3A_108] : memref<81920x128xf32, #tpu.memory_space<hbm>> -> memref<128x128xf32, #tpu.memory_space<hbm>>
      %dma_start3A_110 = arith.constant 0 : i32
      %dma_start3A_111 = tpu.memref_slice %arg4[%mul3A_102, %dma_start3A_110] : memref<81920x128xf32, #tpu.memory_space<hbm>> -> memref<128x128xf32, #tpu.memory_space<hbm>>
      %dma_start3A_112 = arith.constant 0 : i32
      %dma_start3A_113 = arith.constant 0 : i32
      %dma_start3A_114 = tpu.memref_slice %arg6[%dma_start3A_103, %dma_start3A_112, %dma_start3A_113] : memref<2x128x128xf32, #tpu.memory_space<vmem>> -> memref<1x128x128xf32, #tpu.memory_space<vmem>>
      %dma_start3A_115 = tpu.memref_squeeze %dma_start3A_114 : memref<1x128x128xf32, #tpu.memory_space<vmem>> -> memref<128x128xf32, #tpu.memory_space<vmem>>
      tpu.enqueue_dma source(%dma_start3A_115 : memref<128x128xf32, #tpu.memory_space<vmem>>) target(%dma_start3A_111 : memref<128x128xf32, #tpu.memory_space<hbm>>) target_semaphore(%arg10 : memref<!tpu.dma_semaphore, #tpu.memory_space<semaphore_mem>>)
      %mul3A_116 = arith.constant 2 : i32
      %mul3A_117 = arith.muli %add3A_42, %mul3A_116 : i32
      %add3A_118 = arith.constant 1 : i32
      %add3A_119 = arith.addi %mul3A_117, %add3A_118 : i32
      %dma_wait3A_120 = arith.constant 1 : i32
      %dma_wait3A_121 = arith.constant 0 : i32
      %dma_wait3A_122 = arith.constant 0 : i32
      %dma_wait3A_123 = tpu.memref_slice %arg6[%dma_wait3A_120, %dma_wait3A_121, %dma_wait3A_122] : memref<2x128x128xf32, #tpu.memory_space<vmem>> -> memref<1x128x128xf32, #tpu.memory_space<vmem>>
      %dma_wait3A_124 = tpu.memref_squeeze %dma_wait3A_123 : memref<1x128x128xf32, #tpu.memory_space<vmem>> -> memref<128x128xf32, #tpu.memory_space<vmem>>
      %dma_wait3A_125 = arith.constant 0 : i32
      %dma_wait3A_126 = arith.constant 0 : i32
      %dma_wait3A_127 = tpu.memref_slice %arg2[%dma_wait3A_125, %dma_wait3A_126] : memref<10240x128xf32, #tpu.memory_space<hbm>> -> memref<128x128xf32, #tpu.memory_space<hbm>>
      %dma_wait3A_128 = arith.constant 0 : i32
      %dma_wait3A_129 = arith.constant 0 : i32
      %dma_wait3A_130 = tpu.memref_slice %arg6[%dma_wait3A_120, %dma_wait3A_128, %dma_wait3A_129] : memref<2x128x128xf32, #tpu.memory_space<vmem>> -> memref<1x128x128xf32, #tpu.memory_space<vmem>>
      %dma_wait3A_131 = tpu.memref_squeeze %dma_wait3A_130 : memref<1x128x128xf32, #tpu.memory_space<vmem>> -> memref<128x128xf32, #tpu.memory_space<vmem>>
      %dma_wait3A_132 = arith.constant 0 : i32
      %dma_wait3A_133 = arith.constant 0 : i32
      %dma_wait3A_134 = tpu.memref_slice %arg2[%dma_wait3A_132, %dma_wait3A_133] : memref<10240x128xf32, #tpu.memory_space<hbm>> -> memref<128x128xf32, #tpu.memory_space<hbm>>
      tpu.wait_dma2 semaphore(%arg9 : memref<!tpu.dma_semaphore, #tpu.memory_space<semaphore_mem>>) src(%dma_wait3A_134 : memref<128x128xf32, #tpu.memory_space<hbm>>) dst(%dma_wait3A_131 : memref<128x128xf32, #tpu.memory_space<vmem>>)
      %mul3A_135 = arith.constant 20 : i32
      %mul3A_136 = arith.muli %add3A, %mul3A_135 : i32
      %add3A_137 = arith.addi %mul3A_136, %add3A_119 : i32
      %mul3A_138 = arith.constant 128 : i32
      %mul3A_139 = arith.muli %add3A_137, %mul3A_138 : i32
      %dma_start3A_140 = arith.constant 1 : i32
      %dma_start3A_141 = arith.constant 0 : i32
      %dma_start3A_142 = arith.constant 0 : i32
      %dma_start3A_143 = tpu.memref_slice %arg6[%dma_start3A_140, %dma_start3A_141, %dma_start3A_142] : memref<2x128x128xf32, #tpu.memory_space<vmem>> -> memref<1x128x128xf32, #tpu.memory_space<vmem>>
      %dma_start3A_144 = tpu.memref_squeeze %dma_start3A_143 : memref<1x128x128xf32, #tpu.memory_space<vmem>> -> memref<128x128xf32, #tpu.memory_space<vmem>>
      %dma_start3A_145 = arith.constant 0 : i32
      %dma_start3A_146 = tpu.memref_slice %arg4[%mul3A_139, %dma_start3A_145] : memref<81920x128xf32, #tpu.memory_space<hbm>> -> memref<128x128xf32, #tpu.memory_space<hbm>>
      %dma_start3A_147 = arith.constant 0 : i32
      %dma_start3A_148 = tpu.memref_slice %arg4[%mul3A_139, %dma_start3A_147] : memref<81920x128xf32, #tpu.memory_space<hbm>> -> memref<128x128xf32, #tpu.memory_space<hbm>>
      %dma_start3A_149 = arith.constant 0 : i32
      %dma_start3A_150 = arith.constant 0 : i32
      %dma_start3A_151 = tpu.memref_slice %arg6[%dma_start3A_140, %dma_start3A_149, %dma_start3A_150] : memref<2x128x128xf32, #tpu.memory_space<vmem>> -> memref<1x128x128xf32, #tpu.memory_space<vmem>>
      %dma_start3A_152 = tpu.memref_squeeze %dma_start3A_151 : memref<1x128x128xf32, #tpu.memory_space<vmem>> -> memref<128x128xf32, #tpu.memory_space<vmem>>
      tpu.enqueue_dma source(%dma_start3A_152 : memref<128x128xf32, #tpu.memory_space<vmem>>) target(%dma_start3A_148 : memref<128x128xf32, #tpu.memory_space<hbm>>) target_semaphore(%arg11 : memref<!tpu.dma_semaphore, #tpu.memory_space<semaphore_mem>>)
    }
    %scan3A_8 = arith.constant 10 : i32
    %dma_wait3A = arith.constant 0 : i32
    %dma_wait3A_9 = arith.constant 0 : i32
    %dma_wait3A_10 = arith.constant 0 : i32
    %dma_wait3A_11 = tpu.memref_slice %arg6[%dma_wait3A, %dma_wait3A_9, %dma_wait3A_10] : memref<2x128x128xf32, #tpu.memory_space<vmem>> -> memref<1x128x128xf32, #tpu.memory_space<vmem>>
    %dma_wait3A_12 = tpu.memref_squeeze %dma_wait3A_11 : memref<1x128x128xf32, #tpu.memory_space<vmem>> -> memref<128x128xf32, #tpu.memory_space<vmem>>
    %dma_wait3A_13 = arith.constant 0 : i32
    %dma_wait3A_14 = arith.constant 0 : i32
    %dma_wait3A_15 = tpu.memref_slice %arg4[%dma_wait3A_13, %dma_wait3A_14] : memref<81920x128xf32, #tpu.memory_space<hbm>> -> memref<128x128xf32, #tpu.memory_space<hbm>>
    %dma_wait3A_16 = arith.constant 0 : i32
    %dma_wait3A_17 = arith.constant 0 : i32
    %dma_wait3A_18 = tpu.memref_slice %arg4[%dma_wait3A_16, %dma_wait3A_17] : memref<81920x128xf32, #tpu.memory_space<hbm>> -> memref<128x128xf32, #tpu.memory_space<hbm>>
    %dma_wait3A_19 = arith.constant 0 : i32
    %dma_wait3A_20 = arith.constant 0 : i32
    %dma_wait3A_21 = tpu.memref_slice %arg6[%dma_wait3A, %dma_wait3A_19, %dma_wait3A_20] : memref<2x128x128xf32, #tpu.memory_space<vmem>> -> memref<1x128x128xf32, #tpu.memory_space<vmem>>
    %dma_wait3A_22 = tpu.memref_squeeze %dma_wait3A_21 : memref<1x128x128xf32, #tpu.memory_space<vmem>> -> memref<128x128xf32, #tpu.memory_space<vmem>>
    tpu.wait_dma2 semaphore(%arg10 : memref<!tpu.dma_semaphore, #tpu.memory_space<semaphore_mem>>) src(%dma_wait3A_22 : memref<128x128xf32, #tpu.memory_space<vmem>>) dst(%dma_wait3A_18 : memref<128x128xf32, #tpu.memory_space<hbm>>)
    %dma_wait3A_23 = arith.constant 1 : i32
    %dma_wait3A_24 = arith.constant 0 : i32
    %dma_wait3A_25 = arith.constant 0 : i32
    %dma_wait3A_26 = tpu.memref_slice %arg6[%dma_wait3A_23, %dma_wait3A_24, %dma_wait3A_25] : memref<2x128x128xf32, #tpu.memory_space<vmem>> -> memref<1x128x128xf32, #tpu.memory_space<vmem>>
    %dma_wait3A_27 = tpu.memref_squeeze %dma_wait3A_26 : memref<1x128x128xf32, #tpu.memory_space<vmem>> -> memref<128x128xf32, #tpu.memory_space<vmem>>
    %dma_wait3A_28 = arith.constant 0 : i32
    %dma_wait3A_29 = arith.constant 0 : i32
    %dma_wait3A_30 = tpu.memref_slice %arg4[%dma_wait3A_28, %dma_wait3A_29] : memref<81920x128xf32, #tpu.memory_space<hbm>> -> memref<128x128xf32, #tpu.memory_space<hbm>>
    %dma_wait3A_31 = arith.constant 0 : i32
    %dma_wait3A_32 = arith.constant 0 : i32
    %dma_wait3A_33 = tpu.memref_slice %arg4[%dma_wait3A_31, %dma_wait3A_32] : memref<81920x128xf32, #tpu.memory_space<hbm>> -> memref<128x128xf32, #tpu.memory_space<hbm>>
    %dma_wait3A_34 = arith.constant 0 : i32
    %dma_wait3A_35 = arith.constant 0 : i32
    %dma_wait3A_36 = tpu.memref_slice %arg6[%dma_wait3A_23, %dma_wait3A_34, %dma_wait3A_35] : memref<2x128x128xf32, #tpu.memory_space<vmem>> -> memref<1x128x128xf32, #tpu.memory_space<vmem>>
    %dma_wait3A_37 = tpu.memref_squeeze %dma_wait3A_36 : memref<1x128x128xf32, #tpu.memory_space<vmem>> -> memref<128x128xf32, #tpu.memory_space<vmem>>
    tpu.wait_dma2 semaphore(%arg11 : memref<!tpu.dma_semaphore, #tpu.memory_space<semaphore_mem>>) src(%dma_wait3A_37 : memref<128x128xf32, #tpu.memory_space<vmem>>) dst(%dma_wait3A_33 : memref<128x128xf32, #tpu.memory_space<hbm>>)
    return
  }
}

#map = affine_map<(d0, d1) -> (0, 0)>
#map1 = affine_map<(d0, d1) -> (0, 0, 0)>
module attributes {stable_mosaic.version = 14 : i64} {
  func.func @gather_kernel(%arg0: i32, %arg1: i32, %arg2: memref<10240x128xf32, #tpu.memory_space<hbm>>, %arg3: memref<32x20x128xi32, #tpu.memory_space<hbm>>, %arg4: memref<81920x128xf32, #tpu.memory_space<hbm>>, %arg5: memref<20x128xi32, #tpu.memory_space<vmem>>, %arg6: memref<2x128x128xf32, #tpu.memory_space<vmem>>, %arg7: memref<10240x128xf32, #tpu.memory_space<vmem_shared>>, %arg8: memref<!tpu.dma_semaphore, #tpu.memory_space<semaphore_mem>>, %arg9: memref<!tpu.dma_semaphore, #tpu.memory_space<semaphore_mem>>, %arg10: memref<!tpu.dma_semaphore, #tpu.memory_space<semaphore_mem>>, %arg11: memref<!tpu.dma_semaphore, #tpu.memory_space<semaphore_mem>>) attributes {dimension_semantics = [#tpu.dimension_semantics<core_parallel>, #tpu.dimension_semantics<subcore_parallel>], iteration_bounds = array<i64: 2, 16>, scalar_prefetch = 0 : i64, scratch_operands = 7 : i64, tpu.core_type = #tpu.core_type<sc_vector_subcore>, window_params = [{transform_indices = #map}, {transform_indices = #map1}, {transform_indices = #map}]} {
    %mul3A = arith.constant 2 : i32
    %mul3A_0 = arith.muli %arg1, %mul3A : i32
    %add3A = arith.addi %mul3A_0, %arg0 : i32
    %mul3A_1 = arith.constant 640 : i32
    %mul3A_2 = arith.muli %arg1, %mul3A_1 : i32
    %mul3A_3 = arith.constant 640 : i32
    %mul3A_4 = arith.muli %arg1, %mul3A_3 : i32
    "tpu.region"() ({
      %run_scoped3A = tpu.sem_alloc : memref<!tpu.dma_semaphore, #tpu.memory_space<semaphore_mem>>
      %dma_start3A = arith.constant 0 : i32
      %dma_start3A_38 = tpu.memref_slice %arg7[%mul3A_4, %dma_start3A] : memref<10240x128xf32, #tpu.memory_space<vmem_shared>> -> memref<640x128xf32, #tpu.memory_space<vmem_shared>>
      %dma_start3A_39 = arith.constant 0 : i32
      %dma_start3A_40 = tpu.memref_slice %arg2[%mul3A_2, %dma_start3A_39] : memref<10240x128xf32, #tpu.memory_space<hbm>> -> memref<640x128xf32, #tpu.memory_space<hbm>>
      tpu.enqueue_dma source(%dma_start3A_40 : memref<640x128xf32, #tpu.memory_space<hbm>>) target(%dma_start3A_38 : memref<640x128xf32, #tpu.memory_space<vmem_shared>>) target_semaphore(%run_scoped3A : memref<!tpu.dma_semaphore, #tpu.memory_space<semaphore_mem>>)
      %dma_wait3A_41 = arith.constant 0 : i32
      %dma_wait3A_42 = tpu.memref_slice %arg7[%mul3A_4, %dma_wait3A_41] : memref<10240x128xf32, #tpu.memory_space<vmem_shared>> -> memref<640x128xf32, #tpu.memory_space<vmem_shared>>
      %dma_wait3A_43 = arith.constant 0 : i32
      %dma_wait3A_44 = tpu.memref_slice %arg2[%mul3A_2, %dma_wait3A_43] : memref<10240x128xf32, #tpu.memory_space<hbm>> -> memref<640x128xf32, #tpu.memory_space<hbm>>
      tpu.wait_dma2 semaphore(%run_scoped3A : memref<!tpu.dma_semaphore, #tpu.memory_space<semaphore_mem>>) src(%dma_wait3A_44 : memref<640x128xf32, #tpu.memory_space<hbm>>) dst(%dma_wait3A_42 : memref<640x128xf32, #tpu.memory_space<vmem_shared>>)
      tpu.yield
    }) : () -> ()
    "tpu.region"() ({
      %run_scoped3A = tpu.sem_alloc : memref<!tpu.dma_semaphore, #tpu.memory_space<semaphore_mem>>
      %dma_start3A = arith.constant 0 : i32
      %dma_start3A_38 = arith.constant 0 : i32
      %dma_start3A_39 = tpu.memref_slice %arg3[%add3A, %dma_start3A, %dma_start3A_38] : memref<32x20x128xi32, #tpu.memory_space<hbm>> -> memref<1x20x128xi32, #tpu.memory_space<hbm>>
      %dma_start3A_40 = tpu.memref_squeeze %dma_start3A_39 : memref<1x20x128xi32, #tpu.memory_space<hbm>> -> memref<20x128xi32, #tpu.memory_space<hbm>>
      %dma_start3A_41 = arith.constant 0 : i32
      %dma_start3A_42 = arith.constant 0 : i32
      %dma_start3A_43 = tpu.memref_slice %arg3[%add3A, %dma_start3A_41, %dma_start3A_42] : memref<32x20x128xi32, #tpu.memory_space<hbm>> -> memref<1x20x128xi32, #tpu.memory_space<hbm>>
      %dma_start3A_44 = tpu.memref_squeeze %dma_start3A_43 : memref<1x20x128xi32, #tpu.memory_space<hbm>> -> memref<20x128xi32, #tpu.memory_space<hbm>>
      tpu.enqueue_dma source(%dma_start3A_44 : memref<20x128xi32, #tpu.memory_space<hbm>>) target(%arg5 : memref<20x128xi32, #tpu.memory_space<vmem>>) target_semaphore(%run_scoped3A : memref<!tpu.dma_semaphore, #tpu.memory_space<semaphore_mem>>)
      %dma_wait3A_45 = arith.constant 0 : i32
      %dma_wait3A_46 = arith.constant 0 : i32
      %dma_wait3A_47 = tpu.memref_slice %arg3[%add3A, %dma_wait3A_45, %dma_wait3A_46] : memref<32x20x128xi32, #tpu.memory_space<hbm>> -> memref<1x20x128xi32, #tpu.memory_space<hbm>>
      %dma_wait3A_48 = tpu.memref_squeeze %dma_wait3A_47 : memref<1x20x128xi32, #tpu.memory_space<hbm>> -> memref<20x128xi32, #tpu.memory_space<hbm>>
      %dma_wait3A_49 = arith.constant 0 : i32
      %dma_wait3A_50 = arith.constant 0 : i32
      %dma_wait3A_51 = tpu.memref_slice %arg3[%add3A, %dma_wait3A_49, %dma_wait3A_50] : memref<32x20x128xi32, #tpu.memory_space<hbm>> -> memref<1x20x128xi32, #tpu.memory_space<hbm>>
      %dma_wait3A_52 = tpu.memref_squeeze %dma_wait3A_51 : memref<1x20x128xi32, #tpu.memory_space<hbm>> -> memref<20x128xi32, #tpu.memory_space<hbm>>
      tpu.wait_dma2 semaphore(%run_scoped3A : memref<!tpu.dma_semaphore, #tpu.memory_space<semaphore_mem>>) src(%dma_wait3A_52 : memref<20x128xi32, #tpu.memory_space<hbm>>) dst(%arg5 : memref<20x128xi32, #tpu.memory_space<vmem>>)
      tpu.yield
    }) : () -> ()
    %barrier3A = arith.constant 0 : index
    tpu.barrier barrier_id(%barrier3A)
    %scan3A = arith.constant 0 : i32
    %scan3A_5 = arith.constant 10 : i32
    %scan3A_6 = arith.addi %scan3A, %scan3A_5 : i32
    %scan3A_7 = arith.constant 1 : i32
    scf.for %scan3A_38 = %scan3A to %scan3A_6 step %scan3A_7  : i32 {
      %mul3A_39 = arith.constant 1 : i32
      %mul3A_40 = arith.muli %scan3A_38, %mul3A_39 : i32
      %add3A_41 = arith.constant 0 : i32
      %add3A_42 = arith.addi %add3A_41, %mul3A_40 : i32
      %mul3A_43 = arith.constant 2 : i32
      %mul3A_44 = arith.muli %add3A_42, %mul3A_43 : i32
      %add3A_45 = arith.constant 0 : i32
      %add3A_46 = arith.addi %mul3A_44, %add3A_45 : i32
      %gt3A = arith.constant 0 : i32
      %gt3A_47 = arith.cmpi sgt, %add3A_42, %gt3A : i32
      %convert_element_type3A = arith.extui %gt3A_47 : i1 to i32
      %cond3A = arith.constant 0 : i32
      %cond3A_48 = arith.cmpi ne, %convert_element_type3A, %cond3A : i32
      scf.if %cond3A_48 {
        %dma_wait3A_153 = arith.constant 0 : i32
        %dma_wait3A_154 = arith.constant 0 : i32
        %dma_wait3A_155 = arith.constant 0 : i32
        %dma_wait3A_156 = tpu.memref_slice %arg6[%dma_wait3A_153, %dma_wait3A_154, %dma_wait3A_155] : memref<2x128x128xf32, #tpu.memory_space<vmem>> -> memref<1x128x128xf32, #tpu.memory_space<vmem>>
        %dma_wait3A_157 = tpu.memref_squeeze %dma_wait3A_156 : memref<1x128x128xf32, #tpu.memory_space<vmem>> -> memref<128x128xf32, #tpu.memory_space<vmem>>
        %dma_wait3A_158 = arith.constant 0 : i32
        %dma_wait3A_159 = arith.constant 0 : i32
        %dma_wait3A_160 = tpu.memref_slice %arg4[%dma_wait3A_158, %dma_wait3A_159] : memref<81920x128xf32, #tpu.memory_space<hbm>> -> memref<128x128xf32, #tpu.memory_space<hbm>>
        %dma_wait3A_161 = arith.constant 0 : i32
        %dma_wait3A_162 = arith.constant 0 : i32
        %dma_wait3A_163 = tpu.memref_slice %arg4[%dma_wait3A_161, %dma_wait3A_162] : memref<81920x128xf32, #tpu.memory_space<hbm>> -> memref<128x128xf32, #tpu.memory_space<hbm>>
        %dma_wait3A_164 = arith.constant 0 : i32
        %dma_wait3A_165 = arith.constant 0 : i32
        %dma_wait3A_166 = tpu.memref_slice %arg6[%dma_wait3A_153, %dma_wait3A_164, %dma_wait3A_165] : memref<2x128x128xf32, #tpu.memory_space<vmem>> -> memref<1x128x128xf32, #tpu.memory_space<vmem>>
        %dma_wait3A_167 = tpu.memref_squeeze %dma_wait3A_166 : memref<1x128x128xf32, #tpu.memory_space<vmem>> -> memref<128x128xf32, #tpu.memory_space<vmem>>
        tpu.wait_dma2 semaphore(%arg10 : memref<!tpu.dma_semaphore, #tpu.memory_space<semaphore_mem>>) src(%dma_wait3A_167 : memref<128x128xf32, #tpu.memory_space<vmem>>) dst(%dma_wait3A_163 : memref<128x128xf32, #tpu.memory_space<hbm>>)
      } else {
      }
      %dma_start3A = arith.constant 0 : i32
      %dma_start3A_49 = arith.constant 0 : i32
      %dma_start3A_50 = arith.constant 0 : i32
      %dma_start3A_51 = tpu.memref_slice %arg6[%dma_start3A, %dma_start3A_49, %dma_start3A_50] : memref<2x128x128xf32, #tpu.memory_space<vmem>> -> memref<1x128x128xf32, #tpu.memory_space<vmem>>
      %dma_start3A_52 = tpu.memref_squeeze %dma_start3A_51 : memref<1x128x128xf32, #tpu.memory_space<vmem>> -> memref<128x128xf32, #tpu.memory_space<vmem>>
      %dma_start3A_53 = arith.constant 0 : i32
      %dma_start3A_54 = tpu.memref_slice %arg5[%add3A_46, %dma_start3A_53] : memref<20x128xi32, #tpu.memory_space<vmem>> -> memref<1x128xi32, #tpu.memory_space<vmem>>
      %dma_start3A_55 = tpu.memref_squeeze %dma_start3A_54 : memref<1x128xi32, #tpu.memory_space<vmem>> -> memref<128xi32, #tpu.memory_space<vmem>>
      %dma_start3A_56 = arith.constant 0 : i32
      %dma_start3A_57 = arith.constant 0 : i32
      %dma_start3A_58 = tpu.memref_slice %arg7[%dma_start3A_56, %dma_start3A_57] : memref<10240x128xf32, #tpu.memory_space<vmem_shared>> -> memref<10240x128xf32, #tpu.memory_space<vmem_shared>>
      tpu.enqueue_indirect_dma source(%dma_start3A_58 : memref<10240x128xf32, #tpu.memory_space<vmem_shared>>) target(%dma_start3A_52 : memref<128x128xf32, #tpu.memory_space<vmem>>) offsets(%dma_start3A_55 : memref<128xi32, #tpu.memory_space<vmem>>) semaphore(%arg8 : memref<!tpu.dma_semaphore, #tpu.memory_space<semaphore_mem>>)
      %mul3A_59 = arith.constant 2 : i32
      %mul3A_60 = arith.muli %add3A_42, %mul3A_59 : i32
      %add3A_61 = arith.constant 1 : i32
      %add3A_62 = arith.addi %mul3A_60, %add3A_61 : i32
      %gt3A_63 = arith.constant 0 : i32
      %gt3A_64 = arith.cmpi sgt, %add3A_42, %gt3A_63 : i32
      %convert_element_type3A_65 = arith.extui %gt3A_64 : i1 to i32
      %cond3A_66 = arith.constant 0 : i32
      %cond3A_67 = arith.cmpi ne, %convert_element_type3A_65, %cond3A_66 : i32
      scf.if %cond3A_67 {
        %dma_wait3A_153 = arith.constant 1 : i32
        %dma_wait3A_154 = arith.constant 0 : i32
        %dma_wait3A_155 = arith.constant 0 : i32
        %dma_wait3A_156 = tpu.memref_slice %arg6[%dma_wait3A_153, %dma_wait3A_154, %dma_wait3A_155] : memref<2x128x128xf32, #tpu.memory_space<vmem>> -> memref<1x128x128xf32, #tpu.memory_space<vmem>>
        %dma_wait3A_157 = tpu.memref_squeeze %dma_wait3A_156 : memref<1x128x128xf32, #tpu.memory_space<vmem>> -> memref<128x128xf32, #tpu.memory_space<vmem>>
        %dma_wait3A_158 = arith.constant 0 : i32
        %dma_wait3A_159 = arith.constant 0 : i32
        %dma_wait3A_160 = tpu.memref_slice %arg4[%dma_wait3A_158, %dma_wait3A_159] : memref<81920x128xf32, #tpu.memory_space<hbm>> -> memref<128x128xf32, #tpu.memory_space<hbm>>
        %dma_wait3A_161 = arith.constant 0 : i32
        %dma_wait3A_162 = arith.constant 0 : i32
        %dma_wait3A_163 = tpu.memref_slice %arg4[%dma_wait3A_161, %dma_wait3A_162] : memref<81920x128xf32, #tpu.memory_space<hbm>> -> memref<128x128xf32, #tpu.memory_space<hbm>>
        %dma_wait3A_164 = arith.constant 0 : i32
        %dma_wait3A_165 = arith.constant 0 : i32
        %dma_wait3A_166 = tpu.memref_slice %arg6[%dma_wait3A_153, %dma_wait3A_164, %dma_wait3A_165] : memref<2x128x128xf32, #tpu.memory_space<vmem>> -> memref<1x128x128xf32, #tpu.memory_space<vmem>>
        %dma_wait3A_167 = tpu.memref_squeeze %dma_wait3A_166 : memref<1x128x128xf32, #tpu.memory_space<vmem>> -> memref<128x128xf32, #tpu.memory_space<vmem>>
        tpu.wait_dma2 semaphore(%arg11 : memref<!tpu.dma_semaphore, #tpu.memory_space<semaphore_mem>>) src(%dma_wait3A_167 : memref<128x128xf32, #tpu.memory_space<vmem>>) dst(%dma_wait3A_163 : memref<128x128xf32, #tpu.memory_space<hbm>>)
      } else {
      }
      %dma_start3A_68 = arith.constant 1 : i32
      %dma_start3A_69 = arith.constant 0 : i32
      %dma_start3A_70 = arith.constant 0 : i32
      %dma_start3A_71 = tpu.memref_slice %arg6[%dma_start3A_68, %dma_start3A_69, %dma_start3A_70] : memref<2x128x128xf32, #tpu.memory_space<vmem>> -> memref<1x128x128xf32, #tpu.memory_space<vmem>>
      %dma_start3A_72 = tpu.memref_squeeze %dma_start3A_71 : memref<1x128x128xf32, #tpu.memory_space<vmem>> -> memref<128x128xf32, #tpu.memory_space<vmem>>
      %dma_start3A_73 = arith.constant 0 : i32
      %dma_start3A_74 = tpu.memref_slice %arg5[%add3A_62, %dma_start3A_73] : memref<20x128xi32, #tpu.memory_space<vmem>> -> memref<1x128xi32, #tpu.memory_space<vmem>>
      %dma_start3A_75 = tpu.memref_squeeze %dma_start3A_74 : memref<1x128xi32, #tpu.memory_space<vmem>> -> memref<128xi32, #tpu.memory_space<vmem>>
      %dma_start3A_76 = arith.constant 0 : i32
      %dma_start3A_77 = arith.constant 0 : i32
      %dma_start3A_78 = tpu.memref_slice %arg7[%dma_start3A_76, %dma_start3A_77] : memref<10240x128xf32, #tpu.memory_space<vmem_shared>> -> memref<10240x128xf32, #tpu.memory_space<vmem_shared>>
      tpu.enqueue_indirect_dma source(%dma_start3A_78 : memref<10240x128xf32, #tpu.memory_space<vmem_shared>>) target(%dma_start3A_72 : memref<128x128xf32, #tpu.memory_space<vmem>>) offsets(%dma_start3A_75 : memref<128xi32, #tpu.memory_space<vmem>>) semaphore(%arg9 : memref<!tpu.dma_semaphore, #tpu.memory_space<semaphore_mem>>)
      %mul3A_79 = arith.constant 2 : i32
      %mul3A_80 = arith.muli %add3A_42, %mul3A_79 : i32
      %add3A_81 = arith.constant 0 : i32
      %add3A_82 = arith.addi %mul3A_80, %add3A_81 : i32
      %dma_wait3A_83 = arith.constant 0 : i32
      %dma_wait3A_84 = arith.constant 0 : i32
      %dma_wait3A_85 = arith.constant 0 : i32
      %dma_wait3A_86 = tpu.memref_slice %arg6[%dma_wait3A_83, %dma_wait3A_84, %dma_wait3A_85] : memref<2x128x128xf32, #tpu.memory_space<vmem>> -> memref<1x128x128xf32, #tpu.memory_space<vmem>>
      %dma_wait3A_87 = tpu.memref_squeeze %dma_wait3A_86 : memref<1x128x128xf32, #tpu.memory_space<vmem>> -> memref<128x128xf32, #tpu.memory_space<vmem>>
      %dma_wait3A_88 = arith.constant 0 : i32
      %dma_wait3A_89 = arith.constant 0 : i32
      %dma_wait3A_90 = tpu.memref_slice %arg2[%dma_wait3A_88, %dma_wait3A_89] : memref<10240x128xf32, #tpu.memory_space<hbm>> -> memref<128x128xf32, #tpu.memory_space<hbm>>
      %dma_wait3A_91 = arith.constant 0 : i32
      %dma_wait3A_92 = arith.constant 0 : i32
      %dma_wait3A_93 = tpu.memref_slice %arg6[%dma_wait3A_83, %dma_wait3A_91, %dma_wait3A_92] : memref<2x128x128xf32, #tpu.memory_space<vmem>> -> memref<1x128x128xf32, #tpu.memory_space<vmem>>
      %dma_wait3A_94 = tpu.memref_squeeze %dma_wait3A_93 : memref<1x128x128xf32, #tpu.memory_space<vmem>> -> memref<128x128xf32, #tpu.memory_space<vmem>>
      %dma_wait3A_95 = arith.constant 0 : i32
      %dma_wait3A_96 = arith.constant 0 : i32
      %dma_wait3A_97 = tpu.memref_slice %arg2[%dma_wait3A_95, %dma_wait3A_96] : memref<10240x128xf32, #tpu.memory_space<hbm>> -> memref<128x128xf32, #tpu.memory_space<hbm>>
      tpu.wait_dma2 semaphore(%arg8 : memref<!tpu.dma_semaphore, #tpu.memory_space<semaphore_mem>>) src(%dma_wait3A_97 : memref<128x128xf32, #tpu.memory_space<hbm>>) dst(%dma_wait3A_94 : memref<128x128xf32, #tpu.memory_space<vmem>>)
      %mul3A_98 = arith.constant 20 : i32
      %mul3A_99 = arith.muli %add3A, %mul3A_98 : i32
      %add3A_100 = arith.addi %mul3A_99, %add3A_82 : i32
      %mul3A_101 = arith.constant 128 : i32
      %mul3A_102 = arith.muli %add3A_100, %mul3A_101 : i32
      %dma_start3A_103 = arith.constant 0 : i32
      %dma_start3A_104 = arith.constant 0 : i32
      %dma_start3A_105 = arith.constant 0 : i32
      %dma_start3A_106 = tpu.memref_slice %arg6[%dma_start3A_103, %dma_start3A_104, %dma_start3A_105] : memref<2x128x128xf32, #tpu.memory_space<vmem>> -> memref<1x128x128xf32, #tpu.memory_space<vmem>>
      %dma_start3A_107 = tpu.memref_squeeze %dma_start3A_106 : memref<1x128x128xf32, #tpu.memory_space<vmem>> -> memref<128x128xf32, #tpu.memory_space<vmem>>
      %dma_start3A_108 = arith.constant 0 : i32
      %dma_start3A_109 = tpu.memref_slice %arg4[%mul3A_102, %dma_start3A_108] : memref<81920x128xf32, #tpu.memory_space<hbm>> -> memref<128x128xf32, #tpu.memory_space<hbm>>
      %dma_start3A_110 = arith.constant 0 : i32
      %dma_start3A_111 = tpu.memref_slice %arg4[%mul3A_102, %dma_start3A_110] : memref<81920x128xf32, #tpu.memory_space<hbm>> -> memref<128x128xf32, #tpu.memory_space<hbm>>
      %dma_start3A_112 = arith.constant 0 : i32
      %dma_start3A_113 = arith.constant 0 : i32
      %dma_start3A_114 = tpu.memref_slice %arg6[%dma_start3A_103, %dma_start3A_112, %dma_start3A_113] : memref<2x128x128xf32, #tpu.memory_space<vmem>> -> memref<1x128x128xf32, #tpu.memory_space<vmem>>
      %dma_start3A_115 = tpu.memref_squeeze %dma_start3A_114 : memref<1x128x128xf32, #tpu.memory_space<vmem>> -> memref<128x128xf32, #tpu.memory_space<vmem>>
      tpu.enqueue_dma source(%dma_start3A_115 : memref<128x128xf32, #tpu.memory_space<vmem>>) target(%dma_start3A_111 : memref<128x128xf32, #tpu.memory_space<hbm>>) target_semaphore(%arg10 : memref<!tpu.dma_semaphore, #tpu.memory_space<semaphore_mem>>)
      %mul3A_116 = arith.constant 2 : i32
      %mul3A_117 = arith.muli %add3A_42, %mul3A_116 : i32
      %add3A_118 = arith.constant 1 : i32
      %add3A_119 = arith.addi %mul3A_117, %add3A_118 : i32
      %dma_wait3A_120 = arith.constant 1 : i32
      %dma_wait3A_121 = arith.constant 0 : i32
      %dma_wait3A_122 = arith.constant 0 : i32
      %dma_wait3A_123 = tpu.memref_slice %arg6[%dma_wait3A_120, %dma_wait3A_121, %dma_wait3A_122] : memref<2x128x128xf32, #tpu.memory_space<vmem>> -> memref<1x128x128xf32, #tpu.memory_space<vmem>>
      %dma_wait3A_124 = tpu.memref_squeeze %dma_wait3A_123 : memref<1x128x128xf32, #tpu.memory_space<vmem>> -> memref<128x128xf32, #tpu.memory_space<vmem>>
      %dma_wait3A_125 = arith.constant 0 : i32
      %dma_wait3A_126 = arith.constant 0 : i32
      %dma_wait3A_127 = tpu.memref_slice %arg2[%dma_wait3A_125, %dma_wait3A_126] : memref<10240x128xf32, #tpu.memory_space<hbm>> -> memref<128x128xf32, #tpu.memory_space<hbm>>
      %dma_wait3A_128 = arith.constant 0 : i32
      %dma_wait3A_129 = arith.constant 0 : i32
      %dma_wait3A_130 = tpu.memref_slice %arg6[%dma_wait3A_120, %dma_wait3A_128, %dma_wait3A_129] : memref<2x128x128xf32, #tpu.memory_space<vmem>> -> memref<1x128x128xf32, #tpu.memory_space<vmem>>
      %dma_wait3A_131 = tpu.memref_squeeze %dma_wait3A_130 : memref<1x128x128xf32, #tpu.memory_space<vmem>> -> memref<128x128xf32, #tpu.memory_space<vmem>>
      %dma_wait3A_132 = arith.constant 0 : i32
      %dma_wait3A_133 = arith.constant 0 : i32
      %dma_wait3A_134 = tpu.memref_slice %arg2[%dma_wait3A_132, %dma_wait3A_133] : memref<10240x128xf32, #tpu.memory_space<hbm>> -> memref<128x128xf32, #tpu.memory_space<hbm>>
      tpu.wait_dma2 semaphore(%arg9 : memref<!tpu.dma_semaphore, #tpu.memory_space<semaphore_mem>>) src(%dma_wait3A_134 : memref<128x128xf32, #tpu.memory_space<hbm>>) dst(%dma_wait3A_131 : memref<128x128xf32, #tpu.memory_space<vmem>>)
      %mul3A_135 = arith.constant 20 : i32
      %mul3A_136 = arith.muli %add3A, %mul3A_135 : i32
      %add3A_137 = arith.addi %mul3A_136, %add3A_119 : i32
      %mul3A_138 = arith.constant 128 : i32
      %mul3A_139 = arith.muli %add3A_137, %mul3A_138 : i32
      %dma_start3A_140 = arith.constant 1 : i32
      %dma_start3A_141 = arith.constant 0 : i32
      %dma_start3A_142 = arith.constant 0 : i32
      %dma_start3A_143 = tpu.memref_slice %arg6[%dma_start3A_140, %dma_start3A_141, %dma_start3A_142] : memref<2x128x128xf32, #tpu.memory_space<vmem>> -> memref<1x128x128xf32, #tpu.memory_space<vmem>>
      %dma_start3A_144 = tpu.memref_squeeze %dma_start3A_143 : memref<1x128x128xf32, #tpu.memory_space<vmem>> -> memref<128x128xf32, #tpu.memory_space<vmem>>
      %dma_start3A_145 = arith.constant 0 : i32
      %dma_start3A_146 = tpu.memref_slice %arg4[%mul3A_139, %dma_start3A_145] : memref<81920x128xf32, #tpu.memory_space<hbm>> -> memref<128x128xf32, #tpu.memory_space<hbm>>
      %dma_start3A_147 = arith.constant 0 : i32
      %dma_start3A_148 = tpu.memref_slice %arg4[%mul3A_139, %dma_start3A_147] : memref<81920x128xf32, #tpu.memory_space<hbm>> -> memref<128x128xf32, #tpu.memory_space<hbm>>
      %dma_start3A_149 = arith.constant 0 : i32
      %dma_start3A_150 = arith.constant 0 : i32
      %dma_start3A_151 = tpu.memref_slice %arg6[%dma_start3A_140, %dma_start3A_149, %dma_start3A_150] : memref<2x128x128xf32, #tpu.memory_space<vmem>> -> memref<1x128x128xf32, #tpu.memory_space<vmem>>
      %dma_start3A_152 = tpu.memref_squeeze %dma_start3A_151 : memref<1x128x128xf32, #tpu.memory_space<vmem>> -> memref<128x128xf32, #tpu.memory_space<vmem>>
      tpu.enqueue_dma source(%dma_start3A_152 : memref<128x128xf32, #tpu.memory_space<vmem>>) target(%dma_start3A_148 : memref<128x128xf32, #tpu.memory_space<hbm>>) target_semaphore(%arg11 : memref<!tpu.dma_semaphore, #tpu.memory_space<semaphore_mem>>)
    }
    %scan3A_8 = arith.constant 10 : i32
    %dma_wait3A = arith.constant 0 : i32
    %dma_wait3A_9 = arith.constant 0 : i32
    %dma_wait3A_10 = arith.constant 0 : i32
    %dma_wait3A_11 = tpu.memref_slice %arg6[%dma_wait3A, %dma_wait3A_9, %dma_wait3A_10] : memref<2x128x128xf32, #tpu.memory_space<vmem>> -> memref<1x128x128xf32, #tpu.memory_space<vmem>>
    %dma_wait3A_12 = tpu.memref_squeeze %dma_wait3A_11 : memref<1x128x128xf32, #tpu.memory_space<vmem>> -> memref<128x128xf32, #tpu.memory_space<vmem>>
    %dma_wait3A_13 = arith.constant 0 : i32
    %dma_wait3A_14 = arith.constant 0 : i32
    %dma_wait3A_15 = tpu.memref_slice %arg4[%dma_wait3A_13, %dma_wait3A_14] : memref<81920x128xf32, #tpu.memory_space<hbm>> -> memref<128x128xf32, #tpu.memory_space<hbm>>
    %dma_wait3A_16 = arith.constant 0 : i32
    %dma_wait3A_17 = arith.constant 0 : i32
    %dma_wait3A_18 = tpu.memref_slice %arg4[%dma_wait3A_16, %dma_wait3A_17] : memref<81920x128xf32, #tpu.memory_space<hbm>> -> memref<128x128xf32, #tpu.memory_space<hbm>>
    %dma_wait3A_19 = arith.constant 0 : i32
    %dma_wait3A_20 = arith.constant 0 : i32
    %dma_wait3A_21 = tpu.memref_slice %arg6[%dma_wait3A, %dma_wait3A_19, %dma_wait3A_20] : memref<2x128x128xf32, #tpu.memory_space<vmem>> -> memref<1x128x128xf32, #tpu.memory_space<vmem>>
    %dma_wait3A_22 = tpu.memref_squeeze %dma_wait3A_21 : memref<1x128x128xf32, #tpu.memory_space<vmem>> -> memref<128x128xf32, #tpu.memory_space<vmem>>
    tpu.wait_dma2 semaphore(%arg10 : memref<!tpu.dma_semaphore, #tpu.memory_space<semaphore_mem>>) src(%dma_wait3A_22 : memref<128x128xf32, #tpu.memory_space<vmem>>) dst(%dma_wait3A_18 : memref<128x128xf32, #tpu.memory_space<hbm>>)
    %dma_wait3A_23 = arith.constant 1 : i32
    %dma_wait3A_24 = arith.constant 0 : i32
    %dma_wait3A_25 = arith.constant 0 : i32
    %dma_wait3A_26 = tpu.memref_slice %arg6[%dma_wait3A_23, %dma_wait3A_24, %dma_wait3A_25] : memref<2x128x128xf32, #tpu.memory_space<vmem>> -> memref<1x128x128xf32, #tpu.memory_space<vmem>>
    %dma_wait3A_27 = tpu.memref_squeeze %dma_wait3A_26 : memref<1x128x128xf32, #tpu.memory_space<vmem>> -> memref<128x128xf32, #tpu.memory_space<vmem>>
    %dma_wait3A_28 = arith.constant 0 : i32
    %dma_wait3A_29 = arith.constant 0 : i32
    %dma_wait3A_30 = tpu.memref_slice %arg4[%dma_wait3A_28, %dma_wait3A_29] : memref<81920x128xf32, #tpu.memory_space<hbm>> -> memref<128x128xf32, #tpu.memory_space<hbm>>
    %dma_wait3A_31 = arith.constant 0 : i32
    %dma_wait3A_32 = arith.constant 0 : i32
    %dma_wait3A_33 = tpu.memref_slice %arg4[%dma_wait3A_31, %dma_wait3A_32] : memref<81920x128xf32, #tpu.memory_space<hbm>> -> memref<128x128xf32, #tpu.memory_space<hbm>>
    %dma_wait3A_34 = arith.constant 0 : i32
    %dma_wait3A_35 = arith.constant 0 : i32
    %dma_wait3A_36 = tpu.memref_slice %arg6[%dma_wait3A_23, %dma_wait3A_34, %dma_wait3A_35] : memref<2x128x128xf32, #tpu.memory_space<vmem>> -> memref<1x128x128xf32, #tpu.memory_space<vmem>>
    %dma_wait3A_37 = tpu.memref_squeeze %dma_wait3A_36 : memref<1x128x128xf32, #tpu.memory_space<vmem>> -> memref<128x128xf32, #tpu.memory_space<vmem>>
    tpu.wait_dma2 semaphore(%arg11 : memref<!tpu.dma_semaphore, #tpu.memory_space<semaphore_mem>>) src(%dma_wait3A_37 : memref<128x128xf32, #tpu.memory_space<vmem>>) dst(%dma_wait3A_33 : memref<128x128xf32, #tpu.memory_space<hbm>>)
    return
  }
}

module attributes {stable_mosaic.version = 14 : i64} {
  func.func @_tc_body(%arg0: i32, %arg1: memref<16x512x128xf32, #tpu.memory_space<vmem>>, %arg2: memref<512x128xf32, #tpu.memory_space<vmem>>, %arg3: memref<128x32xf32, #tpu.memory_space<vmem>>, %arg4: memref<32x1xf32, #tpu.memory_space<vmem>>, %arg5: memref<32x8xf32, #tpu.memory_space<vmem>>, %arg6: memref<8x1xf32, #tpu.memory_space<vmem>>, %arg7: memref<8x128x128xf32, #tpu.memory_space<vmem>>, %arg8: memref<128x128xf32, #tpu.memory_space<vmem>>, %arg9: memref<128x1xf32, #tpu.memory_space<vmem>>, %arg10: memref<1x2x128x512xf32, #tpu.memory_space<vmem>>) attributes {dimension_semantics = [#tpu.dimension_semantics<arbitrary>], iteration_bounds = array<i64: 10>, scalar_prefetch = 0 : i64, scratch_operands = 0 : i64, tpu.core_type = #tpu.core_type<tc>, window_params = [{transform_indices = @transform_0, window_bounds = array<i64: 16, 512, 128>}, {transform_indices = @transform_1, window_bounds = array<i64: 512, 128>}, {pipeline_mode = #tpu.pipeline_mode<synchronous>, transform_indices = @transform_2, window_bounds = array<i64: 128, 32>}, {pipeline_mode = #tpu.pipeline_mode<synchronous>, transform_indices = @transform_3, window_bounds = array<i64: 32, 1>}, {pipeline_mode = #tpu.pipeline_mode<synchronous>, transform_indices = @transform_4, window_bounds = array<i64: 32, 8>}, {pipeline_mode = #tpu.pipeline_mode<synchronous>, transform_indices = @transform_5, window_bounds = array<i64: 8, 1>}, {pipeline_mode = #tpu.pipeline_mode<synchronous>, transform_indices = @transform_6, window_bounds = array<i64: 8, 128, 128>}, {pipeline_mode = #tpu.pipeline_mode<synchronous>, transform_indices = @transform_7, window_bounds = array<i64: 128, 128>}, {pipeline_mode = #tpu.pipeline_mode<synchronous>, transform_indices = @transform_8, window_bounds = array<i64: 128, 1>}, {transform_indices = @transform_9, window_bounds = array<i64: 1, 2, 128, 512>}]} {
    %get3A = arith.constant 0 : index
    %get3A_0 = arith.constant 0 : index
    %get3A_1 = vector.load %arg2[%get3A, %get3A_0] : memref<512x128xf32, #tpu.memory_space<vmem>>, vector<512x128xf32>
    %get3A_2 = arith.constant 0 : index
    %get3A_3 = arith.constant 0 : index
    %get3A_4 = vector.load %arg3[%get3A_2, %get3A_3] : memref<128x32xf32, #tpu.memory_space<vmem>>, vector<128x32xf32>
    %get3A_5 = arith.constant 0 : index
    %get3A_6 = arith.constant 0 : index
    %get3A_7 = vector.load %arg5[%get3A_5, %get3A_6] : memref<32x8xf32, #tpu.memory_space<vmem>>, vector<32x8xf32>
    %dot_general3A = arith.constant dense<0.000000e+00> : vector<32x512xf32>
    %dot_general3A_8 = tpu.matmul %get3A_4, %get3A_1, %dot_general3A {dimension_numbers = #tpu.dot_dimension_numbers<[0], [1], [1], [0], [0, 1, 1, 0], [], []>, transpose_lhs_hint = false} : vector<128x32xf32>, vector<512x128xf32>, vector<32x512xf32> -> vector<32x512xf32>
    %get3A_9 = arith.constant 0 : index
    %get3A_10 = arith.constant 0 : index
    %get3A_11 = vector.load %arg4[%get3A_9, %get3A_10] : memref<32x1xf32, #tpu.memory_space<vmem>>, vector<32x1xf32>
    %sub3A = vector.broadcast %get3A_11 : vector<32x1xf32> to vector<32x512xf32>
    %sub3A_12 = arith.subf %dot_general3A_8, %sub3A : vector<32x512xf32>
    %get3A_13 = arith.constant 0 : index
    %get3A_14 = arith.constant 0 : index
    %get3A_15 = arith.constant 0 : index
    %get3A_16 = vector.load %arg1[%get3A_13, %get3A_14, %get3A_15] : memref<16x512x128xf32, #tpu.memory_space<vmem>>, vector<16x512x128xf32>
    %reshape3A = vector.shape_cast %get3A_16 : vector<16x512x128xf32> to vector<8192x128xf32>
    %dot_general3A_17 = arith.constant dense<0.000000e+00> : vector<32x8192xf32>
    %dot_general3A_18 = tpu.matmul %get3A_4, %reshape3A, %dot_general3A_17 {dimension_numbers = #tpu.dot_dimension_numbers<[0], [1], [1], [0], [0, 1, 1, 0], [], []>, transpose_lhs_hint = false} : vector<128x32xf32>, vector<8192x128xf32>, vector<32x8192xf32> -> vector<32x8192xf32>
    %concatenate3A = tpu.concatenate %sub3A_12, %sub3A_12, %sub3A_12, %sub3A_12, %sub3A_12, %sub3A_12, %sub3A_12, %sub3A_12, %sub3A_12, %sub3A_12, %sub3A_12, %sub3A_12, %sub3A_12, %sub3A_12, %sub3A_12, %sub3A_12 in 1 : vector<32x512xf32>, vector<32x512xf32>, vector<32x512xf32>, vector<32x512xf32>, vector<32x512xf32>, vector<32x512xf32>, vector<32x512xf32>, vector<32x512xf32>, vector<32x512xf32>, vector<32x512xf32>, vector<32x512xf32>, vector<32x512xf32>, vector<32x512xf32>, vector<32x512xf32>, vector<32x512xf32>, vector<32x512xf32> -> vector<32x8192xf32>
    %sub3A_19 = arith.subf %dot_general3A_18, %concatenate3A : vector<32x8192xf32>
    %max3A = arith.constant 0.000000e+00 : f32
    %max3A_20 = vector.broadcast %max3A : f32 to vector<32x8192xf32>
    %max3A_21 = arith.maximumf %sub3A_19, %max3A_20 : vector<32x8192xf32>
    %dot_general3A_22 = arith.constant dense<0.000000e+00> : vector<8x8192xf32>
    %dot_general3A_23 = tpu.matmul %get3A_7, %max3A_21, %dot_general3A_22 {dimension_numbers = #tpu.dot_dimension_numbers<[0], [0], [1], [1], [0, 1, 1, 1], [], []>, transpose_lhs_hint = false} : vector<32x8xf32>, vector<32x8192xf32>, vector<8x8192xf32> -> vector<8x8192xf32>
    %get3A_24 = arith.constant 0 : index
    %get3A_25 = arith.constant 0 : index
    %get3A_26 = vector.load %arg6[%get3A_24, %get3A_25] : memref<8x1xf32, #tpu.memory_space<vmem>>, vector<8x1xf32>
    %add3A = vector.broadcast %get3A_26 : vector<8x1xf32> to vector<8x8192xf32>
    %add3A_27 = arith.addf %dot_general3A_23, %add3A : vector<8x8192xf32>
    %exp3A = math.exp %add3A_27 : vector<8x8192xf32>
    %reduce_sum3A = arith.constant dense<0.000000e+00> : vector<8192xf32>
    %reduce_sum3A_28 = vector.multi_reduction <add>, %exp3A, %reduce_sum3A [0] : vector<8x8192xf32> to vector<8192xf32>
    %broadcast_in_dim3A = vector.shape_cast %reduce_sum3A_28 : vector<8192xf32> to vector<1x8192xf32>
    %div3A = vector.broadcast %broadcast_in_dim3A : vector<1x8192xf32> to vector<8x8192xf32>
    %div3A_29 = arith.divf %exp3A, %div3A : vector<8x8192xf32>
    %broadcast_in_dim3A_30 = arith.constant 0.000000e+00 : f32
    %broadcast_in_dim3A_31 = vector.broadcast %broadcast_in_dim3A_30 : f32 to vector<128x512xf32>
    %broadcast_in_dim3A_32 = arith.constant 0.000000e+00 : f32
    %broadcast_in_dim3A_33 = vector.broadcast %broadcast_in_dim3A_32 : f32 to vector<128x512xf32>
    %broadcast_in_dim3A_34 = arith.constant 0.000000e+00 : f32
    %broadcast_in_dim3A_35 = vector.broadcast %broadcast_in_dim3A_34 : f32 to vector<128x512xf32>
    %broadcast_in_dim3A_36 = arith.constant 0.000000e+00 : f32
    %broadcast_in_dim3A_37 = vector.broadcast %broadcast_in_dim3A_36 : f32 to vector<128x512xf32>
    %broadcast_in_dim3A_38 = arith.constant 0.000000e+00 : f32
    %broadcast_in_dim3A_39 = vector.broadcast %broadcast_in_dim3A_38 : f32 to vector<128x512xf32>
    %broadcast_in_dim3A_40 = arith.constant 0.000000e+00 : f32
    %broadcast_in_dim3A_41 = vector.broadcast %broadcast_in_dim3A_40 : f32 to vector<128x512xf32>
    %broadcast_in_dim3A_42 = arith.constant 0.000000e+00 : f32
    %broadcast_in_dim3A_43 = vector.broadcast %broadcast_in_dim3A_42 : f32 to vector<128x512xf32>
    %broadcast_in_dim3A_44 = arith.constant 0.000000e+00 : f32
    %broadcast_in_dim3A_45 = vector.broadcast %broadcast_in_dim3A_44 : f32 to vector<128x512xf32>
    %get3A_46 = arith.constant 0 : index
    %get3A_47 = arith.constant 0 : index
    %get3A_48 = arith.constant 0 : index
    %get3A_49 = vector.load %arg1[%get3A_46, %get3A_47, %get3A_48] : memref<16x512x128xf32, #tpu.memory_space<vmem>>, vector<1x512x128xf32>
    %get3A_50 = vector.shape_cast %get3A_49 : vector<1x512x128xf32> to vector<512x128xf32>
    %transpose3A = tpu.transpose %get3A_50, [1, 0] : vector<512x128xf32> -> vector<128x512xf32>
    %slice3A = vector.extract_strided_slice %div3A_29 {offsets = [0, 0], sizes = [8, 512], strides = [1, 1]} : vector<8x8192xf32> to vector<8x512xf32>
    %slice3A_51 = vector.extract_strided_slice %slice3A {offsets = [0, 0], sizes = [1, 512], strides = [1, 1]} : vector<8x512xf32> to vector<1x512xf32>
    %mul3A = vector.broadcast %slice3A_51 : vector<1x512xf32> to vector<128x512xf32>
    %mul3A_52 = arith.mulf %mul3A, %transpose3A : vector<128x512xf32>
    %add3A_53 = arith.addf %broadcast_in_dim3A_31, %mul3A_52 : vector<128x512xf32>
    %slice3A_54 = vector.extract_strided_slice %slice3A {offsets = [1, 0], sizes = [1, 512], strides = [1, 1]} : vector<8x512xf32> to vector<1x512xf32>
    %mul3A_55 = vector.broadcast %slice3A_54 : vector<1x512xf32> to vector<128x512xf32>
    %mul3A_56 = arith.mulf %mul3A_55, %transpose3A : vector<128x512xf32>
    %add3A_57 = arith.addf %broadcast_in_dim3A_33, %mul3A_56 : vector<128x512xf32>
    %slice3A_58 = vector.extract_strided_slice %slice3A {offsets = [2, 0], sizes = [1, 512], strides = [1, 1]} : vector<8x512xf32> to vector<1x512xf32>
    %mul3A_59 = vector.broadcast %slice3A_58 : vector<1x512xf32> to vector<128x512xf32>
    %mul3A_60 = arith.mulf %mul3A_59, %transpose3A : vector<128x512xf32>
    %add3A_61 = arith.addf %broadcast_in_dim3A_35, %mul3A_60 : vector<128x512xf32>
    %slice3A_62 = vector.extract_strided_slice %slice3A {offsets = [3, 0], sizes = [1, 512], strides = [1, 1]} : vector<8x512xf32> to vector<1x512xf32>
    %mul3A_63 = vector.broadcast %slice3A_62 : vector<1x512xf32> to vector<128x512xf32>
    %mul3A_64 = arith.mulf %mul3A_63, %transpose3A : vector<128x512xf32>
    %add3A_65 = arith.addf %broadcast_in_dim3A_37, %mul3A_64 : vector<128x512xf32>
    %slice3A_66 = vector.extract_strided_slice %slice3A {offsets = [4, 0], sizes = [1, 512], strides = [1, 1]} : vector<8x512xf32> to vector<1x512xf32>
    %mul3A_67 = vector.broadcast %slice3A_66 : vector<1x512xf32> to vector<128x512xf32>
    %mul3A_68 = arith.mulf %mul3A_67, %transpose3A : vector<128x512xf32>
    %add3A_69 = arith.addf %broadcast_in_dim3A_39, %mul3A_68 : vector<128x512xf32>
    %slice3A_70 = vector.extract_strided_slice %slice3A {offsets = [5, 0], sizes = [1, 512], strides = [1, 1]} : vector<8x512xf32> to vector<1x512xf32>
    %mul3A_71 = vector.broadcast %slice3A_70 : vector<1x512xf32> to vector<128x512xf32>
    %mul3A_72 = arith.mulf %mul3A_71, %transpose3A : vector<128x512xf32>
    %add3A_73 = arith.addf %broadcast_in_dim3A_41, %mul3A_72 : vector<128x512xf32>
    %slice3A_74 = vector.extract_strided_slice %slice3A {offsets = [6, 0], sizes = [1, 512], strides = [1, 1]} : vector<8x512xf32> to vector<1x512xf32>
    %mul3A_75 = vector.broadcast %slice3A_74 : vector<1x512xf32> to vector<128x512xf32>
    %mul3A_76 = arith.mulf %mul3A_75, %transpose3A : vector<128x512xf32>
    %add3A_77 = arith.addf %broadcast_in_dim3A_43, %mul3A_76 : vector<128x512xf32>
    %slice3A_78 = vector.extract_strided_slice %slice3A {offsets = [7, 0], sizes = [1, 512], strides = [1, 1]} : vector<8x512xf32> to vector<1x512xf32>
    %mul3A_79 = vector.broadcast %slice3A_78 : vector<1x512xf32> to vector<128x512xf32>
    %mul3A_80 = arith.mulf %mul3A_79, %transpose3A : vector<128x512xf32>
    %add3A_81 = arith.addf %broadcast_in_dim3A_45, %mul3A_80 : vector<128x512xf32>
    %get3A_82 = arith.constant 1 : index
    %get3A_83 = arith.constant 0 : index
    %get3A_84 = arith.constant 0 : index
    %get3A_85 = vector.load %arg1[%get3A_82, %get3A_83, %get3A_84] : memref<16x512x128xf32, #tpu.memory_space<vmem>>, vector<1x512x128xf32>
    %get3A_86 = vector.shape_cast %get3A_85 : vector<1x512x128xf32> to vector<512x128xf32>
    %transpose3A_87 = tpu.transpose %get3A_86, [1, 0] : vector<512x128xf32> -> vector<128x512xf32>
    %slice3A_88 = vector.extract_strided_slice %div3A_29 {offsets = [0, 512], sizes = [8, 512], strides = [1, 1]} : vector<8x8192xf32> to vector<8x512xf32>
    %slice3A_89 = vector.extract_strided_slice %slice3A_88 {offsets = [0, 0], sizes = [1, 512], strides = [1, 1]} : vector<8x512xf32> to vector<1x512xf32>
    %mul3A_90 = vector.broadcast %slice3A_89 : vector<1x512xf32> to vector<128x512xf32>
    %mul3A_91 = arith.mulf %mul3A_90, %transpose3A_87 : vector<128x512xf32>
    %add3A_92 = arith.addf %add3A_53, %mul3A_91 : vector<128x512xf32>
    %slice3A_93 = vector.extract_strided_slice %slice3A_88 {offsets = [1, 0], sizes = [1, 512], strides = [1, 1]} : vector<8x512xf32> to vector<1x512xf32>
    %mul3A_94 = vector.broadcast %slice3A_93 : vector<1x512xf32> to vector<128x512xf32>
    %mul3A_95 = arith.mulf %mul3A_94, %transpose3A_87 : vector<128x512xf32>
    %add3A_96 = arith.addf %add3A_57, %mul3A_95 : vector<128x512xf32>
    %slice3A_97 = vector.extract_strided_slice %slice3A_88 {offsets = [2, 0], sizes = [1, 512], strides = [1, 1]} : vector<8x512xf32> to vector<1x512xf32>
    %mul3A_98 = vector.broadcast %slice3A_97 : vector<1x512xf32> to vector<128x512xf32>
    %mul3A_99 = arith.mulf %mul3A_98, %transpose3A_87 : vector<128x512xf32>
    %add3A_100 = arith.addf %add3A_61, %mul3A_99 : vector<128x512xf32>
    %slice3A_101 = vector.extract_strided_slice %slice3A_88 {offsets = [3, 0], sizes = [1, 512], strides = [1, 1]} : vector<8x512xf32> to vector<1x512xf32>
    %mul3A_102 = vector.broadcast %slice3A_101 : vector<1x512xf32> to vector<128x512xf32>
    %mul3A_103 = arith.mulf %mul3A_102, %transpose3A_87 : vector<128x512xf32>
    %add3A_104 = arith.addf %add3A_65, %mul3A_103 : vector<128x512xf32>
    %slice3A_105 = vector.extract_strided_slice %slice3A_88 {offsets = [4, 0], sizes = [1, 512], strides = [1, 1]} : vector<8x512xf32> to vector<1x512xf32>
    %mul3A_106 = vector.broadcast %slice3A_105 : vector<1x512xf32> to vector<128x512xf32>
    %mul3A_107 = arith.mulf %mul3A_106, %transpose3A_87 : vector<128x512xf32>
    %add3A_108 = arith.addf %add3A_69, %mul3A_107 : vector<128x512xf32>
    %slice3A_109 = vector.extract_strided_slice %slice3A_88 {offsets = [5, 0], sizes = [1, 512], strides = [1, 1]} : vector<8x512xf32> to vector<1x512xf32>
    %mul3A_110 = vector.broadcast %slice3A_109 : vector<1x512xf32> to vector<128x512xf32>
    %mul3A_111 = arith.mulf %mul3A_110, %transpose3A_87 : vector<128x512xf32>
    %add3A_112 = arith.addf %add3A_73, %mul3A_111 : vector<128x512xf32>
    %slice3A_113 = vector.extract_strided_slice %slice3A_88 {offsets = [6, 0], sizes = [1, 512], strides = [1, 1]} : vector<8x512xf32> to vector<1x512xf32>
    %mul3A_114 = vector.broadcast %slice3A_113 : vector<1x512xf32> to vector<128x512xf32>
    %mul3A_115 = arith.mulf %mul3A_114, %transpose3A_87 : vector<128x512xf32>
    %add3A_116 = arith.addf %add3A_77, %mul3A_115 : vector<128x512xf32>
    %slice3A_117 = vector.extract_strided_slice %slice3A_88 {offsets = [7, 0], sizes = [1, 512], strides = [1, 1]} : vector<8x512xf32> to vector<1x512xf32>
    %mul3A_118 = vector.broadcast %slice3A_117 : vector<1x512xf32> to vector<128x512xf32>
    %mul3A_119 = arith.mulf %mul3A_118, %transpose3A_87 : vector<128x512xf32>
    %add3A_120 = arith.addf %add3A_81, %mul3A_119 : vector<128x512xf32>
    %get3A_121 = arith.constant 2 : index
    %get3A_122 = arith.constant 0 : index
    %get3A_123 = arith.constant 0 : index
    %get3A_124 = vector.load %arg1[%get3A_121, %get3A_122, %get3A_123] : memref<16x512x128xf32, #tpu.memory_space<vmem>>, vector<1x512x128xf32>
    %get3A_125 = vector.shape_cast %get3A_124 : vector<1x512x128xf32> to vector<512x128xf32>
    %transpose3A_126 = tpu.transpose %get3A_125, [1, 0] : vector<512x128xf32> -> vector<128x512xf32>
    %slice3A_127 = vector.extract_strided_slice %div3A_29 {offsets = [0, 1024], sizes = [8, 512], strides = [1, 1]} : vector<8x8192xf32> to vector<8x512xf32>
    %slice3A_128 = vector.extract_strided_slice %slice3A_127 {offsets = [0, 0], sizes = [1, 512], strides = [1, 1]} : vector<8x512xf32> to vector<1x512xf32>
    %mul3A_129 = vector.broadcast %slice3A_128 : vector<1x512xf32> to vector<128x512xf32>
    %mul3A_130 = arith.mulf %mul3A_129, %transpose3A_126 : vector<128x512xf32>
    %add3A_131 = arith.addf %add3A_92, %mul3A_130 : vector<128x512xf32>
    %slice3A_132 = vector.extract_strided_slice %slice3A_127 {offsets = [1, 0], sizes = [1, 512], strides = [1, 1]} : vector<8x512xf32> to vector<1x512xf32>
    %mul3A_133 = vector.broadcast %slice3A_132 : vector<1x512xf32> to vector<128x512xf32>
    %mul3A_134 = arith.mulf %mul3A_133, %transpose3A_126 : vector<128x512xf32>
    %add3A_135 = arith.addf %add3A_96, %mul3A_134 : vector<128x512xf32>
    %slice3A_136 = vector.extract_strided_slice %slice3A_127 {offsets = [2, 0], sizes = [1, 512], strides = [1, 1]} : vector<8x512xf32> to vector<1x512xf32>
    %mul3A_137 = vector.broadcast %slice3A_136 : vector<1x512xf32> to vector<128x512xf32>
    %mul3A_138 = arith.mulf %mul3A_137, %transpose3A_126 : vector<128x512xf32>
    %add3A_139 = arith.addf %add3A_100, %mul3A_138 : vector<128x512xf32>
    %slice3A_140 = vector.extract_strided_slice %slice3A_127 {offsets = [3, 0], sizes = [1, 512], strides = [1, 1]} : vector<8x512xf32> to vector<1x512xf32>
    %mul3A_141 = vector.broadcast %slice3A_140 : vector<1x512xf32> to vector<128x512xf32>
    %mul3A_142 = arith.mulf %mul3A_141, %transpose3A_126 : vector<128x512xf32>
    %add3A_143 = arith.addf %add3A_104, %mul3A_142 : vector<128x512xf32>
    %slice3A_144 = vector.extract_strided_slice %slice3A_127 {offsets = [4, 0], sizes = [1, 512], strides = [1, 1]} : vector<8x512xf32> to vector<1x512xf32>
    %mul3A_145 = vector.broadcast %slice3A_144 : vector<1x512xf32> to vector<128x512xf32>
    %mul3A_146 = arith.mulf %mul3A_145, %transpose3A_126 : vector<128x512xf32>
    %add3A_147 = arith.addf %add3A_108, %mul3A_146 : vector<128x512xf32>
    %slice3A_148 = vector.extract_strided_slice %slice3A_127 {offsets = [5, 0], sizes = [1, 512], strides = [1, 1]} : vector<8x512xf32> to vector<1x512xf32>
    %mul3A_149 = vector.broadcast %slice3A_148 : vector<1x512xf32> to vector<128x512xf32>
    %mul3A_150 = arith.mulf %mul3A_149, %transpose3A_126 : vector<128x512xf32>
    %add3A_151 = arith.addf %add3A_112, %mul3A_150 : vector<128x512xf32>
    %slice3A_152 = vector.extract_strided_slice %slice3A_127 {offsets = [6, 0], sizes = [1, 512], strides = [1, 1]} : vector<8x512xf32> to vector<1x512xf32>
    %mul3A_153 = vector.broadcast %slice3A_152 : vector<1x512xf32> to vector<128x512xf32>
    %mul3A_154 = arith.mulf %mul3A_153, %transpose3A_126 : vector<128x512xf32>
    %add3A_155 = arith.addf %add3A_116, %mul3A_154 : vector<128x512xf32>
    %slice3A_156 = vector.extract_strided_slice %slice3A_127 {offsets = [7, 0], sizes = [1, 512], strides = [1, 1]} : vector<8x512xf32> to vector<1x512xf32>
    %mul3A_157 = vector.broadcast %slice3A_156 : vector<1x512xf32> to vector<128x512xf32>
    %mul3A_158 = arith.mulf %mul3A_157, %transpose3A_126 : vector<128x512xf32>
    %add3A_159 = arith.addf %add3A_120, %mul3A_158 : vector<128x512xf32>
    %get3A_160 = arith.constant 3 : index
    %get3A_161 = arith.constant 0 : index
    %get3A_162 = arith.constant 0 : index
    %get3A_163 = vector.load %arg1[%get3A_160, %get3A_161, %get3A_162] : memref<16x512x128xf32, #tpu.memory_space<vmem>>, vector<1x512x128xf32>
    %get3A_164 = vector.shape_cast %get3A_163 : vector<1x512x128xf32> to vector<512x128xf32>
    %transpose3A_165 = tpu.transpose %get3A_164, [1, 0] : vector<512x128xf32> -> vector<128x512xf32>
    %slice3A_166 = vector.extract_strided_slice %div3A_29 {offsets = [0, 1536], sizes = [8, 512], strides = [1, 1]} : vector<8x8192xf32> to vector<8x512xf32>
    %slice3A_167 = vector.extract_strided_slice %slice3A_166 {offsets = [0, 0], sizes = [1, 512], strides = [1, 1]} : vector<8x512xf32> to vector<1x512xf32>
    %mul3A_168 = vector.broadcast %slice3A_167 : vector<1x512xf32> to vector<128x512xf32>
    %mul3A_169 = arith.mulf %mul3A_168, %transpose3A_165 : vector<128x512xf32>
    %add3A_170 = arith.addf %add3A_131, %mul3A_169 : vector<128x512xf32>
    %slice3A_171 = vector.extract_strided_slice %slice3A_166 {offsets = [1, 0], sizes = [1, 512], strides = [1, 1]} : vector<8x512xf32> to vector<1x512xf32>
    %mul3A_172 = vector.broadcast %slice3A_171 : vector<1x512xf32> to vector<128x512xf32>
    %mul3A_173 = arith.mulf %mul3A_172, %transpose3A_165 : vector<128x512xf32>
    %add3A_174 = arith.addf %add3A_135, %mul3A_173 : vector<128x512xf32>
    %slice3A_175 = vector.extract_strided_slice %slice3A_166 {offsets = [2, 0], sizes = [1, 512], strides = [1, 1]} : vector<8x512xf32> to vector<1x512xf32>
    %mul3A_176 = vector.broadcast %slice3A_175 : vector<1x512xf32> to vector<128x512xf32>
    %mul3A_177 = arith.mulf %mul3A_176, %transpose3A_165 : vector<128x512xf32>
    %add3A_178 = arith.addf %add3A_139, %mul3A_177 : vector<128x512xf32>
    %slice3A_179 = vector.extract_strided_slice %slice3A_166 {offsets = [3, 0], sizes = [1, 512], strides = [1, 1]} : vector<8x512xf32> to vector<1x512xf32>
    %mul3A_180 = vector.broadcast %slice3A_179 : vector<1x512xf32> to vector<128x512xf32>
    %mul3A_181 = arith.mulf %mul3A_180, %transpose3A_165 : vector<128x512xf32>
    %add3A_182 = arith.addf %add3A_143, %mul3A_181 : vector<128x512xf32>
    %slice3A_183 = vector.extract_strided_slice %slice3A_166 {offsets = [4, 0], sizes = [1, 512], strides = [1, 1]} : vector<8x512xf32> to vector<1x512xf32>
    %mul3A_184 = vector.broadcast %slice3A_183 : vector<1x512xf32> to vector<128x512xf32>
    %mul3A_185 = arith.mulf %mul3A_184, %transpose3A_165 : vector<128x512xf32>
    %add3A_186 = arith.addf %add3A_147, %mul3A_185 : vector<128x512xf32>
    %slice3A_187 = vector.extract_strided_slice %slice3A_166 {offsets = [5, 0], sizes = [1, 512], strides = [1, 1]} : vector<8x512xf32> to vector<1x512xf32>
    %mul3A_188 = vector.broadcast %slice3A_187 : vector<1x512xf32> to vector<128x512xf32>
    %mul3A_189 = arith.mulf %mul3A_188, %transpose3A_165 : vector<128x512xf32>
    %add3A_190 = arith.addf %add3A_151, %mul3A_189 : vector<128x512xf32>
    %slice3A_191 = vector.extract_strided_slice %slice3A_166 {offsets = [6, 0], sizes = [1, 512], strides = [1, 1]} : vector<8x512xf32> to vector<1x512xf32>
    %mul3A_192 = vector.broadcast %slice3A_191 : vector<1x512xf32> to vector<128x512xf32>
    %mul3A_193 = arith.mulf %mul3A_192, %transpose3A_165 : vector<128x512xf32>
    %add3A_194 = arith.addf %add3A_155, %mul3A_193 : vector<128x512xf32>
    %slice3A_195 = vector.extract_strided_slice %slice3A_166 {offsets = [7, 0], sizes = [1, 512], strides = [1, 1]} : vector<8x512xf32> to vector<1x512xf32>
    %mul3A_196 = vector.broadcast %slice3A_195 : vector<1x512xf32> to vector<128x512xf32>
    %mul3A_197 = arith.mulf %mul3A_196, %transpose3A_165 : vector<128x512xf32>
    %add3A_198 = arith.addf %add3A_159, %mul3A_197 : vector<128x512xf32>
    %get3A_199 = arith.constant 4 : index
    %get3A_200 = arith.constant 0 : index
    %get3A_201 = arith.constant 0 : index
    %get3A_202 = vector.load %arg1[%get3A_199, %get3A_200, %get3A_201] : memref<16x512x128xf32, #tpu.memory_space<vmem>>, vector<1x512x128xf32>
    %get3A_203 = vector.shape_cast %get3A_202 : vector<1x512x128xf32> to vector<512x128xf32>
    %transpose3A_204 = tpu.transpose %get3A_203, [1, 0] : vector<512x128xf32> -> vector<128x512xf32>
    %slice3A_205 = vector.extract_strided_slice %div3A_29 {offsets = [0, 2048], sizes = [8, 512], strides = [1, 1]} : vector<8x8192xf32> to vector<8x512xf32>
    %slice3A_206 = vector.extract_strided_slice %slice3A_205 {offsets = [0, 0], sizes = [1, 512], strides = [1, 1]} : vector<8x512xf32> to vector<1x512xf32>
    %mul3A_207 = vector.broadcast %slice3A_206 : vector<1x512xf32> to vector<128x512xf32>
    %mul3A_208 = arith.mulf %mul3A_207, %transpose3A_204 : vector<128x512xf32>
    %add3A_209 = arith.addf %add3A_170, %mul3A_208 : vector<128x512xf32>
    %slice3A_210 = vector.extract_strided_slice %slice3A_205 {offsets = [1, 0], sizes = [1, 512], strides = [1, 1]} : vector<8x512xf32> to vector<1x512xf32>
    %mul3A_211 = vector.broadcast %slice3A_210 : vector<1x512xf32> to vector<128x512xf32>
    %mul3A_212 = arith.mulf %mul3A_211, %transpose3A_204 : vector<128x512xf32>
    %add3A_213 = arith.addf %add3A_174, %mul3A_212 : vector<128x512xf32>
    %slice3A_214 = vector.extract_strided_slice %slice3A_205 {offsets = [2, 0], sizes = [1, 512], strides = [1, 1]} : vector<8x512xf32> to vector<1x512xf32>
    %mul3A_215 = vector.broadcast %slice3A_214 : vector<1x512xf32> to vector<128x512xf32>
    %mul3A_216 = arith.mulf %mul3A_215, %transpose3A_204 : vector<128x512xf32>
    %add3A_217 = arith.addf %add3A_178, %mul3A_216 : vector<128x512xf32>
    %slice3A_218 = vector.extract_strided_slice %slice3A_205 {offsets = [3, 0], sizes = [1, 512], strides = [1, 1]} : vector<8x512xf32> to vector<1x512xf32>
    %mul3A_219 = vector.broadcast %slice3A_218 : vector<1x512xf32> to vector<128x512xf32>
    %mul3A_220 = arith.mulf %mul3A_219, %transpose3A_204 : vector<128x512xf32>
    %add3A_221 = arith.addf %add3A_182, %mul3A_220 : vector<128x512xf32>
    %slice3A_222 = vector.extract_strided_slice %slice3A_205 {offsets = [4, 0], sizes = [1, 512], strides = [1, 1]} : vector<8x512xf32> to vector<1x512xf32>
    %mul3A_223 = vector.broadcast %slice3A_222 : vector<1x512xf32> to vector<128x512xf32>
    %mul3A_224 = arith.mulf %mul3A_223, %transpose3A_204 : vector<128x512xf32>
    %add3A_225 = arith.addf %add3A_186, %mul3A_224 : vector<128x512xf32>
    %slice3A_226 = vector.extract_strided_slice %slice3A_205 {offsets = [5, 0], sizes = [1, 512], strides = [1, 1]} : vector<8x512xf32> to vector<1x512xf32>
    %mul3A_227 = vector.broadcast %slice3A_226 : vector<1x512xf32> to vector<128x512xf32>
    %mul3A_228 = arith.mulf %mul3A_227, %transpose3A_204 : vector<128x512xf32>
    %add3A_229 = arith.addf %add3A_190, %mul3A_228 : vector<128x512xf32>
    %slice3A_230 = vector.extract_strided_slice %slice3A_205 {offsets = [6, 0], sizes = [1, 512], strides = [1, 1]} : vector<8x512xf32> to vector<1x512xf32>
    %mul3A_231 = vector.broadcast %slice3A_230 : vector<1x512xf32> to vector<128x512xf32>
    %mul3A_232 = arith.mulf %mul3A_231, %transpose3A_204 : vector<128x512xf32>
    %add3A_233 = arith.addf %add3A_194, %mul3A_232 : vector<128x512xf32>
    %slice3A_234 = vector.extract_strided_slice %slice3A_205 {offsets = [7, 0], sizes = [1, 512], strides = [1, 1]} : vector<8x512xf32> to vector<1x512xf32>
    %mul3A_235 = vector.broadcast %slice3A_234 : vector<1x512xf32> to vector<128x512xf32>
    %mul3A_236 = arith.mulf %mul3A_235, %transpose3A_204 : vector<128x512xf32>
    %add3A_237 = arith.addf %add3A_198, %mul3A_236 : vector<128x512xf32>
    %get3A_238 = arith.constant 5 : index
    %get3A_239 = arith.constant 0 : index
    %get3A_240 = arith.constant 0 : index
    %get3A_241 = vector.load %arg1[%get3A_238, %get3A_239, %get3A_240] : memref<16x512x128xf32, #tpu.memory_space<vmem>>, vector<1x512x128xf32>
    %get3A_242 = vector.shape_cast %get3A_241 : vector<1x512x128xf32> to vector<512x128xf32>
    %transpose3A_243 = tpu.transpose %get3A_242, [1, 0] : vector<512x128xf32> -> vector<128x512xf32>
    %slice3A_244 = vector.extract_strided_slice %div3A_29 {offsets = [0, 2560], sizes = [8, 512], strides = [1, 1]} : vector<8x8192xf32> to vector<8x512xf32>
    %slice3A_245 = vector.extract_strided_slice %slice3A_244 {offsets = [0, 0], sizes = [1, 512], strides = [1, 1]} : vector<8x512xf32> to vector<1x512xf32>
    %mul3A_246 = vector.broadcast %slice3A_245 : vector<1x512xf32> to vector<128x512xf32>
    %mul3A_247 = arith.mulf %mul3A_246, %transpose3A_243 : vector<128x512xf32>
    %add3A_248 = arith.addf %add3A_209, %mul3A_247 : vector<128x512xf32>
    %slice3A_249 = vector.extract_strided_slice %slice3A_244 {offsets = [1, 0], sizes = [1, 512], strides = [1, 1]} : vector<8x512xf32> to vector<1x512xf32>
    %mul3A_250 = vector.broadcast %slice3A_249 : vector<1x512xf32> to vector<128x512xf32>
    %mul3A_251 = arith.mulf %mul3A_250, %transpose3A_243 : vector<128x512xf32>
    %add3A_252 = arith.addf %add3A_213, %mul3A_251 : vector<128x512xf32>
    %slice3A_253 = vector.extract_strided_slice %slice3A_244 {offsets = [2, 0], sizes = [1, 512], strides = [1, 1]} : vector<8x512xf32> to vector<1x512xf32>
    %mul3A_254 = vector.broadcast %slice3A_253 : vector<1x512xf32> to vector<128x512xf32>
    %mul3A_255 = arith.mulf %mul3A_254, %transpose3A_243 : vector<128x512xf32>
    %add3A_256 = arith.addf %add3A_217, %mul3A_255 : vector<128x512xf32>
    %slice3A_257 = vector.extract_strided_slice %slice3A_244 {offsets = [3, 0], sizes = [1, 512], strides = [1, 1]} : vector<8x512xf32> to vector<1x512xf32>
    %mul3A_258 = vector.broadcast %slice3A_257 : vector<1x512xf32> to vector<128x512xf32>
    %mul3A_259 = arith.mulf %mul3A_258, %transpose3A_243 : vector<128x512xf32>
    %add3A_260 = arith.addf %add3A_221, %mul3A_259 : vector<128x512xf32>
    %slice3A_261 = vector.extract_strided_slice %slice3A_244 {offsets = [4, 0], sizes = [1, 512], strides = [1, 1]} : vector<8x512xf32> to vector<1x512xf32>
    %mul3A_262 = vector.broadcast %slice3A_261 : vector<1x512xf32> to vector<128x512xf32>
    %mul3A_263 = arith.mulf %mul3A_262, %transpose3A_243 : vector<128x512xf32>
    %add3A_264 = arith.addf %add3A_225, %mul3A_263 : vector<128x512xf32>
    %slice3A_265 = vector.extract_strided_slice %slice3A_244 {offsets = [5, 0], sizes = [1, 512], strides = [1, 1]} : vector<8x512xf32> to vector<1x512xf32>
    %mul3A_266 = vector.broadcast %slice3A_265 : vector<1x512xf32> to vector<128x512xf32>
    %mul3A_267 = arith.mulf %mul3A_266, %transpose3A_243 : vector<128x512xf32>
    %add3A_268 = arith.addf %add3A_229, %mul3A_267 : vector<128x512xf32>
    %slice3A_269 = vector.extract_strided_slice %slice3A_244 {offsets = [6, 0], sizes = [1, 512], strides = [1, 1]} : vector<8x512xf32> to vector<1x512xf32>
    %mul3A_270 = vector.broadcast %slice3A_269 : vector<1x512xf32> to vector<128x512xf32>
    %mul3A_271 = arith.mulf %mul3A_270, %transpose3A_243 : vector<128x512xf32>
    %add3A_272 = arith.addf %add3A_233, %mul3A_271 : vector<128x512xf32>
    %slice3A_273 = vector.extract_strided_slice %slice3A_244 {offsets = [7, 0], sizes = [1, 512], strides = [1, 1]} : vector<8x512xf32> to vector<1x512xf32>
    %mul3A_274 = vector.broadcast %slice3A_273 : vector<1x512xf32> to vector<128x512xf32>
    %mul3A_275 = arith.mulf %mul3A_274, %transpose3A_243 : vector<128x512xf32>
    %add3A_276 = arith.addf %add3A_237, %mul3A_275 : vector<128x512xf32>
    %get3A_277 = arith.constant 6 : index
    %get3A_278 = arith.constant 0 : index
    %get3A_279 = arith.constant 0 : index
    %get3A_280 = vector.load %arg1[%get3A_277, %get3A_278, %get3A_279] : memref<16x512x128xf32, #tpu.memory_space<vmem>>, vector<1x512x128xf32>
    %get3A_281 = vector.shape_cast %get3A_280 : vector<1x512x128xf32> to vector<512x128xf32>
    %transpose3A_282 = tpu.transpose %get3A_281, [1, 0] : vector<512x128xf32> -> vector<128x512xf32>
    %slice3A_283 = vector.extract_strided_slice %div3A_29 {offsets = [0, 3072], sizes = [8, 512], strides = [1, 1]} : vector<8x8192xf32> to vector<8x512xf32>
    %slice3A_284 = vector.extract_strided_slice %slice3A_283 {offsets = [0, 0], sizes = [1, 512], strides = [1, 1]} : vector<8x512xf32> to vector<1x512xf32>
    %mul3A_285 = vector.broadcast %slice3A_284 : vector<1x512xf32> to vector<128x512xf32>
    %mul3A_286 = arith.mulf %mul3A_285, %transpose3A_282 : vector<128x512xf32>
    %add3A_287 = arith.addf %add3A_248, %mul3A_286 : vector<128x512xf32>
    %slice3A_288 = vector.extract_strided_slice %slice3A_283 {offsets = [1, 0], sizes = [1, 512], strides = [1, 1]} : vector<8x512xf32> to vector<1x512xf32>
    %mul3A_289 = vector.broadcast %slice3A_288 : vector<1x512xf32> to vector<128x512xf32>
    %mul3A_290 = arith.mulf %mul3A_289, %transpose3A_282 : vector<128x512xf32>
    %add3A_291 = arith.addf %add3A_252, %mul3A_290 : vector<128x512xf32>
    %slice3A_292 = vector.extract_strided_slice %slice3A_283 {offsets = [2, 0], sizes = [1, 512], strides = [1, 1]} : vector<8x512xf32> to vector<1x512xf32>
    %mul3A_293 = vector.broadcast %slice3A_292 : vector<1x512xf32> to vector<128x512xf32>
    %mul3A_294 = arith.mulf %mul3A_293, %transpose3A_282 : vector<128x512xf32>
    %add3A_295 = arith.addf %add3A_256, %mul3A_294 : vector<128x512xf32>
    %slice3A_296 = vector.extract_strided_slice %slice3A_283 {offsets = [3, 0], sizes = [1, 512], strides = [1, 1]} : vector<8x512xf32> to vector<1x512xf32>
    %mul3A_297 = vector.broadcast %slice3A_296 : vector<1x512xf32> to vector<128x512xf32>
    %mul3A_298 = arith.mulf %mul3A_297, %transpose3A_282 : vector<128x512xf32>
    %add3A_299 = arith.addf %add3A_260, %mul3A_298 : vector<128x512xf32>
    %slice3A_300 = vector.extract_strided_slice %slice3A_283 {offsets = [4, 0], sizes = [1, 512], strides = [1, 1]} : vector<8x512xf32> to vector<1x512xf32>
    %mul3A_301 = vector.broadcast %slice3A_300 : vector<1x512xf32> to vector<128x512xf32>
    %mul3A_302 = arith.mulf %mul3A_301, %transpose3A_282 : vector<128x512xf32>
    %add3A_303 = arith.addf %add3A_264, %mul3A_302 : vector<128x512xf32>
    %slice3A_304 = vector.extract_strided_slice %slice3A_283 {offsets = [5, 0], sizes = [1, 512], strides = [1, 1]} : vector<8x512xf32> to vector<1x512xf32>
    %mul3A_305 = vector.broadcast %slice3A_304 : vector<1x512xf32> to vector<128x512xf32>
    %mul3A_306 = arith.mulf %mul3A_305, %transpose3A_282 : vector<128x512xf32>
    %add3A_307 = arith.addf %add3A_268, %mul3A_306 : vector<128x512xf32>
    %slice3A_308 = vector.extract_strided_slice %slice3A_283 {offsets = [6, 0], sizes = [1, 512], strides = [1, 1]} : vector<8x512xf32> to vector<1x512xf32>
    %mul3A_309 = vector.broadcast %slice3A_308 : vector<1x512xf32> to vector<128x512xf32>
    %mul3A_310 = arith.mulf %mul3A_309, %transpose3A_282 : vector<128x512xf32>
    %add3A_311 = arith.addf %add3A_272, %mul3A_310 : vector<128x512xf32>
    %slice3A_312 = vector.extract_strided_slice %slice3A_283 {offsets = [7, 0], sizes = [1, 512], strides = [1, 1]} : vector<8x512xf32> to vector<1x512xf32>
    %mul3A_313 = vector.broadcast %slice3A_312 : vector<1x512xf32> to vector<128x512xf32>
    %mul3A_314 = arith.mulf %mul3A_313, %transpose3A_282 : vector<128x512xf32>
    %add3A_315 = arith.addf %add3A_276, %mul3A_314 : vector<128x512xf32>
    %get3A_316 = arith.constant 7 : index
    %get3A_317 = arith.constant 0 : index
    %get3A_318 = arith.constant 0 : index
    %get3A_319 = vector.load %arg1[%get3A_316, %get3A_317, %get3A_318] : memref<16x512x128xf32, #tpu.memory_space<vmem>>, vector<1x512x128xf32>
    %get3A_320 = vector.shape_cast %get3A_319 : vector<1x512x128xf32> to vector<512x128xf32>
    %transpose3A_321 = tpu.transpose %get3A_320, [1, 0] : vector<512x128xf32> -> vector<128x512xf32>
    %slice3A_322 = vector.extract_strided_slice %div3A_29 {offsets = [0, 3584], sizes = [8, 512], strides = [1, 1]} : vector<8x8192xf32> to vector<8x512xf32>
    %slice3A_323 = vector.extract_strided_slice %slice3A_322 {offsets = [0, 0], sizes = [1, 512], strides = [1, 1]} : vector<8x512xf32> to vector<1x512xf32>
    %mul3A_324 = vector.broadcast %slice3A_323 : vector<1x512xf32> to vector<128x512xf32>
    %mul3A_325 = arith.mulf %mul3A_324, %transpose3A_321 : vector<128x512xf32>
    %add3A_326 = arith.addf %add3A_287, %mul3A_325 : vector<128x512xf32>
    %slice3A_327 = vector.extract_strided_slice %slice3A_322 {offsets = [1, 0], sizes = [1, 512], strides = [1, 1]} : vector<8x512xf32> to vector<1x512xf32>
    %mul3A_328 = vector.broadcast %slice3A_327 : vector<1x512xf32> to vector<128x512xf32>
    %mul3A_329 = arith.mulf %mul3A_328, %transpose3A_321 : vector<128x512xf32>
    %add3A_330 = arith.addf %add3A_291, %mul3A_329 : vector<128x512xf32>
    %slice3A_331 = vector.extract_strided_slice %slice3A_322 {offsets = [2, 0], sizes = [1, 512], strides = [1, 1]} : vector<8x512xf32> to vector<1x512xf32>
    %mul3A_332 = vector.broadcast %slice3A_331 : vector<1x512xf32> to vector<128x512xf32>
    %mul3A_333 = arith.mulf %mul3A_332, %transpose3A_321 : vector<128x512xf32>
    %add3A_334 = arith.addf %add3A_295, %mul3A_333 : vector<128x512xf32>
    %slice3A_335 = vector.extract_strided_slice %slice3A_322 {offsets = [3, 0], sizes = [1, 512], strides = [1, 1]} : vector<8x512xf32> to vector<1x512xf32>
    %mul3A_336 = vector.broadcast %slice3A_335 : vector<1x512xf32> to vector<128x512xf32>
    %mul3A_337 = arith.mulf %mul3A_336, %transpose3A_321 : vector<128x512xf32>
    %add3A_338 = arith.addf %add3A_299, %mul3A_337 : vector<128x512xf32>
    %slice3A_339 = vector.extract_strided_slice %slice3A_322 {offsets = [4, 0], sizes = [1, 512], strides = [1, 1]} : vector<8x512xf32> to vector<1x512xf32>
    %mul3A_340 = vector.broadcast %slice3A_339 : vector<1x512xf32> to vector<128x512xf32>
    %mul3A_341 = arith.mulf %mul3A_340, %transpose3A_321 : vector<128x512xf32>
    %add3A_342 = arith.addf %add3A_303, %mul3A_341 : vector<128x512xf32>
    %slice3A_343 = vector.extract_strided_slice %slice3A_322 {offsets = [5, 0], sizes = [1, 512], strides = [1, 1]} : vector<8x512xf32> to vector<1x512xf32>
    %mul3A_344 = vector.broadcast %slice3A_343 : vector<1x512xf32> to vector<128x512xf32>
    %mul3A_345 = arith.mulf %mul3A_344, %transpose3A_321 : vector<128x512xf32>
    %add3A_346 = arith.addf %add3A_307, %mul3A_345 : vector<128x512xf32>
    %slice3A_347 = vector.extract_strided_slice %slice3A_322 {offsets = [6, 0], sizes = [1, 512], strides = [1, 1]} : vector<8x512xf32> to vector<1x512xf32>
    %mul3A_348 = vector.broadcast %slice3A_347 : vector<1x512xf32> to vector<128x512xf32>
    %mul3A_349 = arith.mulf %mul3A_348, %transpose3A_321 : vector<128x512xf32>
    %add3A_350 = arith.addf %add3A_311, %mul3A_349 : vector<128x512xf32>
    %slice3A_351 = vector.extract_strided_slice %slice3A_322 {offsets = [7, 0], sizes = [1, 512], strides = [1, 1]} : vector<8x512xf32> to vector<1x512xf32>
    %mul3A_352 = vector.broadcast %slice3A_351 : vector<1x512xf32> to vector<128x512xf32>
    %mul3A_353 = arith.mulf %mul3A_352, %transpose3A_321 : vector<128x512xf32>
    %add3A_354 = arith.addf %add3A_315, %mul3A_353 : vector<128x512xf32>
    %get3A_355 = arith.constant 8 : index
    %get3A_356 = arith.constant 0 : index
    %get3A_357 = arith.constant 0 : index
    %get3A_358 = vector.load %arg1[%get3A_355, %get3A_356, %get3A_357] : memref<16x512x128xf32, #tpu.memory_space<vmem>>, vector<1x512x128xf32>
    %get3A_359 = vector.shape_cast %get3A_358 : vector<1x512x128xf32> to vector<512x128xf32>
    %transpose3A_360 = tpu.transpose %get3A_359, [1, 0] : vector<512x128xf32> -> vector<128x512xf32>
    %slice3A_361 = vector.extract_strided_slice %div3A_29 {offsets = [0, 4096], sizes = [8, 512], strides = [1, 1]} : vector<8x8192xf32> to vector<8x512xf32>
    %slice3A_362 = vector.extract_strided_slice %slice3A_361 {offsets = [0, 0], sizes = [1, 512], strides = [1, 1]} : vector<8x512xf32> to vector<1x512xf32>
    %mul3A_363 = vector.broadcast %slice3A_362 : vector<1x512xf32> to vector<128x512xf32>
    %mul3A_364 = arith.mulf %mul3A_363, %transpose3A_360 : vector<128x512xf32>
    %add3A_365 = arith.addf %add3A_326, %mul3A_364 : vector<128x512xf32>
    %slice3A_366 = vector.extract_strided_slice %slice3A_361 {offsets = [1, 0], sizes = [1, 512], strides = [1, 1]} : vector<8x512xf32> to vector<1x512xf32>
    %mul3A_367 = vector.broadcast %slice3A_366 : vector<1x512xf32> to vector<128x512xf32>
    %mul3A_368 = arith.mulf %mul3A_367, %transpose3A_360 : vector<128x512xf32>
    %add3A_369 = arith.addf %add3A_330, %mul3A_368 : vector<128x512xf32>
    %slice3A_370 = vector.extract_strided_slice %slice3A_361 {offsets = [2, 0], sizes = [1, 512], strides = [1, 1]} : vector<8x512xf32> to vector<1x512xf32>
    %mul3A_371 = vector.broadcast %slice3A_370 : vector<1x512xf32> to vector<128x512xf32>
    %mul3A_372 = arith.mulf %mul3A_371, %transpose3A_360 : vector<128x512xf32>
    %add3A_373 = arith.addf %add3A_334, %mul3A_372 : vector<128x512xf32>
    %slice3A_374 = vector.extract_strided_slice %slice3A_361 {offsets = [3, 0], sizes = [1, 512], strides = [1, 1]} : vector<8x512xf32> to vector<1x512xf32>
    %mul3A_375 = vector.broadcast %slice3A_374 : vector<1x512xf32> to vector<128x512xf32>
    %mul3A_376 = arith.mulf %mul3A_375, %transpose3A_360 : vector<128x512xf32>
    %add3A_377 = arith.addf %add3A_338, %mul3A_376 : vector<128x512xf32>
    %slice3A_378 = vector.extract_strided_slice %slice3A_361 {offsets = [4, 0], sizes = [1, 512], strides = [1, 1]} : vector<8x512xf32> to vector<1x512xf32>
    %mul3A_379 = vector.broadcast %slice3A_378 : vector<1x512xf32> to vector<128x512xf32>
    %mul3A_380 = arith.mulf %mul3A_379, %transpose3A_360 : vector<128x512xf32>
    %add3A_381 = arith.addf %add3A_342, %mul3A_380 : vector<128x512xf32>
    %slice3A_382 = vector.extract_strided_slice %slice3A_361 {offsets = [5, 0], sizes = [1, 512], strides = [1, 1]} : vector<8x512xf32> to vector<1x512xf32>
    %mul3A_383 = vector.broadcast %slice3A_382 : vector<1x512xf32> to vector<128x512xf32>
    %mul3A_384 = arith.mulf %mul3A_383, %transpose3A_360 : vector<128x512xf32>
    %add3A_385 = arith.addf %add3A_346, %mul3A_384 : vector<128x512xf32>
    %slice3A_386 = vector.extract_strided_slice %slice3A_361 {offsets = [6, 0], sizes = [1, 512], strides = [1, 1]} : vector<8x512xf32> to vector<1x512xf32>
    %mul3A_387 = vector.broadcast %slice3A_386 : vector<1x512xf32> to vector<128x512xf32>
    %mul3A_388 = arith.mulf %mul3A_387, %transpose3A_360 : vector<128x512xf32>
    %add3A_389 = arith.addf %add3A_350, %mul3A_388 : vector<128x512xf32>
    %slice3A_390 = vector.extract_strided_slice %slice3A_361 {offsets = [7, 0], sizes = [1, 512], strides = [1, 1]} : vector<8x512xf32> to vector<1x512xf32>
    %mul3A_391 = vector.broadcast %slice3A_390 : vector<1x512xf32> to vector<128x512xf32>
    %mul3A_392 = arith.mulf %mul3A_391, %transpose3A_360 : vector<128x512xf32>
    %add3A_393 = arith.addf %add3A_354, %mul3A_392 : vector<128x512xf32>
    %get3A_394 = arith.constant 9 : index
    %get3A_395 = arith.constant 0 : index
    %get3A_396 = arith.constant 0 : index
    %get3A_397 = vector.load %arg1[%get3A_394, %get3A_395, %get3A_396] : memref<16x512x128xf32, #tpu.memory_space<vmem>>, vector<1x512x128xf32>
    %get3A_398 = vector.shape_cast %get3A_397 : vector<1x512x128xf32> to vector<512x128xf32>
    %transpose3A_399 = tpu.transpose %get3A_398, [1, 0] : vector<512x128xf32> -> vector<128x512xf32>
    %slice3A_400 = vector.extract_strided_slice %div3A_29 {offsets = [0, 4608], sizes = [8, 512], strides = [1, 1]} : vector<8x8192xf32> to vector<8x512xf32>
    %slice3A_401 = vector.extract_strided_slice %slice3A_400 {offsets = [0, 0], sizes = [1, 512], strides = [1, 1]} : vector<8x512xf32> to vector<1x512xf32>
    %mul3A_402 = vector.broadcast %slice3A_401 : vector<1x512xf32> to vector<128x512xf32>
    %mul3A_403 = arith.mulf %mul3A_402, %transpose3A_399 : vector<128x512xf32>
    %add3A_404 = arith.addf %add3A_365, %mul3A_403 : vector<128x512xf32>
    %slice3A_405 = vector.extract_strided_slice %slice3A_400 {offsets = [1, 0], sizes = [1, 512], strides = [1, 1]} : vector<8x512xf32> to vector<1x512xf32>
    %mul3A_406 = vector.broadcast %slice3A_405 : vector<1x512xf32> to vector<128x512xf32>
    %mul3A_407 = arith.mulf %mul3A_406, %transpose3A_399 : vector<128x512xf32>
    %add3A_408 = arith.addf %add3A_369, %mul3A_407 : vector<128x512xf32>
    %slice3A_409 = vector.extract_strided_slice %slice3A_400 {offsets = [2, 0], sizes = [1, 512], strides = [1, 1]} : vector<8x512xf32> to vector<1x512xf32>
    %mul3A_410 = vector.broadcast %slice3A_409 : vector<1x512xf32> to vector<128x512xf32>
    %mul3A_411 = arith.mulf %mul3A_410, %transpose3A_399 : vector<128x512xf32>
    %add3A_412 = arith.addf %add3A_373, %mul3A_411 : vector<128x512xf32>
    %slice3A_413 = vector.extract_strided_slice %slice3A_400 {offsets = [3, 0], sizes = [1, 512], strides = [1, 1]} : vector<8x512xf32> to vector<1x512xf32>
    %mul3A_414 = vector.broadcast %slice3A_413 : vector<1x512xf32> to vector<128x512xf32>
    %mul3A_415 = arith.mulf %mul3A_414, %transpose3A_399 : vector<128x512xf32>
    %add3A_416 = arith.addf %add3A_377, %mul3A_415 : vector<128x512xf32>
    %slice3A_417 = vector.extract_strided_slice %slice3A_400 {offsets = [4, 0], sizes = [1, 512], strides = [1, 1]} : vector<8x512xf32> to vector<1x512xf32>
    %mul3A_418 = vector.broadcast %slice3A_417 : vector<1x512xf32> to vector<128x512xf32>
    %mul3A_419 = arith.mulf %mul3A_418, %transpose3A_399 : vector<128x512xf32>
    %add3A_420 = arith.addf %add3A_381, %mul3A_419 : vector<128x512xf32>
    %slice3A_421 = vector.extract_strided_slice %slice3A_400 {offsets = [5, 0], sizes = [1, 512], strides = [1, 1]} : vector<8x512xf32> to vector<1x512xf32>
    %mul3A_422 = vector.broadcast %slice3A_421 : vector<1x512xf32> to vector<128x512xf32>
    %mul3A_423 = arith.mulf %mul3A_422, %transpose3A_399 : vector<128x512xf32>
    %add3A_424 = arith.addf %add3A_385, %mul3A_423 : vector<128x512xf32>
    %slice3A_425 = vector.extract_strided_slice %slice3A_400 {offsets = [6, 0], sizes = [1, 512], strides = [1, 1]} : vector<8x512xf32> to vector<1x512xf32>
    %mul3A_426 = vector.broadcast %slice3A_425 : vector<1x512xf32> to vector<128x512xf32>
    %mul3A_427 = arith.mulf %mul3A_426, %transpose3A_399 : vector<128x512xf32>
    %add3A_428 = arith.addf %add3A_389, %mul3A_427 : vector<128x512xf32>
    %slice3A_429 = vector.extract_strided_slice %slice3A_400 {offsets = [7, 0], sizes = [1, 512], strides = [1, 1]} : vector<8x512xf32> to vector<1x512xf32>
    %mul3A_430 = vector.broadcast %slice3A_429 : vector<1x512xf32> to vector<128x512xf32>
    %mul3A_431 = arith.mulf %mul3A_430, %transpose3A_399 : vector<128x512xf32>
    %add3A_432 = arith.addf %add3A_393, %mul3A_431 : vector<128x512xf32>
    %get3A_433 = arith.constant 10 : index
    %get3A_434 = arith.constant 0 : index
    %get3A_435 = arith.constant 0 : index
    %get3A_436 = vector.load %arg1[%get3A_433, %get3A_434, %get3A_435] : memref<16x512x128xf32, #tpu.memory_space<vmem>>, vector<1x512x128xf32>
    %get3A_437 = vector.shape_cast %get3A_436 : vector<1x512x128xf32> to vector<512x128xf32>
    %transpose3A_438 = tpu.transpose %get3A_437, [1, 0] : vector<512x128xf32> -> vector<128x512xf32>
    %slice3A_439 = vector.extract_strided_slice %div3A_29 {offsets = [0, 5120], sizes = [8, 512], strides = [1, 1]} : vector<8x8192xf32> to vector<8x512xf32>
    %slice3A_440 = vector.extract_strided_slice %slice3A_439 {offsets = [0, 0], sizes = [1, 512], strides = [1, 1]} : vector<8x512xf32> to vector<1x512xf32>
    %mul3A_441 = vector.broadcast %slice3A_440 : vector<1x512xf32> to vector<128x512xf32>
    %mul3A_442 = arith.mulf %mul3A_441, %transpose3A_438 : vector<128x512xf32>
    %add3A_443 = arith.addf %add3A_404, %mul3A_442 : vector<128x512xf32>
    %slice3A_444 = vector.extract_strided_slice %slice3A_439 {offsets = [1, 0], sizes = [1, 512], strides = [1, 1]} : vector<8x512xf32> to vector<1x512xf32>
    %mul3A_445 = vector.broadcast %slice3A_444 : vector<1x512xf32> to vector<128x512xf32>
    %mul3A_446 = arith.mulf %mul3A_445, %transpose3A_438 : vector<128x512xf32>
    %add3A_447 = arith.addf %add3A_408, %mul3A_446 : vector<128x512xf32>
    %slice3A_448 = vector.extract_strided_slice %slice3A_439 {offsets = [2, 0], sizes = [1, 512], strides = [1, 1]} : vector<8x512xf32> to vector<1x512xf32>
    %mul3A_449 = vector.broadcast %slice3A_448 : vector<1x512xf32> to vector<128x512xf32>
    %mul3A_450 = arith.mulf %mul3A_449, %transpose3A_438 : vector<128x512xf32>
    %add3A_451 = arith.addf %add3A_412, %mul3A_450 : vector<128x512xf32>
    %slice3A_452 = vector.extract_strided_slice %slice3A_439 {offsets = [3, 0], sizes = [1, 512], strides = [1, 1]} : vector<8x512xf32> to vector<1x512xf32>
    %mul3A_453 = vector.broadcast %slice3A_452 : vector<1x512xf32> to vector<128x512xf32>
    %mul3A_454 = arith.mulf %mul3A_453, %transpose3A_438 : vector<128x512xf32>
    %add3A_455 = arith.addf %add3A_416, %mul3A_454 : vector<128x512xf32>
    %slice3A_456 = vector.extract_strided_slice %slice3A_439 {offsets = [4, 0], sizes = [1, 512], strides = [1, 1]} : vector<8x512xf32> to vector<1x512xf32>
    %mul3A_457 = vector.broadcast %slice3A_456 : vector<1x512xf32> to vector<128x512xf32>
    %mul3A_458 = arith.mulf %mul3A_457, %transpose3A_438 : vector<128x512xf32>
    %add3A_459 = arith.addf %add3A_420, %mul3A_458 : vector<128x512xf32>
    %slice3A_460 = vector.extract_strided_slice %slice3A_439 {offsets = [5, 0], sizes = [1, 512], strides = [1, 1]} : vector<8x512xf32> to vector<1x512xf32>
    %mul3A_461 = vector.broadcast %slice3A_460 : vector<1x512xf32> to vector<128x512xf32>
    %mul3A_462 = arith.mulf %mul3A_461, %transpose3A_438 : vector<128x512xf32>
    %add3A_463 = arith.addf %add3A_424, %mul3A_462 : vector<128x512xf32>
    %slice3A_464 = vector.extract_strided_slice %slice3A_439 {offsets = [6, 0], sizes = [1, 512], strides = [1, 1]} : vector<8x512xf32> to vector<1x512xf32>
    %mul3A_465 = vector.broadcast %slice3A_464 : vector<1x512xf32> to vector<128x512xf32>
    %mul3A_466 = arith.mulf %mul3A_465, %transpose3A_438 : vector<128x512xf32>
    %add3A_467 = arith.addf %add3A_428, %mul3A_466 : vector<128x512xf32>
    %slice3A_468 = vector.extract_strided_slice %slice3A_439 {offsets = [7, 0], sizes = [1, 512], strides = [1, 1]} : vector<8x512xf32> to vector<1x512xf32>
    %mul3A_469 = vector.broadcast %slice3A_468 : vector<1x512xf32> to vector<128x512xf32>
    %mul3A_470 = arith.mulf %mul3A_469, %transpose3A_438 : vector<128x512xf32>
    %add3A_471 = arith.addf %add3A_432, %mul3A_470 : vector<128x512xf32>
    %get3A_472 = arith.constant 11 : index
    %get3A_473 = arith.constant 0 : index
    %get3A_474 = arith.constant 0 : index
    %get3A_475 = vector.load %arg1[%get3A_472, %get3A_473, %get3A_474] : memref<16x512x128xf32, #tpu.memory_space<vmem>>, vector<1x512x128xf32>
    %get3A_476 = vector.shape_cast %get3A_475 : vector<1x512x128xf32> to vector<512x128xf32>
    %transpose3A_477 = tpu.transpose %get3A_476, [1, 0] : vector<512x128xf32> -> vector<128x512xf32>
    %slice3A_478 = vector.extract_strided_slice %div3A_29 {offsets = [0, 5632], sizes = [8, 512], strides = [1, 1]} : vector<8x8192xf32> to vector<8x512xf32>
    %slice3A_479 = vector.extract_strided_slice %slice3A_478 {offsets = [0, 0], sizes = [1, 512], strides = [1, 1]} : vector<8x512xf32> to vector<1x512xf32>
    %mul3A_480 = vector.broadcast %slice3A_479 : vector<1x512xf32> to vector<128x512xf32>
    %mul3A_481 = arith.mulf %mul3A_480, %transpose3A_477 : vector<128x512xf32>
    %add3A_482 = arith.addf %add3A_443, %mul3A_481 : vector<128x512xf32>
    %slice3A_483 = vector.extract_strided_slice %slice3A_478 {offsets = [1, 0], sizes = [1, 512], strides = [1, 1]} : vector<8x512xf32> to vector<1x512xf32>
    %mul3A_484 = vector.broadcast %slice3A_483 : vector<1x512xf32> to vector<128x512xf32>
    %mul3A_485 = arith.mulf %mul3A_484, %transpose3A_477 : vector<128x512xf32>
    %add3A_486 = arith.addf %add3A_447, %mul3A_485 : vector<128x512xf32>
    %slice3A_487 = vector.extract_strided_slice %slice3A_478 {offsets = [2, 0], sizes = [1, 512], strides = [1, 1]} : vector<8x512xf32> to vector<1x512xf32>
    %mul3A_488 = vector.broadcast %slice3A_487 : vector<1x512xf32> to vector<128x512xf32>
    %mul3A_489 = arith.mulf %mul3A_488, %transpose3A_477 : vector<128x512xf32>
    %add3A_490 = arith.addf %add3A_451, %mul3A_489 : vector<128x512xf32>
    %slice3A_491 = vector.extract_strided_slice %slice3A_478 {offsets = [3, 0], sizes = [1, 512], strides = [1, 1]} : vector<8x512xf32> to vector<1x512xf32>
    %mul3A_492 = vector.broadcast %slice3A_491 : vector<1x512xf32> to vector<128x512xf32>
    %mul3A_493 = arith.mulf %mul3A_492, %transpose3A_477 : vector<128x512xf32>
    %add3A_494 = arith.addf %add3A_455, %mul3A_493 : vector<128x512xf32>
    %slice3A_495 = vector.extract_strided_slice %slice3A_478 {offsets = [4, 0], sizes = [1, 512], strides = [1, 1]} : vector<8x512xf32> to vector<1x512xf32>
    %mul3A_496 = vector.broadcast %slice3A_495 : vector<1x512xf32> to vector<128x512xf32>
    %mul3A_497 = arith.mulf %mul3A_496, %transpose3A_477 : vector<128x512xf32>
    %add3A_498 = arith.addf %add3A_459, %mul3A_497 : vector<128x512xf32>
    %slice3A_499 = vector.extract_strided_slice %slice3A_478 {offsets = [5, 0], sizes = [1, 512], strides = [1, 1]} : vector<8x512xf32> to vector<1x512xf32>
    %mul3A_500 = vector.broadcast %slice3A_499 : vector<1x512xf32> to vector<128x512xf32>
    %mul3A_501 = arith.mulf %mul3A_500, %transpose3A_477 : vector<128x512xf32>
    %add3A_502 = arith.addf %add3A_463, %mul3A_501 : vector<128x512xf32>
    %slice3A_503 = vector.extract_strided_slice %slice3A_478 {offsets = [6, 0], sizes = [1, 512], strides = [1, 1]} : vector<8x512xf32> to vector<1x512xf32>
    %mul3A_504 = vector.broadcast %slice3A_503 : vector<1x512xf32> to vector<128x512xf32>
    %mul3A_505 = arith.mulf %mul3A_504, %transpose3A_477 : vector<128x512xf32>
    %add3A_506 = arith.addf %add3A_467, %mul3A_505 : vector<128x512xf32>
    %slice3A_507 = vector.extract_strided_slice %slice3A_478 {offsets = [7, 0], sizes = [1, 512], strides = [1, 1]} : vector<8x512xf32> to vector<1x512xf32>
    %mul3A_508 = vector.broadcast %slice3A_507 : vector<1x512xf32> to vector<128x512xf32>
    %mul3A_509 = arith.mulf %mul3A_508, %transpose3A_477 : vector<128x512xf32>
    %add3A_510 = arith.addf %add3A_471, %mul3A_509 : vector<128x512xf32>
    %get3A_511 = arith.constant 12 : index
    %get3A_512 = arith.constant 0 : index
    %get3A_513 = arith.constant 0 : index
    %get3A_514 = vector.load %arg1[%get3A_511, %get3A_512, %get3A_513] : memref<16x512x128xf32, #tpu.memory_space<vmem>>, vector<1x512x128xf32>
    %get3A_515 = vector.shape_cast %get3A_514 : vector<1x512x128xf32> to vector<512x128xf32>
    %transpose3A_516 = tpu.transpose %get3A_515, [1, 0] : vector<512x128xf32> -> vector<128x512xf32>
    %slice3A_517 = vector.extract_strided_slice %div3A_29 {offsets = [0, 6144], sizes = [8, 512], strides = [1, 1]} : vector<8x8192xf32> to vector<8x512xf32>
    %slice3A_518 = vector.extract_strided_slice %slice3A_517 {offsets = [0, 0], sizes = [1, 512], strides = [1, 1]} : vector<8x512xf32> to vector<1x512xf32>
    %mul3A_519 = vector.broadcast %slice3A_518 : vector<1x512xf32> to vector<128x512xf32>
    %mul3A_520 = arith.mulf %mul3A_519, %transpose3A_516 : vector<128x512xf32>
    %add3A_521 = arith.addf %add3A_482, %mul3A_520 : vector<128x512xf32>
    %slice3A_522 = vector.extract_strided_slice %slice3A_517 {offsets = [1, 0], sizes = [1, 512], strides = [1, 1]} : vector<8x512xf32> to vector<1x512xf32>
    %mul3A_523 = vector.broadcast %slice3A_522 : vector<1x512xf32> to vector<128x512xf32>
    %mul3A_524 = arith.mulf %mul3A_523, %transpose3A_516 : vector<128x512xf32>
    %add3A_525 = arith.addf %add3A_486, %mul3A_524 : vector<128x512xf32>
    %slice3A_526 = vector.extract_strided_slice %slice3A_517 {offsets = [2, 0], sizes = [1, 512], strides = [1, 1]} : vector<8x512xf32> to vector<1x512xf32>
    %mul3A_527 = vector.broadcast %slice3A_526 : vector<1x512xf32> to vector<128x512xf32>
    %mul3A_528 = arith.mulf %mul3A_527, %transpose3A_516 : vector<128x512xf32>
    %add3A_529 = arith.addf %add3A_490, %mul3A_528 : vector<128x512xf32>
    %slice3A_530 = vector.extract_strided_slice %slice3A_517 {offsets = [3, 0], sizes = [1, 512], strides = [1, 1]} : vector<8x512xf32> to vector<1x512xf32>
    %mul3A_531 = vector.broadcast %slice3A_530 : vector<1x512xf32> to vector<128x512xf32>
    %mul3A_532 = arith.mulf %mul3A_531, %transpose3A_516 : vector<128x512xf32>
    %add3A_533 = arith.addf %add3A_494, %mul3A_532 : vector<128x512xf32>
    %slice3A_534 = vector.extract_strided_slice %slice3A_517 {offsets = [4, 0], sizes = [1, 512], strides = [1, 1]} : vector<8x512xf32> to vector<1x512xf32>
    %mul3A_535 = vector.broadcast %slice3A_534 : vector<1x512xf32> to vector<128x512xf32>
    %mul3A_536 = arith.mulf %mul3A_535, %transpose3A_516 : vector<128x512xf32>
    %add3A_537 = arith.addf %add3A_498, %mul3A_536 : vector<128x512xf32>
    %slice3A_538 = vector.extract_strided_slice %slice3A_517 {offsets = [5, 0], sizes = [1, 512], strides = [1, 1]} : vector<8x512xf32> to vector<1x512xf32>
    %mul3A_539 = vector.broadcast %slice3A_538 : vector<1x512xf32> to vector<128x512xf32>
    %mul3A_540 = arith.mulf %mul3A_539, %transpose3A_516 : vector<128x512xf32>
    %add3A_541 = arith.addf %add3A_502, %mul3A_540 : vector<128x512xf32>
    %slice3A_542 = vector.extract_strided_slice %slice3A_517 {offsets = [6, 0], sizes = [1, 512], strides = [1, 1]} : vector<8x512xf32> to vector<1x512xf32>
    %mul3A_543 = vector.broadcast %slice3A_542 : vector<1x512xf32> to vector<128x512xf32>
    %mul3A_544 = arith.mulf %mul3A_543, %transpose3A_516 : vector<128x512xf32>
    %add3A_545 = arith.addf %add3A_506, %mul3A_544 : vector<128x512xf32>
    %slice3A_546 = vector.extract_strided_slice %slice3A_517 {offsets = [7, 0], sizes = [1, 512], strides = [1, 1]} : vector<8x512xf32> to vector<1x512xf32>
    %mul3A_547 = vector.broadcast %slice3A_546 : vector<1x512xf32> to vector<128x512xf32>
    %mul3A_548 = arith.mulf %mul3A_547, %transpose3A_516 : vector<128x512xf32>
    %add3A_549 = arith.addf %add3A_510, %mul3A_548 : vector<128x512xf32>
    %get3A_550 = arith.constant 13 : index
    %get3A_551 = arith.constant 0 : index
    %get3A_552 = arith.constant 0 : index
    %get3A_553 = vector.load %arg1[%get3A_550, %get3A_551, %get3A_552] : memref<16x512x128xf32, #tpu.memory_space<vmem>>, vector<1x512x128xf32>
    %get3A_554 = vector.shape_cast %get3A_553 : vector<1x512x128xf32> to vector<512x128xf32>
    %transpose3A_555 = tpu.transpose %get3A_554, [1, 0] : vector<512x128xf32> -> vector<128x512xf32>
    %slice3A_556 = vector.extract_strided_slice %div3A_29 {offsets = [0, 6656], sizes = [8, 512], strides = [1, 1]} : vector<8x8192xf32> to vector<8x512xf32>
    %slice3A_557 = vector.extract_strided_slice %slice3A_556 {offsets = [0, 0], sizes = [1, 512], strides = [1, 1]} : vector<8x512xf32> to vector<1x512xf32>
    %mul3A_558 = vector.broadcast %slice3A_557 : vector<1x512xf32> to vector<128x512xf32>
    %mul3A_559 = arith.mulf %mul3A_558, %transpose3A_555 : vector<128x512xf32>
    %add3A_560 = arith.addf %add3A_521, %mul3A_559 : vector<128x512xf32>
    %slice3A_561 = vector.extract_strided_slice %slice3A_556 {offsets = [1, 0], sizes = [1, 512], strides = [1, 1]} : vector<8x512xf32> to vector<1x512xf32>
    %mul3A_562 = vector.broadcast %slice3A_561 : vector<1x512xf32> to vector<128x512xf32>
    %mul3A_563 = arith.mulf %mul3A_562, %transpose3A_555 : vector<128x512xf32>
    %add3A_564 = arith.addf %add3A_525, %mul3A_563 : vector<128x512xf32>
    %slice3A_565 = vector.extract_strided_slice %slice3A_556 {offsets = [2, 0], sizes = [1, 512], strides = [1, 1]} : vector<8x512xf32> to vector<1x512xf32>
    %mul3A_566 = vector.broadcast %slice3A_565 : vector<1x512xf32> to vector<128x512xf32>
    %mul3A_567 = arith.mulf %mul3A_566, %transpose3A_555 : vector<128x512xf32>
    %add3A_568 = arith.addf %add3A_529, %mul3A_567 : vector<128x512xf32>
    %slice3A_569 = vector.extract_strided_slice %slice3A_556 {offsets = [3, 0], sizes = [1, 512], strides = [1, 1]} : vector<8x512xf32> to vector<1x512xf32>
    %mul3A_570 = vector.broadcast %slice3A_569 : vector<1x512xf32> to vector<128x512xf32>
    %mul3A_571 = arith.mulf %mul3A_570, %transpose3A_555 : vector<128x512xf32>
    %add3A_572 = arith.addf %add3A_533, %mul3A_571 : vector<128x512xf32>
    %slice3A_573 = vector.extract_strided_slice %slice3A_556 {offsets = [4, 0], sizes = [1, 512], strides = [1, 1]} : vector<8x512xf32> to vector<1x512xf32>
    %mul3A_574 = vector.broadcast %slice3A_573 : vector<1x512xf32> to vector<128x512xf32>
    %mul3A_575 = arith.mulf %mul3A_574, %transpose3A_555 : vector<128x512xf32>
    %add3A_576 = arith.addf %add3A_537, %mul3A_575 : vector<128x512xf32>
    %slice3A_577 = vector.extract_strided_slice %slice3A_556 {offsets = [5, 0], sizes = [1, 512], strides = [1, 1]} : vector<8x512xf32> to vector<1x512xf32>
    %mul3A_578 = vector.broadcast %slice3A_577 : vector<1x512xf32> to vector<128x512xf32>
    %mul3A_579 = arith.mulf %mul3A_578, %transpose3A_555 : vector<128x512xf32>
    %add3A_580 = arith.addf %add3A_541, %mul3A_579 : vector<128x512xf32>
    %slice3A_581 = vector.extract_strided_slice %slice3A_556 {offsets = [6, 0], sizes = [1, 512], strides = [1, 1]} : vector<8x512xf32> to vector<1x512xf32>
    %mul3A_582 = vector.broadcast %slice3A_581 : vector<1x512xf32> to vector<128x512xf32>
    %mul3A_583 = arith.mulf %mul3A_582, %transpose3A_555 : vector<128x512xf32>
    %add3A_584 = arith.addf %add3A_545, %mul3A_583 : vector<128x512xf32>
    %slice3A_585 = vector.extract_strided_slice %slice3A_556 {offsets = [7, 0], sizes = [1, 512], strides = [1, 1]} : vector<8x512xf32> to vector<1x512xf32>
    %mul3A_586 = vector.broadcast %slice3A_585 : vector<1x512xf32> to vector<128x512xf32>
    %mul3A_587 = arith.mulf %mul3A_586, %transpose3A_555 : vector<128x512xf32>
    %add3A_588 = arith.addf %add3A_549, %mul3A_587 : vector<128x512xf32>
    %get3A_589 = arith.constant 14 : index
    %get3A_590 = arith.constant 0 : index
    %get3A_591 = arith.constant 0 : index
    %get3A_592 = vector.load %arg1[%get3A_589, %get3A_590, %get3A_591] : memref<16x512x128xf32, #tpu.memory_space<vmem>>, vector<1x512x128xf32>
    %get3A_593 = vector.shape_cast %get3A_592 : vector<1x512x128xf32> to vector<512x128xf32>
    %transpose3A_594 = tpu.transpose %get3A_593, [1, 0] : vector<512x128xf32> -> vector<128x512xf32>
    %slice3A_595 = vector.extract_strided_slice %div3A_29 {offsets = [0, 7168], sizes = [8, 512], strides = [1, 1]} : vector<8x8192xf32> to vector<8x512xf32>
    %slice3A_596 = vector.extract_strided_slice %slice3A_595 {offsets = [0, 0], sizes = [1, 512], strides = [1, 1]} : vector<8x512xf32> to vector<1x512xf32>
    %mul3A_597 = vector.broadcast %slice3A_596 : vector<1x512xf32> to vector<128x512xf32>
    %mul3A_598 = arith.mulf %mul3A_597, %transpose3A_594 : vector<128x512xf32>
    %add3A_599 = arith.addf %add3A_560, %mul3A_598 : vector<128x512xf32>
    %slice3A_600 = vector.extract_strided_slice %slice3A_595 {offsets = [1, 0], sizes = [1, 512], strides = [1, 1]} : vector<8x512xf32> to vector<1x512xf32>
    %mul3A_601 = vector.broadcast %slice3A_600 : vector<1x512xf32> to vector<128x512xf32>
    %mul3A_602 = arith.mulf %mul3A_601, %transpose3A_594 : vector<128x512xf32>
    %add3A_603 = arith.addf %add3A_564, %mul3A_602 : vector<128x512xf32>
    %slice3A_604 = vector.extract_strided_slice %slice3A_595 {offsets = [2, 0], sizes = [1, 512], strides = [1, 1]} : vector<8x512xf32> to vector<1x512xf32>
    %mul3A_605 = vector.broadcast %slice3A_604 : vector<1x512xf32> to vector<128x512xf32>
    %mul3A_606 = arith.mulf %mul3A_605, %transpose3A_594 : vector<128x512xf32>
    %add3A_607 = arith.addf %add3A_568, %mul3A_606 : vector<128x512xf32>
    %slice3A_608 = vector.extract_strided_slice %slice3A_595 {offsets = [3, 0], sizes = [1, 512], strides = [1, 1]} : vector<8x512xf32> to vector<1x512xf32>
    %mul3A_609 = vector.broadcast %slice3A_608 : vector<1x512xf32> to vector<128x512xf32>
    %mul3A_610 = arith.mulf %mul3A_609, %transpose3A_594 : vector<128x512xf32>
    %add3A_611 = arith.addf %add3A_572, %mul3A_610 : vector<128x512xf32>
    %slice3A_612 = vector.extract_strided_slice %slice3A_595 {offsets = [4, 0], sizes = [1, 512], strides = [1, 1]} : vector<8x512xf32> to vector<1x512xf32>
    %mul3A_613 = vector.broadcast %slice3A_612 : vector<1x512xf32> to vector<128x512xf32>
    %mul3A_614 = arith.mulf %mul3A_613, %transpose3A_594 : vector<128x512xf32>
    %add3A_615 = arith.addf %add3A_576, %mul3A_614 : vector<128x512xf32>
    %slice3A_616 = vector.extract_strided_slice %slice3A_595 {offsets = [5, 0], sizes = [1, 512], strides = [1, 1]} : vector<8x512xf32> to vector<1x512xf32>
    %mul3A_617 = vector.broadcast %slice3A_616 : vector<1x512xf32> to vector<128x512xf32>
    %mul3A_618 = arith.mulf %mul3A_617, %transpose3A_594 : vector<128x512xf32>
    %add3A_619 = arith.addf %add3A_580, %mul3A_618 : vector<128x512xf32>
    %slice3A_620 = vector.extract_strided_slice %slice3A_595 {offsets = [6, 0], sizes = [1, 512], strides = [1, 1]} : vector<8x512xf32> to vector<1x512xf32>
    %mul3A_621 = vector.broadcast %slice3A_620 : vector<1x512xf32> to vector<128x512xf32>
    %mul3A_622 = arith.mulf %mul3A_621, %transpose3A_594 : vector<128x512xf32>
    %add3A_623 = arith.addf %add3A_584, %mul3A_622 : vector<128x512xf32>
    %slice3A_624 = vector.extract_strided_slice %slice3A_595 {offsets = [7, 0], sizes = [1, 512], strides = [1, 1]} : vector<8x512xf32> to vector<1x512xf32>
    %mul3A_625 = vector.broadcast %slice3A_624 : vector<1x512xf32> to vector<128x512xf32>
    %mul3A_626 = arith.mulf %mul3A_625, %transpose3A_594 : vector<128x512xf32>
    %add3A_627 = arith.addf %add3A_588, %mul3A_626 : vector<128x512xf32>
    %get3A_628 = arith.constant 15 : index
    %get3A_629 = arith.constant 0 : index
    %get3A_630 = arith.constant 0 : index
    %get3A_631 = vector.load %arg1[%get3A_628, %get3A_629, %get3A_630] : memref<16x512x128xf32, #tpu.memory_space<vmem>>, vector<1x512x128xf32>
    %get3A_632 = vector.shape_cast %get3A_631 : vector<1x512x128xf32> to vector<512x128xf32>
    %transpose3A_633 = tpu.transpose %get3A_632, [1, 0] : vector<512x128xf32> -> vector<128x512xf32>
    %slice3A_634 = vector.extract_strided_slice %div3A_29 {offsets = [0, 7680], sizes = [8, 512], strides = [1, 1]} : vector<8x8192xf32> to vector<8x512xf32>
    %slice3A_635 = vector.extract_strided_slice %slice3A_634 {offsets = [0, 0], sizes = [1, 512], strides = [1, 1]} : vector<8x512xf32> to vector<1x512xf32>
    %mul3A_636 = vector.broadcast %slice3A_635 : vector<1x512xf32> to vector<128x512xf32>
    %mul3A_637 = arith.mulf %mul3A_636, %transpose3A_633 : vector<128x512xf32>
    %add3A_638 = arith.addf %add3A_599, %mul3A_637 : vector<128x512xf32>
    %slice3A_639 = vector.extract_strided_slice %slice3A_634 {offsets = [1, 0], sizes = [1, 512], strides = [1, 1]} : vector<8x512xf32> to vector<1x512xf32>
    %mul3A_640 = vector.broadcast %slice3A_639 : vector<1x512xf32> to vector<128x512xf32>
    %mul3A_641 = arith.mulf %mul3A_640, %transpose3A_633 : vector<128x512xf32>
    %add3A_642 = arith.addf %add3A_603, %mul3A_641 : vector<128x512xf32>
    %slice3A_643 = vector.extract_strided_slice %slice3A_634 {offsets = [2, 0], sizes = [1, 512], strides = [1, 1]} : vector<8x512xf32> to vector<1x512xf32>
    %mul3A_644 = vector.broadcast %slice3A_643 : vector<1x512xf32> to vector<128x512xf32>
    %mul3A_645 = arith.mulf %mul3A_644, %transpose3A_633 : vector<128x512xf32>
    %add3A_646 = arith.addf %add3A_607, %mul3A_645 : vector<128x512xf32>
    %slice3A_647 = vector.extract_strided_slice %slice3A_634 {offsets = [3, 0], sizes = [1, 512], strides = [1, 1]} : vector<8x512xf32> to vector<1x512xf32>
    %mul3A_648 = vector.broadcast %slice3A_647 : vector<1x512xf32> to vector<128x512xf32>
    %mul3A_649 = arith.mulf %mul3A_648, %transpose3A_633 : vector<128x512xf32>
    %add3A_650 = arith.addf %add3A_611, %mul3A_649 : vector<128x512xf32>
    %slice3A_651 = vector.extract_strided_slice %slice3A_634 {offsets = [4, 0], sizes = [1, 512], strides = [1, 1]} : vector<8x512xf32> to vector<1x512xf32>
    %mul3A_652 = vector.broadcast %slice3A_651 : vector<1x512xf32> to vector<128x512xf32>
    %mul3A_653 = arith.mulf %mul3A_652, %transpose3A_633 : vector<128x512xf32>
    %add3A_654 = arith.addf %add3A_615, %mul3A_653 : vector<128x512xf32>
    %slice3A_655 = vector.extract_strided_slice %slice3A_634 {offsets = [5, 0], sizes = [1, 512], strides = [1, 1]} : vector<8x512xf32> to vector<1x512xf32>
    %mul3A_656 = vector.broadcast %slice3A_655 : vector<1x512xf32> to vector<128x512xf32>
    %mul3A_657 = arith.mulf %mul3A_656, %transpose3A_633 : vector<128x512xf32>
    %add3A_658 = arith.addf %add3A_619, %mul3A_657 : vector<128x512xf32>
    %slice3A_659 = vector.extract_strided_slice %slice3A_634 {offsets = [6, 0], sizes = [1, 512], strides = [1, 1]} : vector<8x512xf32> to vector<1x512xf32>
    %mul3A_660 = vector.broadcast %slice3A_659 : vector<1x512xf32> to vector<128x512xf32>
    %mul3A_661 = arith.mulf %mul3A_660, %transpose3A_633 : vector<128x512xf32>
    %add3A_662 = arith.addf %add3A_623, %mul3A_661 : vector<128x512xf32>
    %slice3A_663 = vector.extract_strided_slice %slice3A_634 {offsets = [7, 0], sizes = [1, 512], strides = [1, 1]} : vector<8x512xf32> to vector<1x512xf32>
    %mul3A_664 = vector.broadcast %slice3A_663 : vector<1x512xf32> to vector<128x512xf32>
    %mul3A_665 = arith.mulf %mul3A_664, %transpose3A_633 : vector<128x512xf32>
    %add3A_666 = arith.addf %add3A_627, %mul3A_665 : vector<128x512xf32>
    %get3A_667 = arith.constant 0 : index
    %get3A_668 = arith.constant 0 : index
    %get3A_669 = arith.constant 0 : index
    %get3A_670 = vector.load %arg7[%get3A_667, %get3A_668, %get3A_669] : memref<8x128x128xf32, #tpu.memory_space<vmem>>, vector<1x128x128xf32>
    %get3A_671 = vector.shape_cast %get3A_670 : vector<1x128x128xf32> to vector<128x128xf32>
    %dot_general3A_672 = arith.constant dense<0.000000e+00> : vector<128x512xf32>
    %dot_general3A_673 = tpu.matmul %get3A_671, %add3A_638, %dot_general3A_672 {dimension_numbers = #tpu.dot_dimension_numbers<[0], [0], [1], [1], [0, 1, 1, 1], [], []>, transpose_lhs_hint = false} : vector<128x128xf32>, vector<128x512xf32>, vector<128x512xf32> -> vector<128x512xf32>
    %get3A_674 = arith.constant 1 : index
    %get3A_675 = arith.constant 0 : index
    %get3A_676 = arith.constant 0 : index
    %get3A_677 = vector.load %arg7[%get3A_674, %get3A_675, %get3A_676] : memref<8x128x128xf32, #tpu.memory_space<vmem>>, vector<1x128x128xf32>
    %get3A_678 = vector.shape_cast %get3A_677 : vector<1x128x128xf32> to vector<128x128xf32>
    %dot_general3A_679 = arith.constant dense<0.000000e+00> : vector<128x512xf32>
    %dot_general3A_680 = tpu.matmul %get3A_678, %add3A_642, %dot_general3A_679 {dimension_numbers = #tpu.dot_dimension_numbers<[0], [0], [1], [1], [0, 1, 1, 1], [], []>, transpose_lhs_hint = false} : vector<128x128xf32>, vector<128x512xf32>, vector<128x512xf32> -> vector<128x512xf32>
    %add3A_681 = arith.addf %dot_general3A_673, %dot_general3A_680 : vector<128x512xf32>
    %get3A_682 = arith.constant 2 : index
    %get3A_683 = arith.constant 0 : index
    %get3A_684 = arith.constant 0 : index
    %get3A_685 = vector.load %arg7[%get3A_682, %get3A_683, %get3A_684] : memref<8x128x128xf32, #tpu.memory_space<vmem>>, vector<1x128x128xf32>
    %get3A_686 = vector.shape_cast %get3A_685 : vector<1x128x128xf32> to vector<128x128xf32>
    %dot_general3A_687 = arith.constant dense<0.000000e+00> : vector<128x512xf32>
    %dot_general3A_688 = tpu.matmul %get3A_686, %add3A_646, %dot_general3A_687 {dimension_numbers = #tpu.dot_dimension_numbers<[0], [0], [1], [1], [0, 1, 1, 1], [], []>, transpose_lhs_hint = false} : vector<128x128xf32>, vector<128x512xf32>, vector<128x512xf32> -> vector<128x512xf32>
    %add3A_689 = arith.addf %add3A_681, %dot_general3A_688 : vector<128x512xf32>
    %get3A_690 = arith.constant 3 : index
    %get3A_691 = arith.constant 0 : index
    %get3A_692 = arith.constant 0 : index
    %get3A_693 = vector.load %arg7[%get3A_690, %get3A_691, %get3A_692] : memref<8x128x128xf32, #tpu.memory_space<vmem>>, vector<1x128x128xf32>
    %get3A_694 = vector.shape_cast %get3A_693 : vector<1x128x128xf32> to vector<128x128xf32>
    %dot_general3A_695 = arith.constant dense<0.000000e+00> : vector<128x512xf32>
    %dot_general3A_696 = tpu.matmul %get3A_694, %add3A_650, %dot_general3A_695 {dimension_numbers = #tpu.dot_dimension_numbers<[0], [0], [1], [1], [0, 1, 1, 1], [], []>, transpose_lhs_hint = false} : vector<128x128xf32>, vector<128x512xf32>, vector<128x512xf32> -> vector<128x512xf32>
    %add3A_697 = arith.addf %add3A_689, %dot_general3A_696 : vector<128x512xf32>
    %get3A_698 = arith.constant 4 : index
    %get3A_699 = arith.constant 0 : index
    %get3A_700 = arith.constant 0 : index
    %get3A_701 = vector.load %arg7[%get3A_698, %get3A_699, %get3A_700] : memref<8x128x128xf32, #tpu.memory_space<vmem>>, vector<1x128x128xf32>
    %get3A_702 = vector.shape_cast %get3A_701 : vector<1x128x128xf32> to vector<128x128xf32>
    %dot_general3A_703 = arith.constant dense<0.000000e+00> : vector<128x512xf32>
    %dot_general3A_704 = tpu.matmul %get3A_702, %add3A_654, %dot_general3A_703 {dimension_numbers = #tpu.dot_dimension_numbers<[0], [0], [1], [1], [0, 1, 1, 1], [], []>, transpose_lhs_hint = false} : vector<128x128xf32>, vector<128x512xf32>, vector<128x512xf32> -> vector<128x512xf32>
    %add3A_705 = arith.addf %add3A_697, %dot_general3A_704 : vector<128x512xf32>
    %get3A_706 = arith.constant 5 : index
    %get3A_707 = arith.constant 0 : index
    %get3A_708 = arith.constant 0 : index
    %get3A_709 = vector.load %arg7[%get3A_706, %get3A_707, %get3A_708] : memref<8x128x128xf32, #tpu.memory_space<vmem>>, vector<1x128x128xf32>
    %get3A_710 = vector.shape_cast %get3A_709 : vector<1x128x128xf32> to vector<128x128xf32>
    %dot_general3A_711 = arith.constant dense<0.000000e+00> : vector<128x512xf32>
    %dot_general3A_712 = tpu.matmul %get3A_710, %add3A_658, %dot_general3A_711 {dimension_numbers = #tpu.dot_dimension_numbers<[0], [0], [1], [1], [0, 1, 1, 1], [], []>, transpose_lhs_hint = false} : vector<128x128xf32>, vector<128x512xf32>, vector<128x512xf32> -> vector<128x512xf32>
    %add3A_713 = arith.addf %add3A_705, %dot_general3A_712 : vector<128x512xf32>
    %get3A_714 = arith.constant 6 : index
    %get3A_715 = arith.constant 0 : index
    %get3A_716 = arith.constant 0 : index
    %get3A_717 = vector.load %arg7[%get3A_714, %get3A_715, %get3A_716] : memref<8x128x128xf32, #tpu.memory_space<vmem>>, vector<1x128x128xf32>
    %get3A_718 = vector.shape_cast %get3A_717 : vector<1x128x128xf32> to vector<128x128xf32>
    %dot_general3A_719 = arith.constant dense<0.000000e+00> : vector<128x512xf32>
    %dot_general3A_720 = tpu.matmul %get3A_718, %add3A_662, %dot_general3A_719 {dimension_numbers = #tpu.dot_dimension_numbers<[0], [0], [1], [1], [0, 1, 1, 1], [], []>, transpose_lhs_hint = false} : vector<128x128xf32>, vector<128x512xf32>, vector<128x512xf32> -> vector<128x512xf32>
    %add3A_721 = arith.addf %add3A_713, %dot_general3A_720 : vector<128x512xf32>
    %get3A_722 = arith.constant 7 : index
    %get3A_723 = arith.constant 0 : index
    %get3A_724 = arith.constant 0 : index
    %get3A_725 = vector.load %arg7[%get3A_722, %get3A_723, %get3A_724] : memref<8x128x128xf32, #tpu.memory_space<vmem>>, vector<1x128x128xf32>
    %get3A_726 = vector.shape_cast %get3A_725 : vector<1x128x128xf32> to vector<128x128xf32>
    %dot_general3A_727 = arith.constant dense<0.000000e+00> : vector<128x512xf32>
    %dot_general3A_728 = tpu.matmul %get3A_726, %add3A_666, %dot_general3A_727 {dimension_numbers = #tpu.dot_dimension_numbers<[0], [0], [1], [1], [0, 1, 1, 1], [], []>, transpose_lhs_hint = false} : vector<128x128xf32>, vector<128x512xf32>, vector<128x512xf32> -> vector<128x512xf32>
    %add3A_729 = arith.addf %add3A_721, %dot_general3A_728 : vector<128x512xf32>
    %get3A_730 = arith.constant 0 : index
    %get3A_731 = arith.constant 0 : index
    %get3A_732 = vector.load %arg8[%get3A_730, %get3A_731] : memref<128x128xf32, #tpu.memory_space<vmem>>, vector<128x128xf32>
    %dot_general3A_733 = arith.constant dense<0.000000e+00> : vector<128x512xf32>
    %dot_general3A_734 = tpu.matmul %get3A_732, %get3A_1, %dot_general3A_733 {dimension_numbers = #tpu.dot_dimension_numbers<[0], [1], [1], [0], [0, 1, 1, 0], [], []>, transpose_lhs_hint = false} : vector<128x128xf32>, vector<512x128xf32>, vector<128x512xf32> -> vector<128x512xf32>
    %add3A_735 = arith.addf %add3A_729, %dot_general3A_734 : vector<128x512xf32>
    %get3A_736 = arith.constant 0 : index
    %get3A_737 = arith.constant 0 : index
    %get3A_738 = vector.load %arg9[%get3A_736, %get3A_737] : memref<128x1xf32, #tpu.memory_space<vmem>>, vector<128x1xf32>
    %add3A_739 = vector.broadcast %get3A_738 : vector<128x1xf32> to vector<128x512xf32>
    %add3A_740 = arith.addf %add3A_735, %add3A_739 : vector<128x512xf32>
    %max3A_741 = arith.constant 0.000000e+00 : f32
    %max3A_742 = vector.broadcast %max3A_741 : f32 to vector<128x512xf32>
    %max3A_743 = arith.maximumf %add3A_740, %max3A_742 : vector<128x512xf32>
    %swap3A = arith.constant 0 : index
    %swap3A_744 = arith.constant 0 : index
    %swap3A_745 = arith.constant 0 : index
    %swap3A_746 = arith.constant 0 : index
    %swap3A_747 = vector.load %arg10[%swap3A, %swap3A_744, %swap3A_745, %swap3A_746] : memref<1x2x128x512xf32, #tpu.memory_space<vmem>>, vector<1x1x128x512xf32>
    %swap3A_748 = vector.shape_cast %swap3A_747 : vector<1x1x128x512xf32> to vector<128x512xf32>
    %swap3A_749 = vector.shape_cast %max3A_743 : vector<128x512xf32> to vector<1x1x128x512xf32>
    tpu.vector_store %arg10[%swap3A, %swap3A_744, %swap3A_745, %swap3A_746], %swap3A_749 {strides = array<i32>} : memref<1x2x128x512xf32, #tpu.memory_space<vmem>>, vector<1x1x128x512xf32>,
    %swap3A_750 = arith.constant 0 : index
    %swap3A_751 = arith.constant 1 : index
    %swap3A_752 = arith.constant 0 : index
    %swap3A_753 = arith.constant 0 : index
    %swap3A_754 = vector.load %arg10[%swap3A_750, %swap3A_751, %swap3A_752, %swap3A_753] : memref<1x2x128x512xf32, #tpu.memory_space<vmem>>, vector<1x1x128x512xf32>
    %swap3A_755 = vector.shape_cast %swap3A_754 : vector<1x1x128x512xf32> to vector<128x512xf32>
    %swap3A_756 = vector.shape_cast %max3A_743 : vector<128x512xf32> to vector<1x1x128x512xf32>
    tpu.vector_store %arg10[%swap3A_750, %swap3A_751, %swap3A_752, %swap3A_753], %swap3A_756 {strides = array<i32>} : memref<1x2x128x512xf32, #tpu.memory_space<vmem>>, vector<1x1x128x512xf32>,
    return
  }
  func.func @transform_0(%arg0: i32) -> (i32, i32, i32) {
    %c0_i32 = arith.constant 0 : i32
    %c0_i32_0 = arith.constant 0 : i32
    %c0_i32_1 = arith.constant 0 : i32
    return %c0_i32, %arg0, %c0_i32_0 : i32, i32, i32
  }
  func.func @transform_1(%arg0: i32) -> (i32, i32) {
    %add3A = arith.constant 0 : i32
    %add3A_0 = arith.addi %arg0, %add3A : i32
    %c0_i32 = arith.constant 0 : i32
    %c0_i32_1 = arith.constant 0 : i32
    return %add3A_0, %c0_i32 : i32, i32
  }
  func.func @transform_2(%arg0: i32) -> (i32, i32) {
    %c0_i32 = arith.constant 0 : i32
    %c0_i32_0 = arith.constant 0 : i32
    %c0_i32_1 = arith.constant 0 : i32
    return %c0_i32, %c0_i32_0 : i32, i32
  }
  func.func @transform_3(%arg0: i32) -> (i32, i32) {
    %c0_i32 = arith.constant 0 : i32
    %c0_i32_0 = arith.constant 0 : i32
    %c0_i32_1 = arith.constant 0 : i32
    return %c0_i32, %c0_i32_0 : i32, i32
  }
  func.func @transform_4(%arg0: i32) -> (i32, i32) {
    %c0_i32 = arith.constant 0 : i32
    %c0_i32_0 = arith.constant 0 : i32
    %c0_i32_1 = arith.constant 0 : i32
    return %c0_i32, %c0_i32_0 : i32, i32
  }
  func.func @transform_5(%arg0: i32) -> (i32, i32) {
    %c0_i32 = arith.constant 0 : i32
    %c0_i32_0 = arith.constant 0 : i32
    %c0_i32_1 = arith.constant 0 : i32
    return %c0_i32, %c0_i32_0 : i32, i32
  }
  func.func @transform_6(%arg0: i32) -> (i32, i32, i32) {
    %c0_i32 = arith.constant 0 : i32
    %c0_i32_0 = arith.constant 0 : i32
    %c0_i32_1 = arith.constant 0 : i32
    %c0_i32_2 = arith.constant 0 : i32
    return %c0_i32, %c0_i32_0, %c0_i32_1 : i32, i32, i32
  }
  func.func @transform_7(%arg0: i32) -> (i32, i32) {
    %c0_i32 = arith.constant 0 : i32
    %c0_i32_0 = arith.constant 0 : i32
    %c0_i32_1 = arith.constant 0 : i32
    return %c0_i32, %c0_i32_0 : i32, i32
  }
  func.func @transform_8(%arg0: i32) -> (i32, i32) {
    %c0_i32 = arith.constant 0 : i32
    %c0_i32_0 = arith.constant 0 : i32
    %c0_i32_1 = arith.constant 0 : i32
    return %c0_i32, %c0_i32_0 : i32, i32
  }
  func.func @transform_9(%arg0: i32) -> (i32, i32, i32, i32) {
    %add3A = arith.constant 0 : i32
    %add3A_0 = arith.addi %arg0, %add3A : i32
    %c0_i32 = arith.constant 0 : i32
    %c0_i32_1 = arith.constant 0 : i32
    %c0_i32_2 = arith.constant 0 : i32
    %c0_i32_3 = arith.constant 0 : i32
    return %c0_i32, %c0_i32_1, %c0_i32_2, %add3A_0 : i32, i32, i32, i32
  }
}

module attributes {stable_mosaic.version = 14 : i64} {
  func.func @_tc_body(%arg0: i32, %arg1: memref<16x512x128xf32, #tpu.memory_space<vmem>>, %arg2: memref<512x128xf32, #tpu.memory_space<vmem>>, %arg3: memref<128x32xf32, #tpu.memory_space<vmem>>, %arg4: memref<32x1xf32, #tpu.memory_space<vmem>>, %arg5: memref<32x8xf32, #tpu.memory_space<vmem>>, %arg6: memref<8x1xf32, #tpu.memory_space<vmem>>, %arg7: memref<8x128x128xf32, #tpu.memory_space<vmem>>, %arg8: memref<128x128xf32, #tpu.memory_space<vmem>>, %arg9: memref<128x1xf32, #tpu.memory_space<vmem>>, %arg10: memref<1x2x128x10000xf32, #tpu.memory_space<hbm>>, %arg11: memref<1x2x128x512xf32, #tpu.memory_space<vmem>>) attributes {dimension_semantics = [#tpu.dimension_semantics<arbitrary>], iteration_bounds = array<i64: 10>, scalar_prefetch = 0 : i64, scratch_operands = 0 : i64, tpu.core_type = #tpu.core_type<tc>, window_params = [{transform_indices = @transform_0, window_bounds = array<i64: 16, 512, 128>}, {transform_indices = @transform_1, window_bounds = array<i64: 512, 128>}, {pipeline_mode = #tpu.pipeline_mode<synchronous>, transform_indices = @transform_2, window_bounds = array<i64: 128, 32>}, {pipeline_mode = #tpu.pipeline_mode<synchronous>, transform_indices = @transform_3, window_bounds = array<i64: 32, 1>}, {pipeline_mode = #tpu.pipeline_mode<synchronous>, transform_indices = @transform_4, window_bounds = array<i64: 32, 8>}, {pipeline_mode = #tpu.pipeline_mode<synchronous>, transform_indices = @transform_5, window_bounds = array<i64: 8, 1>}, {pipeline_mode = #tpu.pipeline_mode<synchronous>, transform_indices = @transform_6, window_bounds = array<i64: 8, 128, 128>}, {pipeline_mode = #tpu.pipeline_mode<synchronous>, transform_indices = @transform_7, window_bounds = array<i64: 128, 128>}, {pipeline_mode = #tpu.pipeline_mode<synchronous>, transform_indices = @transform_8, window_bounds = array<i64: 128, 1>}, {}, {transform_indices = @transform_10, window_bounds = array<i64: 1, 2, 128, 512>}]} {
    %get3A = arith.constant 0 : index
    %get3A_0 = arith.constant 0 : index
    %get3A_1 = vector.load %arg2[%get3A, %get3A_0] : memref<512x128xf32, #tpu.memory_space<vmem>>, vector<512x128xf32>
    %get3A_2 = arith.constant 0 : index
    %get3A_3 = arith.constant 0 : index
    %get3A_4 = vector.load %arg3[%get3A_2, %get3A_3] : memref<128x32xf32, #tpu.memory_space<vmem>>, vector<128x32xf32>
    %get3A_5 = arith.constant 0 : index
    %get3A_6 = arith.constant 0 : index
    %get3A_7 = vector.load %arg5[%get3A_5, %get3A_6] : memref<32x8xf32, #tpu.memory_space<vmem>>, vector<32x8xf32>
    %dot_general3A = arith.constant dense<0.000000e+00> : vector<32x512xf32>
    %dot_general3A_8 = tpu.matmul %get3A_4, %get3A_1, %dot_general3A {dimension_numbers = #tpu.dot_dimension_numbers<[0], [1], [1], [0], [0, 1, 1, 0], [], []>, transpose_lhs_hint = false} : vector<128x32xf32>, vector<512x128xf32>, vector<32x512xf32> -> vector<32x512xf32>
    %get3A_9 = arith.constant 0 : index
    %get3A_10 = arith.constant 0 : index
    %get3A_11 = vector.load %arg4[%get3A_9, %get3A_10] : memref<32x1xf32, #tpu.memory_space<vmem>>, vector<32x1xf32>
    %sub3A = vector.broadcast %get3A_11 : vector<32x1xf32> to vector<32x512xf32>
    %sub3A_12 = arith.subf %dot_general3A_8, %sub3A : vector<32x512xf32>
    %get3A_13 = arith.constant 0 : index
    %get3A_14 = arith.constant 0 : index
    %get3A_15 = arith.constant 0 : index
    %get3A_16 = vector.load %arg1[%get3A_13, %get3A_14, %get3A_15] : memref<16x512x128xf32, #tpu.memory_space<vmem>>, vector<16x512x128xf32>
    %reshape3A = vector.shape_cast %get3A_16 : vector<16x512x128xf32> to vector<8192x128xf32>
    %dot_general3A_17 = arith.constant dense<0.000000e+00> : vector<32x8192xf32>
    %dot_general3A_18 = tpu.matmul %get3A_4, %reshape3A, %dot_general3A_17 {dimension_numbers = #tpu.dot_dimension_numbers<[0], [1], [1], [0], [0, 1, 1, 0], [], []>, transpose_lhs_hint = false} : vector<128x32xf32>, vector<8192x128xf32>, vector<32x8192xf32> -> vector<32x8192xf32>
    %concatenate3A = tpu.concatenate %sub3A_12, %sub3A_12, %sub3A_12, %sub3A_12, %sub3A_12, %sub3A_12, %sub3A_12, %sub3A_12, %sub3A_12, %sub3A_12, %sub3A_12, %sub3A_12, %sub3A_12, %sub3A_12, %sub3A_12, %sub3A_12 in 1 : vector<32x512xf32>, vector<32x512xf32>, vector<32x512xf32>, vector<32x512xf32>, vector<32x512xf32>, vector<32x512xf32>, vector<32x512xf32>, vector<32x512xf32>, vector<32x512xf32>, vector<32x512xf32>, vector<32x512xf32>, vector<32x512xf32>, vector<32x512xf32>, vector<32x512xf32>, vector<32x512xf32>, vector<32x512xf32> -> vector<32x8192xf32>
    %sub3A_19 = arith.subf %dot_general3A_18, %concatenate3A : vector<32x8192xf32>
    %max3A = arith.constant 0.000000e+00 : f32
    %max3A_20 = vector.broadcast %max3A : f32 to vector<32x8192xf32>
    %max3A_21 = arith.maximumf %sub3A_19, %max3A_20 : vector<32x8192xf32>
    %dot_general3A_22 = arith.constant dense<0.000000e+00> : vector<8x8192xf32>
    %dot_general3A_23 = tpu.matmul %get3A_7, %max3A_21, %dot_general3A_22 {dimension_numbers = #tpu.dot_dimension_numbers<[0], [0], [1], [1], [0, 1, 1, 1], [], []>, transpose_lhs_hint = false} : vector<32x8xf32>, vector<32x8192xf32>, vector<8x8192xf32> -> vector<8x8192xf32>
    %get3A_24 = arith.constant 0 : index
    %get3A_25 = arith.constant 0 : index
    %get3A_26 = vector.load %arg6[%get3A_24, %get3A_25] : memref<8x1xf32, #tpu.memory_space<vmem>>, vector<8x1xf32>
    %add3A = vector.broadcast %get3A_26 : vector<8x1xf32> to vector<8x8192xf32>
    %add3A_27 = arith.addf %dot_general3A_23, %add3A : vector<8x8192xf32>
    %exp3A = math.exp %add3A_27 : vector<8x8192xf32>
    %reduce_sum3A = arith.constant dense<0.000000e+00> : vector<8192xf32>
    %reduce_sum3A_28 = vector.multi_reduction <add>, %exp3A, %reduce_sum3A [0] : vector<8x8192xf32> to vector<8192xf32>
    %broadcast_in_dim3A = vector.shape_cast %reduce_sum3A_28 : vector<8192xf32> to vector<1x8192xf32>
    %div3A = vector.broadcast %broadcast_in_dim3A : vector<1x8192xf32> to vector<8x8192xf32>
    %div3A_29 = arith.divf %exp3A, %div3A : vector<8x8192xf32>
    %broadcast_in_dim3A_30 = arith.constant 0.000000e+00 : f32
    %broadcast_in_dim3A_31 = vector.broadcast %broadcast_in_dim3A_30 : f32 to vector<128x512xf32>
    %broadcast_in_dim3A_32 = arith.constant 0.000000e+00 : f32
    %broadcast_in_dim3A_33 = vector.broadcast %broadcast_in_dim3A_32 : f32 to vector<128x512xf32>
    %broadcast_in_dim3A_34 = arith.constant 0.000000e+00 : f32
    %broadcast_in_dim3A_35 = vector.broadcast %broadcast_in_dim3A_34 : f32 to vector<128x512xf32>
    %broadcast_in_dim3A_36 = arith.constant 0.000000e+00 : f32
    %broadcast_in_dim3A_37 = vector.broadcast %broadcast_in_dim3A_36 : f32 to vector<128x512xf32>
    %broadcast_in_dim3A_38 = arith.constant 0.000000e+00 : f32
    %broadcast_in_dim3A_39 = vector.broadcast %broadcast_in_dim3A_38 : f32 to vector<128x512xf32>
    %broadcast_in_dim3A_40 = arith.constant 0.000000e+00 : f32
    %broadcast_in_dim3A_41 = vector.broadcast %broadcast_in_dim3A_40 : f32 to vector<128x512xf32>
    %broadcast_in_dim3A_42 = arith.constant 0.000000e+00 : f32
    %broadcast_in_dim3A_43 = vector.broadcast %broadcast_in_dim3A_42 : f32 to vector<128x512xf32>
    %broadcast_in_dim3A_44 = arith.constant 0.000000e+00 : f32
    %broadcast_in_dim3A_45 = vector.broadcast %broadcast_in_dim3A_44 : f32 to vector<128x512xf32>
    %get3A_46 = arith.constant 0 : index
    %get3A_47 = arith.constant 0 : index
    %get3A_48 = arith.constant 0 : index
    %get3A_49 = vector.load %arg1[%get3A_46, %get3A_47, %get3A_48] : memref<16x512x128xf32, #tpu.memory_space<vmem>>, vector<1x512x128xf32>
    %get3A_50 = vector.shape_cast %get3A_49 : vector<1x512x128xf32> to vector<512x128xf32>
    %transpose3A = tpu.transpose %get3A_50, [1, 0] : vector<512x128xf32> -> vector<128x512xf32>
    %slice3A = vector.extract_strided_slice %div3A_29 {offsets = [0, 0], sizes = [8, 512], strides = [1, 1]} : vector<8x8192xf32> to vector<8x512xf32>
    %slice3A_51 = vector.extract_strided_slice %slice3A {offsets = [0, 0], sizes = [1, 512], strides = [1, 1]} : vector<8x512xf32> to vector<1x512xf32>
    %mul3A = vector.broadcast %slice3A_51 : vector<1x512xf32> to vector<128x512xf32>
    %mul3A_52 = arith.mulf %mul3A, %transpose3A : vector<128x512xf32>
    %add3A_53 = arith.addf %broadcast_in_dim3A_31, %mul3A_52 : vector<128x512xf32>
    %slice3A_54 = vector.extract_strided_slice %slice3A {offsets = [1, 0], sizes = [1, 512], strides = [1, 1]} : vector<8x512xf32> to vector<1x512xf32>
    %mul3A_55 = vector.broadcast %slice3A_54 : vector<1x512xf32> to vector<128x512xf32>
    %mul3A_56 = arith.mulf %mul3A_55, %transpose3A : vector<128x512xf32>
    %add3A_57 = arith.addf %broadcast_in_dim3A_33, %mul3A_56 : vector<128x512xf32>
    %slice3A_58 = vector.extract_strided_slice %slice3A {offsets = [2, 0], sizes = [1, 512], strides = [1, 1]} : vector<8x512xf32> to vector<1x512xf32>
    %mul3A_59 = vector.broadcast %slice3A_58 : vector<1x512xf32> to vector<128x512xf32>
    %mul3A_60 = arith.mulf %mul3A_59, %transpose3A : vector<128x512xf32>
    %add3A_61 = arith.addf %broadcast_in_dim3A_35, %mul3A_60 : vector<128x512xf32>
    %slice3A_62 = vector.extract_strided_slice %slice3A {offsets = [3, 0], sizes = [1, 512], strides = [1, 1]} : vector<8x512xf32> to vector<1x512xf32>
    %mul3A_63 = vector.broadcast %slice3A_62 : vector<1x512xf32> to vector<128x512xf32>
    %mul3A_64 = arith.mulf %mul3A_63, %transpose3A : vector<128x512xf32>
    %add3A_65 = arith.addf %broadcast_in_dim3A_37, %mul3A_64 : vector<128x512xf32>
    %slice3A_66 = vector.extract_strided_slice %slice3A {offsets = [4, 0], sizes = [1, 512], strides = [1, 1]} : vector<8x512xf32> to vector<1x512xf32>
    %mul3A_67 = vector.broadcast %slice3A_66 : vector<1x512xf32> to vector<128x512xf32>
    %mul3A_68 = arith.mulf %mul3A_67, %transpose3A : vector<128x512xf32>
    %add3A_69 = arith.addf %broadcast_in_dim3A_39, %mul3A_68 : vector<128x512xf32>
    %slice3A_70 = vector.extract_strided_slice %slice3A {offsets = [5, 0], sizes = [1, 512], strides = [1, 1]} : vector<8x512xf32> to vector<1x512xf32>
    %mul3A_71 = vector.broadcast %slice3A_70 : vector<1x512xf32> to vector<128x512xf32>
    %mul3A_72 = arith.mulf %mul3A_71, %transpose3A : vector<128x512xf32>
    %add3A_73 = arith.addf %broadcast_in_dim3A_41, %mul3A_72 : vector<128x512xf32>
    %slice3A_74 = vector.extract_strided_slice %slice3A {offsets = [6, 0], sizes = [1, 512], strides = [1, 1]} : vector<8x512xf32> to vector<1x512xf32>
    %mul3A_75 = vector.broadcast %slice3A_74 : vector<1x512xf32> to vector<128x512xf32>
    %mul3A_76 = arith.mulf %mul3A_75, %transpose3A : vector<128x512xf32>
    %add3A_77 = arith.addf %broadcast_in_dim3A_43, %mul3A_76 : vector<128x512xf32>
    %slice3A_78 = vector.extract_strided_slice %slice3A {offsets = [7, 0], sizes = [1, 512], strides = [1, 1]} : vector<8x512xf32> to vector<1x512xf32>
    %mul3A_79 = vector.broadcast %slice3A_78 : vector<1x512xf32> to vector<128x512xf32>
    %mul3A_80 = arith.mulf %mul3A_79, %transpose3A : vector<128x512xf32>
    %add3A_81 = arith.addf %broadcast_in_dim3A_45, %mul3A_80 : vector<128x512xf32>
    %get3A_82 = arith.constant 1 : index
    %get3A_83 = arith.constant 0 : index
    %get3A_84 = arith.constant 0 : index
    %get3A_85 = vector.load %arg1[%get3A_82, %get3A_83, %get3A_84] : memref<16x512x128xf32, #tpu.memory_space<vmem>>, vector<1x512x128xf32>
    %get3A_86 = vector.shape_cast %get3A_85 : vector<1x512x128xf32> to vector<512x128xf32>
    %transpose3A_87 = tpu.transpose %get3A_86, [1, 0] : vector<512x128xf32> -> vector<128x512xf32>
    %slice3A_88 = vector.extract_strided_slice %div3A_29 {offsets = [0, 512], sizes = [8, 512], strides = [1, 1]} : vector<8x8192xf32> to vector<8x512xf32>
    %slice3A_89 = vector.extract_strided_slice %slice3A_88 {offsets = [0, 0], sizes = [1, 512], strides = [1, 1]} : vector<8x512xf32> to vector<1x512xf32>
    %mul3A_90 = vector.broadcast %slice3A_89 : vector<1x512xf32> to vector<128x512xf32>
    %mul3A_91 = arith.mulf %mul3A_90, %transpose3A_87 : vector<128x512xf32>
    %add3A_92 = arith.addf %add3A_53, %mul3A_91 : vector<128x512xf32>
    %slice3A_93 = vector.extract_strided_slice %slice3A_88 {offsets = [1, 0], sizes = [1, 512], strides = [1, 1]} : vector<8x512xf32> to vector<1x512xf32>
    %mul3A_94 = vector.broadcast %slice3A_93 : vector<1x512xf32> to vector<128x512xf32>
    %mul3A_95 = arith.mulf %mul3A_94, %transpose3A_87 : vector<128x512xf32>
    %add3A_96 = arith.addf %add3A_57, %mul3A_95 : vector<128x512xf32>
    %slice3A_97 = vector.extract_strided_slice %slice3A_88 {offsets = [2, 0], sizes = [1, 512], strides = [1, 1]} : vector<8x512xf32> to vector<1x512xf32>
    %mul3A_98 = vector.broadcast %slice3A_97 : vector<1x512xf32> to vector<128x512xf32>
    %mul3A_99 = arith.mulf %mul3A_98, %transpose3A_87 : vector<128x512xf32>
    %add3A_100 = arith.addf %add3A_61, %mul3A_99 : vector<128x512xf32>
    %slice3A_101 = vector.extract_strided_slice %slice3A_88 {offsets = [3, 0], sizes = [1, 512], strides = [1, 1]} : vector<8x512xf32> to vector<1x512xf32>
    %mul3A_102 = vector.broadcast %slice3A_101 : vector<1x512xf32> to vector<128x512xf32>
    %mul3A_103 = arith.mulf %mul3A_102, %transpose3A_87 : vector<128x512xf32>
    %add3A_104 = arith.addf %add3A_65, %mul3A_103 : vector<128x512xf32>
    %slice3A_105 = vector.extract_strided_slice %slice3A_88 {offsets = [4, 0], sizes = [1, 512], strides = [1, 1]} : vector<8x512xf32> to vector<1x512xf32>
    %mul3A_106 = vector.broadcast %slice3A_105 : vector<1x512xf32> to vector<128x512xf32>
    %mul3A_107 = arith.mulf %mul3A_106, %transpose3A_87 : vector<128x512xf32>
    %add3A_108 = arith.addf %add3A_69, %mul3A_107 : vector<128x512xf32>
    %slice3A_109 = vector.extract_strided_slice %slice3A_88 {offsets = [5, 0], sizes = [1, 512], strides = [1, 1]} : vector<8x512xf32> to vector<1x512xf32>
    %mul3A_110 = vector.broadcast %slice3A_109 : vector<1x512xf32> to vector<128x512xf32>
    %mul3A_111 = arith.mulf %mul3A_110, %transpose3A_87 : vector<128x512xf32>
    %add3A_112 = arith.addf %add3A_73, %mul3A_111 : vector<128x512xf32>
    %slice3A_113 = vector.extract_strided_slice %slice3A_88 {offsets = [6, 0], sizes = [1, 512], strides = [1, 1]} : vector<8x512xf32> to vector<1x512xf32>
    %mul3A_114 = vector.broadcast %slice3A_113 : vector<1x512xf32> to vector<128x512xf32>
    %mul3A_115 = arith.mulf %mul3A_114, %transpose3A_87 : vector<128x512xf32>
    %add3A_116 = arith.addf %add3A_77, %mul3A_115 : vector<128x512xf32>
    %slice3A_117 = vector.extract_strided_slice %slice3A_88 {offsets = [7, 0], sizes = [1, 512], strides = [1, 1]} : vector<8x512xf32> to vector<1x512xf32>
    %mul3A_118 = vector.broadcast %slice3A_117 : vector<1x512xf32> to vector<128x512xf32>
    %mul3A_119 = arith.mulf %mul3A_118, %transpose3A_87 : vector<128x512xf32>
    %add3A_120 = arith.addf %add3A_81, %mul3A_119 : vector<128x512xf32>
    %get3A_121 = arith.constant 2 : index
    %get3A_122 = arith.constant 0 : index
    %get3A_123 = arith.constant 0 : index
    %get3A_124 = vector.load %arg1[%get3A_121, %get3A_122, %get3A_123] : memref<16x512x128xf32, #tpu.memory_space<vmem>>, vector<1x512x128xf32>
    %get3A_125 = vector.shape_cast %get3A_124 : vector<1x512x128xf32> to vector<512x128xf32>
    %transpose3A_126 = tpu.transpose %get3A_125, [1, 0] : vector<512x128xf32> -> vector<128x512xf32>
    %slice3A_127 = vector.extract_strided_slice %div3A_29 {offsets = [0, 1024], sizes = [8, 512], strides = [1, 1]} : vector<8x8192xf32> to vector<8x512xf32>
    %slice3A_128 = vector.extract_strided_slice %slice3A_127 {offsets = [0, 0], sizes = [1, 512], strides = [1, 1]} : vector<8x512xf32> to vector<1x512xf32>
    %mul3A_129 = vector.broadcast %slice3A_128 : vector<1x512xf32> to vector<128x512xf32>
    %mul3A_130 = arith.mulf %mul3A_129, %transpose3A_126 : vector<128x512xf32>
    %add3A_131 = arith.addf %add3A_92, %mul3A_130 : vector<128x512xf32>
    %slice3A_132 = vector.extract_strided_slice %slice3A_127 {offsets = [1, 0], sizes = [1, 512], strides = [1, 1]} : vector<8x512xf32> to vector<1x512xf32>
    %mul3A_133 = vector.broadcast %slice3A_132 : vector<1x512xf32> to vector<128x512xf32>
    %mul3A_134 = arith.mulf %mul3A_133, %transpose3A_126 : vector<128x512xf32>
    %add3A_135 = arith.addf %add3A_96, %mul3A_134 : vector<128x512xf32>
    %slice3A_136 = vector.extract_strided_slice %slice3A_127 {offsets = [2, 0], sizes = [1, 512], strides = [1, 1]} : vector<8x512xf32> to vector<1x512xf32>
    %mul3A_137 = vector.broadcast %slice3A_136 : vector<1x512xf32> to vector<128x512xf32>
    %mul3A_138 = arith.mulf %mul3A_137, %transpose3A_126 : vector<128x512xf32>
    %add3A_139 = arith.addf %add3A_100, %mul3A_138 : vector<128x512xf32>
    %slice3A_140 = vector.extract_strided_slice %slice3A_127 {offsets = [3, 0], sizes = [1, 512], strides = [1, 1]} : vector<8x512xf32> to vector<1x512xf32>
    %mul3A_141 = vector.broadcast %slice3A_140 : vector<1x512xf32> to vector<128x512xf32>
    %mul3A_142 = arith.mulf %mul3A_141, %transpose3A_126 : vector<128x512xf32>
    %add3A_143 = arith.addf %add3A_104, %mul3A_142 : vector<128x512xf32>
    %slice3A_144 = vector.extract_strided_slice %slice3A_127 {offsets = [4, 0], sizes = [1, 512], strides = [1, 1]} : vector<8x512xf32> to vector<1x512xf32>
    %mul3A_145 = vector.broadcast %slice3A_144 : vector<1x512xf32> to vector<128x512xf32>
    %mul3A_146 = arith.mulf %mul3A_145, %transpose3A_126 : vector<128x512xf32>
    %add3A_147 = arith.addf %add3A_108, %mul3A_146 : vector<128x512xf32>
    %slice3A_148 = vector.extract_strided_slice %slice3A_127 {offsets = [5, 0], sizes = [1, 512], strides = [1, 1]} : vector<8x512xf32> to vector<1x512xf32>
    %mul3A_149 = vector.broadcast %slice3A_148 : vector<1x512xf32> to vector<128x512xf32>
    %mul3A_150 = arith.mulf %mul3A_149, %transpose3A_126 : vector<128x512xf32>
    %add3A_151 = arith.addf %add3A_112, %mul3A_150 : vector<128x512xf32>
    %slice3A_152 = vector.extract_strided_slice %slice3A_127 {offsets = [6, 0], sizes = [1, 512], strides = [1, 1]} : vector<8x512xf32> to vector<1x512xf32>
    %mul3A_153 = vector.broadcast %slice3A_152 : vector<1x512xf32> to vector<128x512xf32>
    %mul3A_154 = arith.mulf %mul3A_153, %transpose3A_126 : vector<128x512xf32>
    %add3A_155 = arith.addf %add3A_116, %mul3A_154 : vector<128x512xf32>
    %slice3A_156 = vector.extract_strided_slice %slice3A_127 {offsets = [7, 0], sizes = [1, 512], strides = [1, 1]} : vector<8x512xf32> to vector<1x512xf32>
    %mul3A_157 = vector.broadcast %slice3A_156 : vector<1x512xf32> to vector<128x512xf32>
    %mul3A_158 = arith.mulf %mul3A_157, %transpose3A_126 : vector<128x512xf32>
    %add3A_159 = arith.addf %add3A_120, %mul3A_158 : vector<128x512xf32>
    %get3A_160 = arith.constant 3 : index
    %get3A_161 = arith.constant 0 : index
    %get3A_162 = arith.constant 0 : index
    %get3A_163 = vector.load %arg1[%get3A_160, %get3A_161, %get3A_162] : memref<16x512x128xf32, #tpu.memory_space<vmem>>, vector<1x512x128xf32>
    %get3A_164 = vector.shape_cast %get3A_163 : vector<1x512x128xf32> to vector<512x128xf32>
    %transpose3A_165 = tpu.transpose %get3A_164, [1, 0] : vector<512x128xf32> -> vector<128x512xf32>
    %slice3A_166 = vector.extract_strided_slice %div3A_29 {offsets = [0, 1536], sizes = [8, 512], strides = [1, 1]} : vector<8x8192xf32> to vector<8x512xf32>
    %slice3A_167 = vector.extract_strided_slice %slice3A_166 {offsets = [0, 0], sizes = [1, 512], strides = [1, 1]} : vector<8x512xf32> to vector<1x512xf32>
    %mul3A_168 = vector.broadcast %slice3A_167 : vector<1x512xf32> to vector<128x512xf32>
    %mul3A_169 = arith.mulf %mul3A_168, %transpose3A_165 : vector<128x512xf32>
    %add3A_170 = arith.addf %add3A_131, %mul3A_169 : vector<128x512xf32>
    %slice3A_171 = vector.extract_strided_slice %slice3A_166 {offsets = [1, 0], sizes = [1, 512], strides = [1, 1]} : vector<8x512xf32> to vector<1x512xf32>
    %mul3A_172 = vector.broadcast %slice3A_171 : vector<1x512xf32> to vector<128x512xf32>
    %mul3A_173 = arith.mulf %mul3A_172, %transpose3A_165 : vector<128x512xf32>
    %add3A_174 = arith.addf %add3A_135, %mul3A_173 : vector<128x512xf32>
    %slice3A_175 = vector.extract_strided_slice %slice3A_166 {offsets = [2, 0], sizes = [1, 512], strides = [1, 1]} : vector<8x512xf32> to vector<1x512xf32>
    %mul3A_176 = vector.broadcast %slice3A_175 : vector<1x512xf32> to vector<128x512xf32>
    %mul3A_177 = arith.mulf %mul3A_176, %transpose3A_165 : vector<128x512xf32>
    %add3A_178 = arith.addf %add3A_139, %mul3A_177 : vector<128x512xf32>
    %slice3A_179 = vector.extract_strided_slice %slice3A_166 {offsets = [3, 0], sizes = [1, 512], strides = [1, 1]} : vector<8x512xf32> to vector<1x512xf32>
    %mul3A_180 = vector.broadcast %slice3A_179 : vector<1x512xf32> to vector<128x512xf32>
    %mul3A_181 = arith.mulf %mul3A_180, %transpose3A_165 : vector<128x512xf32>
    %add3A_182 = arith.addf %add3A_143, %mul3A_181 : vector<128x512xf32>
    %slice3A_183 = vector.extract_strided_slice %slice3A_166 {offsets = [4, 0], sizes = [1, 512], strides = [1, 1]} : vector<8x512xf32> to vector<1x512xf32>
    %mul3A_184 = vector.broadcast %slice3A_183 : vector<1x512xf32> to vector<128x512xf32>
    %mul3A_185 = arith.mulf %mul3A_184, %transpose3A_165 : vector<128x512xf32>
    %add3A_186 = arith.addf %add3A_147, %mul3A_185 : vector<128x512xf32>
    %slice3A_187 = vector.extract_strided_slice %slice3A_166 {offsets = [5, 0], sizes = [1, 512], strides = [1, 1]} : vector<8x512xf32> to vector<1x512xf32>
    %mul3A_188 = vector.broadcast %slice3A_187 : vector<1x512xf32> to vector<128x512xf32>
    %mul3A_189 = arith.mulf %mul3A_188, %transpose3A_165 : vector<128x512xf32>
    %add3A_190 = arith.addf %add3A_151, %mul3A_189 : vector<128x512xf32>
    %slice3A_191 = vector.extract_strided_slice %slice3A_166 {offsets = [6, 0], sizes = [1, 512], strides = [1, 1]} : vector<8x512xf32> to vector<1x512xf32>
    %mul3A_192 = vector.broadcast %slice3A_191 : vector<1x512xf32> to vector<128x512xf32>
    %mul3A_193 = arith.mulf %mul3A_192, %transpose3A_165 : vector<128x512xf32>
    %add3A_194 = arith.addf %add3A_155, %mul3A_193 : vector<128x512xf32>
    %slice3A_195 = vector.extract_strided_slice %slice3A_166 {offsets = [7, 0], sizes = [1, 512], strides = [1, 1]} : vector<8x512xf32> to vector<1x512xf32>
    %mul3A_196 = vector.broadcast %slice3A_195 : vector<1x512xf32> to vector<128x512xf32>
    %mul3A_197 = arith.mulf %mul3A_196, %transpose3A_165 : vector<128x512xf32>
    %add3A_198 = arith.addf %add3A_159, %mul3A_197 : vector<128x512xf32>
    %get3A_199 = arith.constant 4 : index
    %get3A_200 = arith.constant 0 : index
    %get3A_201 = arith.constant 0 : index
    %get3A_202 = vector.load %arg1[%get3A_199, %get3A_200, %get3A_201] : memref<16x512x128xf32, #tpu.memory_space<vmem>>, vector<1x512x128xf32>
    %get3A_203 = vector.shape_cast %get3A_202 : vector<1x512x128xf32> to vector<512x128xf32>
    %transpose3A_204 = tpu.transpose %get3A_203, [1, 0] : vector<512x128xf32> -> vector<128x512xf32>
    %slice3A_205 = vector.extract_strided_slice %div3A_29 {offsets = [0, 2048], sizes = [8, 512], strides = [1, 1]} : vector<8x8192xf32> to vector<8x512xf32>
    %slice3A_206 = vector.extract_strided_slice %slice3A_205 {offsets = [0, 0], sizes = [1, 512], strides = [1, 1]} : vector<8x512xf32> to vector<1x512xf32>
    %mul3A_207 = vector.broadcast %slice3A_206 : vector<1x512xf32> to vector<128x512xf32>
    %mul3A_208 = arith.mulf %mul3A_207, %transpose3A_204 : vector<128x512xf32>
    %add3A_209 = arith.addf %add3A_170, %mul3A_208 : vector<128x512xf32>
    %slice3A_210 = vector.extract_strided_slice %slice3A_205 {offsets = [1, 0], sizes = [1, 512], strides = [1, 1]} : vector<8x512xf32> to vector<1x512xf32>
    %mul3A_211 = vector.broadcast %slice3A_210 : vector<1x512xf32> to vector<128x512xf32>
    %mul3A_212 = arith.mulf %mul3A_211, %transpose3A_204 : vector<128x512xf32>
    %add3A_213 = arith.addf %add3A_174, %mul3A_212 : vector<128x512xf32>
    %slice3A_214 = vector.extract_strided_slice %slice3A_205 {offsets = [2, 0], sizes = [1, 512], strides = [1, 1]} : vector<8x512xf32> to vector<1x512xf32>
    %mul3A_215 = vector.broadcast %slice3A_214 : vector<1x512xf32> to vector<128x512xf32>
    %mul3A_216 = arith.mulf %mul3A_215, %transpose3A_204 : vector<128x512xf32>
    %add3A_217 = arith.addf %add3A_178, %mul3A_216 : vector<128x512xf32>
    %slice3A_218 = vector.extract_strided_slice %slice3A_205 {offsets = [3, 0], sizes = [1, 512], strides = [1, 1]} : vector<8x512xf32> to vector<1x512xf32>
    %mul3A_219 = vector.broadcast %slice3A_218 : vector<1x512xf32> to vector<128x512xf32>
    %mul3A_220 = arith.mulf %mul3A_219, %transpose3A_204 : vector<128x512xf32>
    %add3A_221 = arith.addf %add3A_182, %mul3A_220 : vector<128x512xf32>
    %slice3A_222 = vector.extract_strided_slice %slice3A_205 {offsets = [4, 0], sizes = [1, 512], strides = [1, 1]} : vector<8x512xf32> to vector<1x512xf32>
    %mul3A_223 = vector.broadcast %slice3A_222 : vector<1x512xf32> to vector<128x512xf32>
    %mul3A_224 = arith.mulf %mul3A_223, %transpose3A_204 : vector<128x512xf32>
    %add3A_225 = arith.addf %add3A_186, %mul3A_224 : vector<128x512xf32>
    %slice3A_226 = vector.extract_strided_slice %slice3A_205 {offsets = [5, 0], sizes = [1, 512], strides = [1, 1]} : vector<8x512xf32> to vector<1x512xf32>
    %mul3A_227 = vector.broadcast %slice3A_226 : vector<1x512xf32> to vector<128x512xf32>
    %mul3A_228 = arith.mulf %mul3A_227, %transpose3A_204 : vector<128x512xf32>
    %add3A_229 = arith.addf %add3A_190, %mul3A_228 : vector<128x512xf32>
    %slice3A_230 = vector.extract_strided_slice %slice3A_205 {offsets = [6, 0], sizes = [1, 512], strides = [1, 1]} : vector<8x512xf32> to vector<1x512xf32>
    %mul3A_231 = vector.broadcast %slice3A_230 : vector<1x512xf32> to vector<128x512xf32>
    %mul3A_232 = arith.mulf %mul3A_231, %transpose3A_204 : vector<128x512xf32>
    %add3A_233 = arith.addf %add3A_194, %mul3A_232 : vector<128x512xf32>
    %slice3A_234 = vector.extract_strided_slice %slice3A_205 {offsets = [7, 0], sizes = [1, 512], strides = [1, 1]} : vector<8x512xf32> to vector<1x512xf32>
    %mul3A_235 = vector.broadcast %slice3A_234 : vector<1x512xf32> to vector<128x512xf32>
    %mul3A_236 = arith.mulf %mul3A_235, %transpose3A_204 : vector<128x512xf32>
    %add3A_237 = arith.addf %add3A_198, %mul3A_236 : vector<128x512xf32>
    %get3A_238 = arith.constant 5 : index
    %get3A_239 = arith.constant 0 : index
    %get3A_240 = arith.constant 0 : index
    %get3A_241 = vector.load %arg1[%get3A_238, %get3A_239, %get3A_240] : memref<16x512x128xf32, #tpu.memory_space<vmem>>, vector<1x512x128xf32>
    %get3A_242 = vector.shape_cast %get3A_241 : vector<1x512x128xf32> to vector<512x128xf32>
    %transpose3A_243 = tpu.transpose %get3A_242, [1, 0] : vector<512x128xf32> -> vector<128x512xf32>
    %slice3A_244 = vector.extract_strided_slice %div3A_29 {offsets = [0, 2560], sizes = [8, 512], strides = [1, 1]} : vector<8x8192xf32> to vector<8x512xf32>
    %slice3A_245 = vector.extract_strided_slice %slice3A_244 {offsets = [0, 0], sizes = [1, 512], strides = [1, 1]} : vector<8x512xf32> to vector<1x512xf32>
    %mul3A_246 = vector.broadcast %slice3A_245 : vector<1x512xf32> to vector<128x512xf32>
    %mul3A_247 = arith.mulf %mul3A_246, %transpose3A_243 : vector<128x512xf32>
    %add3A_248 = arith.addf %add3A_209, %mul3A_247 : vector<128x512xf32>
    %slice3A_249 = vector.extract_strided_slice %slice3A_244 {offsets = [1, 0], sizes = [1, 512], strides = [1, 1]} : vector<8x512xf32> to vector<1x512xf32>
    %mul3A_250 = vector.broadcast %slice3A_249 : vector<1x512xf32> to vector<128x512xf32>
    %mul3A_251 = arith.mulf %mul3A_250, %transpose3A_243 : vector<128x512xf32>
    %add3A_252 = arith.addf %add3A_213, %mul3A_251 : vector<128x512xf32>
    %slice3A_253 = vector.extract_strided_slice %slice3A_244 {offsets = [2, 0], sizes = [1, 512], strides = [1, 1]} : vector<8x512xf32> to vector<1x512xf32>
    %mul3A_254 = vector.broadcast %slice3A_253 : vector<1x512xf32> to vector<128x512xf32>
    %mul3A_255 = arith.mulf %mul3A_254, %transpose3A_243 : vector<128x512xf32>
    %add3A_256 = arith.addf %add3A_217, %mul3A_255 : vector<128x512xf32>
    %slice3A_257 = vector.extract_strided_slice %slice3A_244 {offsets = [3, 0], sizes = [1, 512], strides = [1, 1]} : vector<8x512xf32> to vector<1x512xf32>
    %mul3A_258 = vector.broadcast %slice3A_257 : vector<1x512xf32> to vector<128x512xf32>
    %mul3A_259 = arith.mulf %mul3A_258, %transpose3A_243 : vector<128x512xf32>
    %add3A_260 = arith.addf %add3A_221, %mul3A_259 : vector<128x512xf32>
    %slice3A_261 = vector.extract_strided_slice %slice3A_244 {offsets = [4, 0], sizes = [1, 512], strides = [1, 1]} : vector<8x512xf32> to vector<1x512xf32>
    %mul3A_262 = vector.broadcast %slice3A_261 : vector<1x512xf32> to vector<128x512xf32>
    %mul3A_263 = arith.mulf %mul3A_262, %transpose3A_243 : vector<128x512xf32>
    %add3A_264 = arith.addf %add3A_225, %mul3A_263 : vector<128x512xf32>
    %slice3A_265 = vector.extract_strided_slice %slice3A_244 {offsets = [5, 0], sizes = [1, 512], strides = [1, 1]} : vector<8x512xf32> to vector<1x512xf32>
    %mul3A_266 = vector.broadcast %slice3A_265 : vector<1x512xf32> to vector<128x512xf32>
    %mul3A_267 = arith.mulf %mul3A_266, %transpose3A_243 : vector<128x512xf32>
    %add3A_268 = arith.addf %add3A_229, %mul3A_267 : vector<128x512xf32>
    %slice3A_269 = vector.extract_strided_slice %slice3A_244 {offsets = [6, 0], sizes = [1, 512], strides = [1, 1]} : vector<8x512xf32> to vector<1x512xf32>
    %mul3A_270 = vector.broadcast %slice3A_269 : vector<1x512xf32> to vector<128x512xf32>
    %mul3A_271 = arith.mulf %mul3A_270, %transpose3A_243 : vector<128x512xf32>
    %add3A_272 = arith.addf %add3A_233, %mul3A_271 : vector<128x512xf32>
    %slice3A_273 = vector.extract_strided_slice %slice3A_244 {offsets = [7, 0], sizes = [1, 512], strides = [1, 1]} : vector<8x512xf32> to vector<1x512xf32>
    %mul3A_274 = vector.broadcast %slice3A_273 : vector<1x512xf32> to vector<128x512xf32>
    %mul3A_275 = arith.mulf %mul3A_274, %transpose3A_243 : vector<128x512xf32>
    %add3A_276 = arith.addf %add3A_237, %mul3A_275 : vector<128x512xf32>
    %get3A_277 = arith.constant 6 : index
    %get3A_278 = arith.constant 0 : index
    %get3A_279 = arith.constant 0 : index
    %get3A_280 = vector.load %arg1[%get3A_277, %get3A_278, %get3A_279] : memref<16x512x128xf32, #tpu.memory_space<vmem>>, vector<1x512x128xf32>
    %get3A_281 = vector.shape_cast %get3A_280 : vector<1x512x128xf32> to vector<512x128xf32>
    %transpose3A_282 = tpu.transpose %get3A_281, [1, 0] : vector<512x128xf32> -> vector<128x512xf32>
    %slice3A_283 = vector.extract_strided_slice %div3A_29 {offsets = [0, 3072], sizes = [8, 512], strides = [1, 1]} : vector<8x8192xf32> to vector<8x512xf32>
    %slice3A_284 = vector.extract_strided_slice %slice3A_283 {offsets = [0, 0], sizes = [1, 512], strides = [1, 1]} : vector<8x512xf32> to vector<1x512xf32>
    %mul3A_285 = vector.broadcast %slice3A_284 : vector<1x512xf32> to vector<128x512xf32>
    %mul3A_286 = arith.mulf %mul3A_285, %transpose3A_282 : vector<128x512xf32>
    %add3A_287 = arith.addf %add3A_248, %mul3A_286 : vector<128x512xf32>
    %slice3A_288 = vector.extract_strided_slice %slice3A_283 {offsets = [1, 0], sizes = [1, 512], strides = [1, 1]} : vector<8x512xf32> to vector<1x512xf32>
    %mul3A_289 = vector.broadcast %slice3A_288 : vector<1x512xf32> to vector<128x512xf32>
    %mul3A_290 = arith.mulf %mul3A_289, %transpose3A_282 : vector<128x512xf32>
    %add3A_291 = arith.addf %add3A_252, %mul3A_290 : vector<128x512xf32>
    %slice3A_292 = vector.extract_strided_slice %slice3A_283 {offsets = [2, 0], sizes = [1, 512], strides = [1, 1]} : vector<8x512xf32> to vector<1x512xf32>
    %mul3A_293 = vector.broadcast %slice3A_292 : vector<1x512xf32> to vector<128x512xf32>
    %mul3A_294 = arith.mulf %mul3A_293, %transpose3A_282 : vector<128x512xf32>
    %add3A_295 = arith.addf %add3A_256, %mul3A_294 : vector<128x512xf32>
    %slice3A_296 = vector.extract_strided_slice %slice3A_283 {offsets = [3, 0], sizes = [1, 512], strides = [1, 1]} : vector<8x512xf32> to vector<1x512xf32>
    %mul3A_297 = vector.broadcast %slice3A_296 : vector<1x512xf32> to vector<128x512xf32>
    %mul3A_298 = arith.mulf %mul3A_297, %transpose3A_282 : vector<128x512xf32>
    %add3A_299 = arith.addf %add3A_260, %mul3A_298 : vector<128x512xf32>
    %slice3A_300 = vector.extract_strided_slice %slice3A_283 {offsets = [4, 0], sizes = [1, 512], strides = [1, 1]} : vector<8x512xf32> to vector<1x512xf32>
    %mul3A_301 = vector.broadcast %slice3A_300 : vector<1x512xf32> to vector<128x512xf32>
    %mul3A_302 = arith.mulf %mul3A_301, %transpose3A_282 : vector<128x512xf32>
    %add3A_303 = arith.addf %add3A_264, %mul3A_302 : vector<128x512xf32>
    %slice3A_304 = vector.extract_strided_slice %slice3A_283 {offsets = [5, 0], sizes = [1, 512], strides = [1, 1]} : vector<8x512xf32> to vector<1x512xf32>
    %mul3A_305 = vector.broadcast %slice3A_304 : vector<1x512xf32> to vector<128x512xf32>
    %mul3A_306 = arith.mulf %mul3A_305, %transpose3A_282 : vector<128x512xf32>
    %add3A_307 = arith.addf %add3A_268, %mul3A_306 : vector<128x512xf32>
    %slice3A_308 = vector.extract_strided_slice %slice3A_283 {offsets = [6, 0], sizes = [1, 512], strides = [1, 1]} : vector<8x512xf32> to vector<1x512xf32>
    %mul3A_309 = vector.broadcast %slice3A_308 : vector<1x512xf32> to vector<128x512xf32>
    %mul3A_310 = arith.mulf %mul3A_309, %transpose3A_282 : vector<128x512xf32>
    %add3A_311 = arith.addf %add3A_272, %mul3A_310 : vector<128x512xf32>
    %slice3A_312 = vector.extract_strided_slice %slice3A_283 {offsets = [7, 0], sizes = [1, 512], strides = [1, 1]} : vector<8x512xf32> to vector<1x512xf32>
    %mul3A_313 = vector.broadcast %slice3A_312 : vector<1x512xf32> to vector<128x512xf32>
    %mul3A_314 = arith.mulf %mul3A_313, %transpose3A_282 : vector<128x512xf32>
    %add3A_315 = arith.addf %add3A_276, %mul3A_314 : vector<128x512xf32>
    %get3A_316 = arith.constant 7 : index
    %get3A_317 = arith.constant 0 : index
    %get3A_318 = arith.constant 0 : index
    %get3A_319 = vector.load %arg1[%get3A_316, %get3A_317, %get3A_318] : memref<16x512x128xf32, #tpu.memory_space<vmem>>, vector<1x512x128xf32>
    %get3A_320 = vector.shape_cast %get3A_319 : vector<1x512x128xf32> to vector<512x128xf32>
    %transpose3A_321 = tpu.transpose %get3A_320, [1, 0] : vector<512x128xf32> -> vector<128x512xf32>
    %slice3A_322 = vector.extract_strided_slice %div3A_29 {offsets = [0, 3584], sizes = [8, 512], strides = [1, 1]} : vector<8x8192xf32> to vector<8x512xf32>
    %slice3A_323 = vector.extract_strided_slice %slice3A_322 {offsets = [0, 0], sizes = [1, 512], strides = [1, 1]} : vector<8x512xf32> to vector<1x512xf32>
    %mul3A_324 = vector.broadcast %slice3A_323 : vector<1x512xf32> to vector<128x512xf32>
    %mul3A_325 = arith.mulf %mul3A_324, %transpose3A_321 : vector<128x512xf32>
    %add3A_326 = arith.addf %add3A_287, %mul3A_325 : vector<128x512xf32>
    %slice3A_327 = vector.extract_strided_slice %slice3A_322 {offsets = [1, 0], sizes = [1, 512], strides = [1, 1]} : vector<8x512xf32> to vector<1x512xf32>
    %mul3A_328 = vector.broadcast %slice3A_327 : vector<1x512xf32> to vector<128x512xf32>
    %mul3A_329 = arith.mulf %mul3A_328, %transpose3A_321 : vector<128x512xf32>
    %add3A_330 = arith.addf %add3A_291, %mul3A_329 : vector<128x512xf32>
    %slice3A_331 = vector.extract_strided_slice %slice3A_322 {offsets = [2, 0], sizes = [1, 512], strides = [1, 1]} : vector<8x512xf32> to vector<1x512xf32>
    %mul3A_332 = vector.broadcast %slice3A_331 : vector<1x512xf32> to vector<128x512xf32>
    %mul3A_333 = arith.mulf %mul3A_332, %transpose3A_321 : vector<128x512xf32>
    %add3A_334 = arith.addf %add3A_295, %mul3A_333 : vector<128x512xf32>
    %slice3A_335 = vector.extract_strided_slice %slice3A_322 {offsets = [3, 0], sizes = [1, 512], strides = [1, 1]} : vector<8x512xf32> to vector<1x512xf32>
    %mul3A_336 = vector.broadcast %slice3A_335 : vector<1x512xf32> to vector<128x512xf32>
    %mul3A_337 = arith.mulf %mul3A_336, %transpose3A_321 : vector<128x512xf32>
    %add3A_338 = arith.addf %add3A_299, %mul3A_337 : vector<128x512xf32>
    %slice3A_339 = vector.extract_strided_slice %slice3A_322 {offsets = [4, 0], sizes = [1, 512], strides = [1, 1]} : vector<8x512xf32> to vector<1x512xf32>
    %mul3A_340 = vector.broadcast %slice3A_339 : vector<1x512xf32> to vector<128x512xf32>
    %mul3A_341 = arith.mulf %mul3A_340, %transpose3A_321 : vector<128x512xf32>
    %add3A_342 = arith.addf %add3A_303, %mul3A_341 : vector<128x512xf32>
    %slice3A_343 = vector.extract_strided_slice %slice3A_322 {offsets = [5, 0], sizes = [1, 512], strides = [1, 1]} : vector<8x512xf32> to vector<1x512xf32>
    %mul3A_344 = vector.broadcast %slice3A_343 : vector<1x512xf32> to vector<128x512xf32>
    %mul3A_345 = arith.mulf %mul3A_344, %transpose3A_321 : vector<128x512xf32>
    %add3A_346 = arith.addf %add3A_307, %mul3A_345 : vector<128x512xf32>
    %slice3A_347 = vector.extract_strided_slice %slice3A_322 {offsets = [6, 0], sizes = [1, 512], strides = [1, 1]} : vector<8x512xf32> to vector<1x512xf32>
    %mul3A_348 = vector.broadcast %slice3A_347 : vector<1x512xf32> to vector<128x512xf32>
    %mul3A_349 = arith.mulf %mul3A_348, %transpose3A_321 : vector<128x512xf32>
    %add3A_350 = arith.addf %add3A_311, %mul3A_349 : vector<128x512xf32>
    %slice3A_351 = vector.extract_strided_slice %slice3A_322 {offsets = [7, 0], sizes = [1, 512], strides = [1, 1]} : vector<8x512xf32> to vector<1x512xf32>
    %mul3A_352 = vector.broadcast %slice3A_351 : vector<1x512xf32> to vector<128x512xf32>
    %mul3A_353 = arith.mulf %mul3A_352, %transpose3A_321 : vector<128x512xf32>
    %add3A_354 = arith.addf %add3A_315, %mul3A_353 : vector<128x512xf32>
    %get3A_355 = arith.constant 8 : index
    %get3A_356 = arith.constant 0 : index
    %get3A_357 = arith.constant 0 : index
    %get3A_358 = vector.load %arg1[%get3A_355, %get3A_356, %get3A_357] : memref<16x512x128xf32, #tpu.memory_space<vmem>>, vector<1x512x128xf32>
    %get3A_359 = vector.shape_cast %get3A_358 : vector<1x512x128xf32> to vector<512x128xf32>
    %transpose3A_360 = tpu.transpose %get3A_359, [1, 0] : vector<512x128xf32> -> vector<128x512xf32>
    %slice3A_361 = vector.extract_strided_slice %div3A_29 {offsets = [0, 4096], sizes = [8, 512], strides = [1, 1]} : vector<8x8192xf32> to vector<8x512xf32>
    %slice3A_362 = vector.extract_strided_slice %slice3A_361 {offsets = [0, 0], sizes = [1, 512], strides = [1, 1]} : vector<8x512xf32> to vector<1x512xf32>
    %mul3A_363 = vector.broadcast %slice3A_362 : vector<1x512xf32> to vector<128x512xf32>
    %mul3A_364 = arith.mulf %mul3A_363, %transpose3A_360 : vector<128x512xf32>
    %add3A_365 = arith.addf %add3A_326, %mul3A_364 : vector<128x512xf32>
    %slice3A_366 = vector.extract_strided_slice %slice3A_361 {offsets = [1, 0], sizes = [1, 512], strides = [1, 1]} : vector<8x512xf32> to vector<1x512xf32>
    %mul3A_367 = vector.broadcast %slice3A_366 : vector<1x512xf32> to vector<128x512xf32>
    %mul3A_368 = arith.mulf %mul3A_367, %transpose3A_360 : vector<128x512xf32>
    %add3A_369 = arith.addf %add3A_330, %mul3A_368 : vector<128x512xf32>
    %slice3A_370 = vector.extract_strided_slice %slice3A_361 {offsets = [2, 0], sizes = [1, 512], strides = [1, 1]} : vector<8x512xf32> to vector<1x512xf32>
    %mul3A_371 = vector.broadcast %slice3A_370 : vector<1x512xf32> to vector<128x512xf32>
    %mul3A_372 = arith.mulf %mul3A_371, %transpose3A_360 : vector<128x512xf32>
    %add3A_373 = arith.addf %add3A_334, %mul3A_372 : vector<128x512xf32>
    %slice3A_374 = vector.extract_strided_slice %slice3A_361 {offsets = [3, 0], sizes = [1, 512], strides = [1, 1]} : vector<8x512xf32> to vector<1x512xf32>
    %mul3A_375 = vector.broadcast %slice3A_374 : vector<1x512xf32> to vector<128x512xf32>
    %mul3A_376 = arith.mulf %mul3A_375, %transpose3A_360 : vector<128x512xf32>
    %add3A_377 = arith.addf %add3A_338, %mul3A_376 : vector<128x512xf32>
    %slice3A_378 = vector.extract_strided_slice %slice3A_361 {offsets = [4, 0], sizes = [1, 512], strides = [1, 1]} : vector<8x512xf32> to vector<1x512xf32>
    %mul3A_379 = vector.broadcast %slice3A_378 : vector<1x512xf32> to vector<128x512xf32>
    %mul3A_380 = arith.mulf %mul3A_379, %transpose3A_360 : vector<128x512xf32>
    %add3A_381 = arith.addf %add3A_342, %mul3A_380 : vector<128x512xf32>
    %slice3A_382 = vector.extract_strided_slice %slice3A_361 {offsets = [5, 0], sizes = [1, 512], strides = [1, 1]} : vector<8x512xf32> to vector<1x512xf32>
    %mul3A_383 = vector.broadcast %slice3A_382 : vector<1x512xf32> to vector<128x512xf32>
    %mul3A_384 = arith.mulf %mul3A_383, %transpose3A_360 : vector<128x512xf32>
    %add3A_385 = arith.addf %add3A_346, %mul3A_384 : vector<128x512xf32>
    %slice3A_386 = vector.extract_strided_slice %slice3A_361 {offsets = [6, 0], sizes = [1, 512], strides = [1, 1]} : vector<8x512xf32> to vector<1x512xf32>
    %mul3A_387 = vector.broadcast %slice3A_386 : vector<1x512xf32> to vector<128x512xf32>
    %mul3A_388 = arith.mulf %mul3A_387, %transpose3A_360 : vector<128x512xf32>
    %add3A_389 = arith.addf %add3A_350, %mul3A_388 : vector<128x512xf32>
    %slice3A_390 = vector.extract_strided_slice %slice3A_361 {offsets = [7, 0], sizes = [1, 512], strides = [1, 1]} : vector<8x512xf32> to vector<1x512xf32>
    %mul3A_391 = vector.broadcast %slice3A_390 : vector<1x512xf32> to vector<128x512xf32>
    %mul3A_392 = arith.mulf %mul3A_391, %transpose3A_360 : vector<128x512xf32>
    %add3A_393 = arith.addf %add3A_354, %mul3A_392 : vector<128x512xf32>
    %get3A_394 = arith.constant 9 : index
    %get3A_395 = arith.constant 0 : index
    %get3A_396 = arith.constant 0 : index
    %get3A_397 = vector.load %arg1[%get3A_394, %get3A_395, %get3A_396] : memref<16x512x128xf32, #tpu.memory_space<vmem>>, vector<1x512x128xf32>
    %get3A_398 = vector.shape_cast %get3A_397 : vector<1x512x128xf32> to vector<512x128xf32>
    %transpose3A_399 = tpu.transpose %get3A_398, [1, 0] : vector<512x128xf32> -> vector<128x512xf32>
    %slice3A_400 = vector.extract_strided_slice %div3A_29 {offsets = [0, 4608], sizes = [8, 512], strides = [1, 1]} : vector<8x8192xf32> to vector<8x512xf32>
    %slice3A_401 = vector.extract_strided_slice %slice3A_400 {offsets = [0, 0], sizes = [1, 512], strides = [1, 1]} : vector<8x512xf32> to vector<1x512xf32>
    %mul3A_402 = vector.broadcast %slice3A_401 : vector<1x512xf32> to vector<128x512xf32>
    %mul3A_403 = arith.mulf %mul3A_402, %transpose3A_399 : vector<128x512xf32>
    %add3A_404 = arith.addf %add3A_365, %mul3A_403 : vector<128x512xf32>
    %slice3A_405 = vector.extract_strided_slice %slice3A_400 {offsets = [1, 0], sizes = [1, 512], strides = [1, 1]} : vector<8x512xf32> to vector<1x512xf32>
    %mul3A_406 = vector.broadcast %slice3A_405 : vector<1x512xf32> to vector<128x512xf32>
    %mul3A_407 = arith.mulf %mul3A_406, %transpose3A_399 : vector<128x512xf32>
    %add3A_408 = arith.addf %add3A_369, %mul3A_407 : vector<128x512xf32>
    %slice3A_409 = vector.extract_strided_slice %slice3A_400 {offsets = [2, 0], sizes = [1, 512], strides = [1, 1]} : vector<8x512xf32> to vector<1x512xf32>
    %mul3A_410 = vector.broadcast %slice3A_409 : vector<1x512xf32> to vector<128x512xf32>
    %mul3A_411 = arith.mulf %mul3A_410, %transpose3A_399 : vector<128x512xf32>
    %add3A_412 = arith.addf %add3A_373, %mul3A_411 : vector<128x512xf32>
    %slice3A_413 = vector.extract_strided_slice %slice3A_400 {offsets = [3, 0], sizes = [1, 512], strides = [1, 1]} : vector<8x512xf32> to vector<1x512xf32>
    %mul3A_414 = vector.broadcast %slice3A_413 : vector<1x512xf32> to vector<128x512xf32>
    %mul3A_415 = arith.mulf %mul3A_414, %transpose3A_399 : vector<128x512xf32>
    %add3A_416 = arith.addf %add3A_377, %mul3A_415 : vector<128x512xf32>
    %slice3A_417 = vector.extract_strided_slice %slice3A_400 {offsets = [4, 0], sizes = [1, 512], strides = [1, 1]} : vector<8x512xf32> to vector<1x512xf32>
    %mul3A_418 = vector.broadcast %slice3A_417 : vector<1x512xf32> to vector<128x512xf32>
    %mul3A_419 = arith.mulf %mul3A_418, %transpose3A_399 : vector<128x512xf32>
    %add3A_420 = arith.addf %add3A_381, %mul3A_419 : vector<128x512xf32>
    %slice3A_421 = vector.extract_strided_slice %slice3A_400 {offsets = [5, 0], sizes = [1, 512], strides = [1, 1]} : vector<8x512xf32> to vector<1x512xf32>
    %mul3A_422 = vector.broadcast %slice3A_421 : vector<1x512xf32> to vector<128x512xf32>
    %mul3A_423 = arith.mulf %mul3A_422, %transpose3A_399 : vector<128x512xf32>
    %add3A_424 = arith.addf %add3A_385, %mul3A_423 : vector<128x512xf32>
    %slice3A_425 = vector.extract_strided_slice %slice3A_400 {offsets = [6, 0], sizes = [1, 512], strides = [1, 1]} : vector<8x512xf32> to vector<1x512xf32>
    %mul3A_426 = vector.broadcast %slice3A_425 : vector<1x512xf32> to vector<128x512xf32>
    %mul3A_427 = arith.mulf %mul3A_426, %transpose3A_399 : vector<128x512xf32>
    %add3A_428 = arith.addf %add3A_389, %mul3A_427 : vector<128x512xf32>
    %slice3A_429 = vector.extract_strided_slice %slice3A_400 {offsets = [7, 0], sizes = [1, 512], strides = [1, 1]} : vector<8x512xf32> to vector<1x512xf32>
    %mul3A_430 = vector.broadcast %slice3A_429 : vector<1x512xf32> to vector<128x512xf32>
    %mul3A_431 = arith.mulf %mul3A_430, %transpose3A_399 : vector<128x512xf32>
    %add3A_432 = arith.addf %add3A_393, %mul3A_431 : vector<128x512xf32>
    %get3A_433 = arith.constant 10 : index
    %get3A_434 = arith.constant 0 : index
    %get3A_435 = arith.constant 0 : index
    %get3A_436 = vector.load %arg1[%get3A_433, %get3A_434, %get3A_435] : memref<16x512x128xf32, #tpu.memory_space<vmem>>, vector<1x512x128xf32>
    %get3A_437 = vector.shape_cast %get3A_436 : vector<1x512x128xf32> to vector<512x128xf32>
    %transpose3A_438 = tpu.transpose %get3A_437, [1, 0] : vector<512x128xf32> -> vector<128x512xf32>
    %slice3A_439 = vector.extract_strided_slice %div3A_29 {offsets = [0, 5120], sizes = [8, 512], strides = [1, 1]} : vector<8x8192xf32> to vector<8x512xf32>
    %slice3A_440 = vector.extract_strided_slice %slice3A_439 {offsets = [0, 0], sizes = [1, 512], strides = [1, 1]} : vector<8x512xf32> to vector<1x512xf32>
    %mul3A_441 = vector.broadcast %slice3A_440 : vector<1x512xf32> to vector<128x512xf32>
    %mul3A_442 = arith.mulf %mul3A_441, %transpose3A_438 : vector<128x512xf32>
    %add3A_443 = arith.addf %add3A_404, %mul3A_442 : vector<128x512xf32>
    %slice3A_444 = vector.extract_strided_slice %slice3A_439 {offsets = [1, 0], sizes = [1, 512], strides = [1, 1]} : vector<8x512xf32> to vector<1x512xf32>
    %mul3A_445 = vector.broadcast %slice3A_444 : vector<1x512xf32> to vector<128x512xf32>
    %mul3A_446 = arith.mulf %mul3A_445, %transpose3A_438 : vector<128x512xf32>
    %add3A_447 = arith.addf %add3A_408, %mul3A_446 : vector<128x512xf32>
    %slice3A_448 = vector.extract_strided_slice %slice3A_439 {offsets = [2, 0], sizes = [1, 512], strides = [1, 1]} : vector<8x512xf32> to vector<1x512xf32>
    %mul3A_449 = vector.broadcast %slice3A_448 : vector<1x512xf32> to vector<128x512xf32>
    %mul3A_450 = arith.mulf %mul3A_449, %transpose3A_438 : vector<128x512xf32>
    %add3A_451 = arith.addf %add3A_412, %mul3A_450 : vector<128x512xf32>
    %slice3A_452 = vector.extract_strided_slice %slice3A_439 {offsets = [3, 0], sizes = [1, 512], strides = [1, 1]} : vector<8x512xf32> to vector<1x512xf32>
    %mul3A_453 = vector.broadcast %slice3A_452 : vector<1x512xf32> to vector<128x512xf32>
    %mul3A_454 = arith.mulf %mul3A_453, %transpose3A_438 : vector<128x512xf32>
    %add3A_455 = arith.addf %add3A_416, %mul3A_454 : vector<128x512xf32>
    %slice3A_456 = vector.extract_strided_slice %slice3A_439 {offsets = [4, 0], sizes = [1, 512], strides = [1, 1]} : vector<8x512xf32> to vector<1x512xf32>
    %mul3A_457 = vector.broadcast %slice3A_456 : vector<1x512xf32> to vector<128x512xf32>
    %mul3A_458 = arith.mulf %mul3A_457, %transpose3A_438 : vector<128x512xf32>
    %add3A_459 = arith.addf %add3A_420, %mul3A_458 : vector<128x512xf32>
    %slice3A_460 = vector.extract_strided_slice %slice3A_439 {offsets = [5, 0], sizes = [1, 512], strides = [1, 1]} : vector<8x512xf32> to vector<1x512xf32>
    %mul3A_461 = vector.broadcast %slice3A_460 : vector<1x512xf32> to vector<128x512xf32>
    %mul3A_462 = arith.mulf %mul3A_461, %transpose3A_438 : vector<128x512xf32>
    %add3A_463 = arith.addf %add3A_424, %mul3A_462 : vector<128x512xf32>
    %slice3A_464 = vector.extract_strided_slice %slice3A_439 {offsets = [6, 0], sizes = [1, 512], strides = [1, 1]} : vector<8x512xf32> to vector<1x512xf32>
    %mul3A_465 = vector.broadcast %slice3A_464 : vector<1x512xf32> to vector<128x512xf32>
    %mul3A_466 = arith.mulf %mul3A_465, %transpose3A_438 : vector<128x512xf32>
    %add3A_467 = arith.addf %add3A_428, %mul3A_466 : vector<128x512xf32>
    %slice3A_468 = vector.extract_strided_slice %slice3A_439 {offsets = [7, 0], sizes = [1, 512], strides = [1, 1]} : vector<8x512xf32> to vector<1x512xf32>
    %mul3A_469 = vector.broadcast %slice3A_468 : vector<1x512xf32> to vector<128x512xf32>
    %mul3A_470 = arith.mulf %mul3A_469, %transpose3A_438 : vector<128x512xf32>
    %add3A_471 = arith.addf %add3A_432, %mul3A_470 : vector<128x512xf32>
    %get3A_472 = arith.constant 11 : index
    %get3A_473 = arith.constant 0 : index
    %get3A_474 = arith.constant 0 : index
    %get3A_475 = vector.load %arg1[%get3A_472, %get3A_473, %get3A_474] : memref<16x512x128xf32, #tpu.memory_space<vmem>>, vector<1x512x128xf32>
    %get3A_476 = vector.shape_cast %get3A_475 : vector<1x512x128xf32> to vector<512x128xf32>
    %transpose3A_477 = tpu.transpose %get3A_476, [1, 0] : vector<512x128xf32> -> vector<128x512xf32>
    %slice3A_478 = vector.extract_strided_slice %div3A_29 {offsets = [0, 5632], sizes = [8, 512], strides = [1, 1]} : vector<8x8192xf32> to vector<8x512xf32>
    %slice3A_479 = vector.extract_strided_slice %slice3A_478 {offsets = [0, 0], sizes = [1, 512], strides = [1, 1]} : vector<8x512xf32> to vector<1x512xf32>
    %mul3A_480 = vector.broadcast %slice3A_479 : vector<1x512xf32> to vector<128x512xf32>
    %mul3A_481 = arith.mulf %mul3A_480, %transpose3A_477 : vector<128x512xf32>
    %add3A_482 = arith.addf %add3A_443, %mul3A_481 : vector<128x512xf32>
    %slice3A_483 = vector.extract_strided_slice %slice3A_478 {offsets = [1, 0], sizes = [1, 512], strides = [1, 1]} : vector<8x512xf32> to vector<1x512xf32>
    %mul3A_484 = vector.broadcast %slice3A_483 : vector<1x512xf32> to vector<128x512xf32>
    %mul3A_485 = arith.mulf %mul3A_484, %transpose3A_477 : vector<128x512xf32>
    %add3A_486 = arith.addf %add3A_447, %mul3A_485 : vector<128x512xf32>
    %slice3A_487 = vector.extract_strided_slice %slice3A_478 {offsets = [2, 0], sizes = [1, 512], strides = [1, 1]} : vector<8x512xf32> to vector<1x512xf32>
    %mul3A_488 = vector.broadcast %slice3A_487 : vector<1x512xf32> to vector<128x512xf32>
    %mul3A_489 = arith.mulf %mul3A_488, %transpose3A_477 : vector<128x512xf32>
    %add3A_490 = arith.addf %add3A_451, %mul3A_489 : vector<128x512xf32>
    %slice3A_491 = vector.extract_strided_slice %slice3A_478 {offsets = [3, 0], sizes = [1, 512], strides = [1, 1]} : vector<8x512xf32> to vector<1x512xf32>
    %mul3A_492 = vector.broadcast %slice3A_491 : vector<1x512xf32> to vector<128x512xf32>
    %mul3A_493 = arith.mulf %mul3A_492, %transpose3A_477 : vector<128x512xf32>
    %add3A_494 = arith.addf %add3A_455, %mul3A_493 : vector<128x512xf32>
    %slice3A_495 = vector.extract_strided_slice %slice3A_478 {offsets = [4, 0], sizes = [1, 512], strides = [1, 1]} : vector<8x512xf32> to vector<1x512xf32>
    %mul3A_496 = vector.broadcast %slice3A_495 : vector<1x512xf32> to vector<128x512xf32>
    %mul3A_497 = arith.mulf %mul3A_496, %transpose3A_477 : vector<128x512xf32>
    %add3A_498 = arith.addf %add3A_459, %mul3A_497 : vector<128x512xf32>
    %slice3A_499 = vector.extract_strided_slice %slice3A_478 {offsets = [5, 0], sizes = [1, 512], strides = [1, 1]} : vector<8x512xf32> to vector<1x512xf32>
    %mul3A_500 = vector.broadcast %slice3A_499 : vector<1x512xf32> to vector<128x512xf32>
    %mul3A_501 = arith.mulf %mul3A_500, %transpose3A_477 : vector<128x512xf32>
    %add3A_502 = arith.addf %add3A_463, %mul3A_501 : vector<128x512xf32>
    %slice3A_503 = vector.extract_strided_slice %slice3A_478 {offsets = [6, 0], sizes = [1, 512], strides = [1, 1]} : vector<8x512xf32> to vector<1x512xf32>
    %mul3A_504 = vector.broadcast %slice3A_503 : vector<1x512xf32> to vector<128x512xf32>
    %mul3A_505 = arith.mulf %mul3A_504, %transpose3A_477 : vector<128x512xf32>
    %add3A_506 = arith.addf %add3A_467, %mul3A_505 : vector<128x512xf32>
    %slice3A_507 = vector.extract_strided_slice %slice3A_478 {offsets = [7, 0], sizes = [1, 512], strides = [1, 1]} : vector<8x512xf32> to vector<1x512xf32>
    %mul3A_508 = vector.broadcast %slice3A_507 : vector<1x512xf32> to vector<128x512xf32>
    %mul3A_509 = arith.mulf %mul3A_508, %transpose3A_477 : vector<128x512xf32>
    %add3A_510 = arith.addf %add3A_471, %mul3A_509 : vector<128x512xf32>
    %get3A_511 = arith.constant 12 : index
    %get3A_512 = arith.constant 0 : index
    %get3A_513 = arith.constant 0 : index
    %get3A_514 = vector.load %arg1[%get3A_511, %get3A_512, %get3A_513] : memref<16x512x128xf32, #tpu.memory_space<vmem>>, vector<1x512x128xf32>
    %get3A_515 = vector.shape_cast %get3A_514 : vector<1x512x128xf32> to vector<512x128xf32>
    %transpose3A_516 = tpu.transpose %get3A_515, [1, 0] : vector<512x128xf32> -> vector<128x512xf32>
    %slice3A_517 = vector.extract_strided_slice %div3A_29 {offsets = [0, 6144], sizes = [8, 512], strides = [1, 1]} : vector<8x8192xf32> to vector<8x512xf32>
    %slice3A_518 = vector.extract_strided_slice %slice3A_517 {offsets = [0, 0], sizes = [1, 512], strides = [1, 1]} : vector<8x512xf32> to vector<1x512xf32>
    %mul3A_519 = vector.broadcast %slice3A_518 : vector<1x512xf32> to vector<128x512xf32>
    %mul3A_520 = arith.mulf %mul3A_519, %transpose3A_516 : vector<128x512xf32>
    %add3A_521 = arith.addf %add3A_482, %mul3A_520 : vector<128x512xf32>
    %slice3A_522 = vector.extract_strided_slice %slice3A_517 {offsets = [1, 0], sizes = [1, 512], strides = [1, 1]} : vector<8x512xf32> to vector<1x512xf32>
    %mul3A_523 = vector.broadcast %slice3A_522 : vector<1x512xf32> to vector<128x512xf32>
    %mul3A_524 = arith.mulf %mul3A_523, %transpose3A_516 : vector<128x512xf32>
    %add3A_525 = arith.addf %add3A_486, %mul3A_524 : vector<128x512xf32>
    %slice3A_526 = vector.extract_strided_slice %slice3A_517 {offsets = [2, 0], sizes = [1, 512], strides = [1, 1]} : vector<8x512xf32> to vector<1x512xf32>
    %mul3A_527 = vector.broadcast %slice3A_526 : vector<1x512xf32> to vector<128x512xf32>
    %mul3A_528 = arith.mulf %mul3A_527, %transpose3A_516 : vector<128x512xf32>
    %add3A_529 = arith.addf %add3A_490, %mul3A_528 : vector<128x512xf32>
    %slice3A_530 = vector.extract_strided_slice %slice3A_517 {offsets = [3, 0], sizes = [1, 512], strides = [1, 1]} : vector<8x512xf32> to vector<1x512xf32>
    %mul3A_531 = vector.broadcast %slice3A_530 : vector<1x512xf32> to vector<128x512xf32>
    %mul3A_532 = arith.mulf %mul3A_531, %transpose3A_516 : vector<128x512xf32>
    %add3A_533 = arith.addf %add3A_494, %mul3A_532 : vector<128x512xf32>
    %slice3A_534 = vector.extract_strided_slice %slice3A_517 {offsets = [4, 0], sizes = [1, 512], strides = [1, 1]} : vector<8x512xf32> to vector<1x512xf32>
    %mul3A_535 = vector.broadcast %slice3A_534 : vector<1x512xf32> to vector<128x512xf32>
    %mul3A_536 = arith.mulf %mul3A_535, %transpose3A_516 : vector<128x512xf32>
    %add3A_537 = arith.addf %add3A_498, %mul3A_536 : vector<128x512xf32>
    %slice3A_538 = vector.extract_strided_slice %slice3A_517 {offsets = [5, 0], sizes = [1, 512], strides = [1, 1]} : vector<8x512xf32> to vector<1x512xf32>
    %mul3A_539 = vector.broadcast %slice3A_538 : vector<1x512xf32> to vector<128x512xf32>
    %mul3A_540 = arith.mulf %mul3A_539, %transpose3A_516 : vector<128x512xf32>
    %add3A_541 = arith.addf %add3A_502, %mul3A_540 : vector<128x512xf32>
    %slice3A_542 = vector.extract_strided_slice %slice3A_517 {offsets = [6, 0], sizes = [1, 512], strides = [1, 1]} : vector<8x512xf32> to vector<1x512xf32>
    %mul3A_543 = vector.broadcast %slice3A_542 : vector<1x512xf32> to vector<128x512xf32>
    %mul3A_544 = arith.mulf %mul3A_543, %transpose3A_516 : vector<128x512xf32>
    %add3A_545 = arith.addf %add3A_506, %mul3A_544 : vector<128x512xf32>
    %slice3A_546 = vector.extract_strided_slice %slice3A_517 {offsets = [7, 0], sizes = [1, 512], strides = [1, 1]} : vector<8x512xf32> to vector<1x512xf32>
    %mul3A_547 = vector.broadcast %slice3A_546 : vector<1x512xf32> to vector<128x512xf32>
    %mul3A_548 = arith.mulf %mul3A_547, %transpose3A_516 : vector<128x512xf32>
    %add3A_549 = arith.addf %add3A_510, %mul3A_548 : vector<128x512xf32>
    %get3A_550 = arith.constant 13 : index
    %get3A_551 = arith.constant 0 : index
    %get3A_552 = arith.constant 0 : index
    %get3A_553 = vector.load %arg1[%get3A_550, %get3A_551, %get3A_552] : memref<16x512x128xf32, #tpu.memory_space<vmem>>, vector<1x512x128xf32>
    %get3A_554 = vector.shape_cast %get3A_553 : vector<1x512x128xf32> to vector<512x128xf32>
    %transpose3A_555 = tpu.transpose %get3A_554, [1, 0] : vector<512x128xf32> -> vector<128x512xf32>
    %slice3A_556 = vector.extract_strided_slice %div3A_29 {offsets = [0, 6656], sizes = [8, 512], strides = [1, 1]} : vector<8x8192xf32> to vector<8x512xf32>
    %slice3A_557 = vector.extract_strided_slice %slice3A_556 {offsets = [0, 0], sizes = [1, 512], strides = [1, 1]} : vector<8x512xf32> to vector<1x512xf32>
    %mul3A_558 = vector.broadcast %slice3A_557 : vector<1x512xf32> to vector<128x512xf32>
    %mul3A_559 = arith.mulf %mul3A_558, %transpose3A_555 : vector<128x512xf32>
    %add3A_560 = arith.addf %add3A_521, %mul3A_559 : vector<128x512xf32>
    %slice3A_561 = vector.extract_strided_slice %slice3A_556 {offsets = [1, 0], sizes = [1, 512], strides = [1, 1]} : vector<8x512xf32> to vector<1x512xf32>
    %mul3A_562 = vector.broadcast %slice3A_561 : vector<1x512xf32> to vector<128x512xf32>
    %mul3A_563 = arith.mulf %mul3A_562, %transpose3A_555 : vector<128x512xf32>
    %add3A_564 = arith.addf %add3A_525, %mul3A_563 : vector<128x512xf32>
    %slice3A_565 = vector.extract_strided_slice %slice3A_556 {offsets = [2, 0], sizes = [1, 512], strides = [1, 1]} : vector<8x512xf32> to vector<1x512xf32>
    %mul3A_566 = vector.broadcast %slice3A_565 : vector<1x512xf32> to vector<128x512xf32>
    %mul3A_567 = arith.mulf %mul3A_566, %transpose3A_555 : vector<128x512xf32>
    %add3A_568 = arith.addf %add3A_529, %mul3A_567 : vector<128x512xf32>
    %slice3A_569 = vector.extract_strided_slice %slice3A_556 {offsets = [3, 0], sizes = [1, 512], strides = [1, 1]} : vector<8x512xf32> to vector<1x512xf32>
    %mul3A_570 = vector.broadcast %slice3A_569 : vector<1x512xf32> to vector<128x512xf32>
    %mul3A_571 = arith.mulf %mul3A_570, %transpose3A_555 : vector<128x512xf32>
    %add3A_572 = arith.addf %add3A_533, %mul3A_571 : vector<128x512xf32>
    %slice3A_573 = vector.extract_strided_slice %slice3A_556 {offsets = [4, 0], sizes = [1, 512], strides = [1, 1]} : vector<8x512xf32> to vector<1x512xf32>
    %mul3A_574 = vector.broadcast %slice3A_573 : vector<1x512xf32> to vector<128x512xf32>
    %mul3A_575 = arith.mulf %mul3A_574, %transpose3A_555 : vector<128x512xf32>
    %add3A_576 = arith.addf %add3A_537, %mul3A_575 : vector<128x512xf32>
    %slice3A_577 = vector.extract_strided_slice %slice3A_556 {offsets = [5, 0], sizes = [1, 512], strides = [1, 1]} : vector<8x512xf32> to vector<1x512xf32>
    %mul3A_578 = vector.broadcast %slice3A_577 : vector<1x512xf32> to vector<128x512xf32>
    %mul3A_579 = arith.mulf %mul3A_578, %transpose3A_555 : vector<128x512xf32>
    %add3A_580 = arith.addf %add3A_541, %mul3A_579 : vector<128x512xf32>
    %slice3A_581 = vector.extract_strided_slice %slice3A_556 {offsets = [6, 0], sizes = [1, 512], strides = [1, 1]} : vector<8x512xf32> to vector<1x512xf32>
    %mul3A_582 = vector.broadcast %slice3A_581 : vector<1x512xf32> to vector<128x512xf32>
    %mul3A_583 = arith.mulf %mul3A_582, %transpose3A_555 : vector<128x512xf32>
    %add3A_584 = arith.addf %add3A_545, %mul3A_583 : vector<128x512xf32>
    %slice3A_585 = vector.extract_strided_slice %slice3A_556 {offsets = [7, 0], sizes = [1, 512], strides = [1, 1]} : vector<8x512xf32> to vector<1x512xf32>
    %mul3A_586 = vector.broadcast %slice3A_585 : vector<1x512xf32> to vector<128x512xf32>
    %mul3A_587 = arith.mulf %mul3A_586, %transpose3A_555 : vector<128x512xf32>
    %add3A_588 = arith.addf %add3A_549, %mul3A_587 : vector<128x512xf32>
    %get3A_589 = arith.constant 14 : index
    %get3A_590 = arith.constant 0 : index
    %get3A_591 = arith.constant 0 : index
    %get3A_592 = vector.load %arg1[%get3A_589, %get3A_590, %get3A_591] : memref<16x512x128xf32, #tpu.memory_space<vmem>>, vector<1x512x128xf32>
    %get3A_593 = vector.shape_cast %get3A_592 : vector<1x512x128xf32> to vector<512x128xf32>
    %transpose3A_594 = tpu.transpose %get3A_593, [1, 0] : vector<512x128xf32> -> vector<128x512xf32>
    %slice3A_595 = vector.extract_strided_slice %div3A_29 {offsets = [0, 7168], sizes = [8, 512], strides = [1, 1]} : vector<8x8192xf32> to vector<8x512xf32>
    %slice3A_596 = vector.extract_strided_slice %slice3A_595 {offsets = [0, 0], sizes = [1, 512], strides = [1, 1]} : vector<8x512xf32> to vector<1x512xf32>
    %mul3A_597 = vector.broadcast %slice3A_596 : vector<1x512xf32> to vector<128x512xf32>
    %mul3A_598 = arith.mulf %mul3A_597, %transpose3A_594 : vector<128x512xf32>
    %add3A_599 = arith.addf %add3A_560, %mul3A_598 : vector<128x512xf32>
    %slice3A_600 = vector.extract_strided_slice %slice3A_595 {offsets = [1, 0], sizes = [1, 512], strides = [1, 1]} : vector<8x512xf32> to vector<1x512xf32>
    %mul3A_601 = vector.broadcast %slice3A_600 : vector<1x512xf32> to vector<128x512xf32>
    %mul3A_602 = arith.mulf %mul3A_601, %transpose3A_594 : vector<128x512xf32>
    %add3A_603 = arith.addf %add3A_564, %mul3A_602 : vector<128x512xf32>
    %slice3A_604 = vector.extract_strided_slice %slice3A_595 {offsets = [2, 0], sizes = [1, 512], strides = [1, 1]} : vector<8x512xf32> to vector<1x512xf32>
    %mul3A_605 = vector.broadcast %slice3A_604 : vector<1x512xf32> to vector<128x512xf32>
    %mul3A_606 = arith.mulf %mul3A_605, %transpose3A_594 : vector<128x512xf32>
    %add3A_607 = arith.addf %add3A_568, %mul3A_606 : vector<128x512xf32>
    %slice3A_608 = vector.extract_strided_slice %slice3A_595 {offsets = [3, 0], sizes = [1, 512], strides = [1, 1]} : vector<8x512xf32> to vector<1x512xf32>
    %mul3A_609 = vector.broadcast %slice3A_608 : vector<1x512xf32> to vector<128x512xf32>
    %mul3A_610 = arith.mulf %mul3A_609, %transpose3A_594 : vector<128x512xf32>
    %add3A_611 = arith.addf %add3A_572, %mul3A_610 : vector<128x512xf32>
    %slice3A_612 = vector.extract_strided_slice %slice3A_595 {offsets = [4, 0], sizes = [1, 512], strides = [1, 1]} : vector<8x512xf32> to vector<1x512xf32>
    %mul3A_613 = vector.broadcast %slice3A_612 : vector<1x512xf32> to vector<128x512xf32>
    %mul3A_614 = arith.mulf %mul3A_613, %transpose3A_594 : vector<128x512xf32>
    %add3A_615 = arith.addf %add3A_576, %mul3A_614 : vector<128x512xf32>
    %slice3A_616 = vector.extract_strided_slice %slice3A_595 {offsets = [5, 0], sizes = [1, 512], strides = [1, 1]} : vector<8x512xf32> to vector<1x512xf32>
    %mul3A_617 = vector.broadcast %slice3A_616 : vector<1x512xf32> to vector<128x512xf32>
    %mul3A_618 = arith.mulf %mul3A_617, %transpose3A_594 : vector<128x512xf32>
    %add3A_619 = arith.addf %add3A_580, %mul3A_618 : vector<128x512xf32>
    %slice3A_620 = vector.extract_strided_slice %slice3A_595 {offsets = [6, 0], sizes = [1, 512], strides = [1, 1]} : vector<8x512xf32> to vector<1x512xf32>
    %mul3A_621 = vector.broadcast %slice3A_620 : vector<1x512xf32> to vector<128x512xf32>
    %mul3A_622 = arith.mulf %mul3A_621, %transpose3A_594 : vector<128x512xf32>
    %add3A_623 = arith.addf %add3A_584, %mul3A_622 : vector<128x512xf32>
    %slice3A_624 = vector.extract_strided_slice %slice3A_595 {offsets = [7, 0], sizes = [1, 512], strides = [1, 1]} : vector<8x512xf32> to vector<1x512xf32>
    %mul3A_625 = vector.broadcast %slice3A_624 : vector<1x512xf32> to vector<128x512xf32>
    %mul3A_626 = arith.mulf %mul3A_625, %transpose3A_594 : vector<128x512xf32>
    %add3A_627 = arith.addf %add3A_588, %mul3A_626 : vector<128x512xf32>
    %get3A_628 = arith.constant 15 : index
    %get3A_629 = arith.constant 0 : index
    %get3A_630 = arith.constant 0 : index
    %get3A_631 = vector.load %arg1[%get3A_628, %get3A_629, %get3A_630] : memref<16x512x128xf32, #tpu.memory_space<vmem>>, vector<1x512x128xf32>
    %get3A_632 = vector.shape_cast %get3A_631 : vector<1x512x128xf32> to vector<512x128xf32>
    %transpose3A_633 = tpu.transpose %get3A_632, [1, 0] : vector<512x128xf32> -> vector<128x512xf32>
    %slice3A_634 = vector.extract_strided_slice %div3A_29 {offsets = [0, 7680], sizes = [8, 512], strides = [1, 1]} : vector<8x8192xf32> to vector<8x512xf32>
    %slice3A_635 = vector.extract_strided_slice %slice3A_634 {offsets = [0, 0], sizes = [1, 512], strides = [1, 1]} : vector<8x512xf32> to vector<1x512xf32>
    %mul3A_636 = vector.broadcast %slice3A_635 : vector<1x512xf32> to vector<128x512xf32>
    %mul3A_637 = arith.mulf %mul3A_636, %transpose3A_633 : vector<128x512xf32>
    %add3A_638 = arith.addf %add3A_599, %mul3A_637 : vector<128x512xf32>
    %slice3A_639 = vector.extract_strided_slice %slice3A_634 {offsets = [1, 0], sizes = [1, 512], strides = [1, 1]} : vector<8x512xf32> to vector<1x512xf32>
    %mul3A_640 = vector.broadcast %slice3A_639 : vector<1x512xf32> to vector<128x512xf32>
    %mul3A_641 = arith.mulf %mul3A_640, %transpose3A_633 : vector<128x512xf32>
    %add3A_642 = arith.addf %add3A_603, %mul3A_641 : vector<128x512xf32>
    %slice3A_643 = vector.extract_strided_slice %slice3A_634 {offsets = [2, 0], sizes = [1, 512], strides = [1, 1]} : vector<8x512xf32> to vector<1x512xf32>
    %mul3A_644 = vector.broadcast %slice3A_643 : vector<1x512xf32> to vector<128x512xf32>
    %mul3A_645 = arith.mulf %mul3A_644, %transpose3A_633 : vector<128x512xf32>
    %add3A_646 = arith.addf %add3A_607, %mul3A_645 : vector<128x512xf32>
    %slice3A_647 = vector.extract_strided_slice %slice3A_634 {offsets = [3, 0], sizes = [1, 512], strides = [1, 1]} : vector<8x512xf32> to vector<1x512xf32>
    %mul3A_648 = vector.broadcast %slice3A_647 : vector<1x512xf32> to vector<128x512xf32>
    %mul3A_649 = arith.mulf %mul3A_648, %transpose3A_633 : vector<128x512xf32>
    %add3A_650 = arith.addf %add3A_611, %mul3A_649 : vector<128x512xf32>
    %slice3A_651 = vector.extract_strided_slice %slice3A_634 {offsets = [4, 0], sizes = [1, 512], strides = [1, 1]} : vector<8x512xf32> to vector<1x512xf32>
    %mul3A_652 = vector.broadcast %slice3A_651 : vector<1x512xf32> to vector<128x512xf32>
    %mul3A_653 = arith.mulf %mul3A_652, %transpose3A_633 : vector<128x512xf32>
    %add3A_654 = arith.addf %add3A_615, %mul3A_653 : vector<128x512xf32>
    %slice3A_655 = vector.extract_strided_slice %slice3A_634 {offsets = [5, 0], sizes = [1, 512], strides = [1, 1]} : vector<8x512xf32> to vector<1x512xf32>
    %mul3A_656 = vector.broadcast %slice3A_655 : vector<1x512xf32> to vector<128x512xf32>
    %mul3A_657 = arith.mulf %mul3A_656, %transpose3A_633 : vector<128x512xf32>
    %add3A_658 = arith.addf %add3A_619, %mul3A_657 : vector<128x512xf32>
    %slice3A_659 = vector.extract_strided_slice %slice3A_634 {offsets = [6, 0], sizes = [1, 512], strides = [1, 1]} : vector<8x512xf32> to vector<1x512xf32>
    %mul3A_660 = vector.broadcast %slice3A_659 : vector<1x512xf32> to vector<128x512xf32>
    %mul3A_661 = arith.mulf %mul3A_660, %transpose3A_633 : vector<128x512xf32>
    %add3A_662 = arith.addf %add3A_623, %mul3A_661 : vector<128x512xf32>
    %slice3A_663 = vector.extract_strided_slice %slice3A_634 {offsets = [7, 0], sizes = [1, 512], strides = [1, 1]} : vector<8x512xf32> to vector<1x512xf32>
    %mul3A_664 = vector.broadcast %slice3A_663 : vector<1x512xf32> to vector<128x512xf32>
    %mul3A_665 = arith.mulf %mul3A_664, %transpose3A_633 : vector<128x512xf32>
    %add3A_666 = arith.addf %add3A_627, %mul3A_665 : vector<128x512xf32>
    %get3A_667 = arith.constant 0 : index
    %get3A_668 = arith.constant 0 : index
    %get3A_669 = arith.constant 0 : index
    %get3A_670 = vector.load %arg7[%get3A_667, %get3A_668, %get3A_669] : memref<8x128x128xf32, #tpu.memory_space<vmem>>, vector<1x128x128xf32>
    %get3A_671 = vector.shape_cast %get3A_670 : vector<1x128x128xf32> to vector<128x128xf32>
    %dot_general3A_672 = arith.constant dense<0.000000e+00> : vector<128x512xf32>
    %dot_general3A_673 = tpu.matmul %get3A_671, %add3A_638, %dot_general3A_672 {dimension_numbers = #tpu.dot_dimension_numbers<[0], [0], [1], [1], [0, 1, 1, 1], [], []>, transpose_lhs_hint = false} : vector<128x128xf32>, vector<128x512xf32>, vector<128x512xf32> -> vector<128x512xf32>
    %get3A_674 = arith.constant 1 : index
    %get3A_675 = arith.constant 0 : index
    %get3A_676 = arith.constant 0 : index
    %get3A_677 = vector.load %arg7[%get3A_674, %get3A_675, %get3A_676] : memref<8x128x128xf32, #tpu.memory_space<vmem>>, vector<1x128x128xf32>
    %get3A_678 = vector.shape_cast %get3A_677 : vector<1x128x128xf32> to vector<128x128xf32>
    %dot_general3A_679 = arith.constant dense<0.000000e+00> : vector<128x512xf32>
    %dot_general3A_680 = tpu.matmul %get3A_678, %add3A_642, %dot_general3A_679 {dimension_numbers = #tpu.dot_dimension_numbers<[0], [0], [1], [1], [0, 1, 1, 1], [], []>, transpose_lhs_hint = false} : vector<128x128xf32>, vector<128x512xf32>, vector<128x512xf32> -> vector<128x512xf32>
    %add3A_681 = arith.addf %dot_general3A_673, %dot_general3A_680 : vector<128x512xf32>
    %get3A_682 = arith.constant 2 : index
    %get3A_683 = arith.constant 0 : index
    %get3A_684 = arith.constant 0 : index
    %get3A_685 = vector.load %arg7[%get3A_682, %get3A_683, %get3A_684] : memref<8x128x128xf32, #tpu.memory_space<vmem>>, vector<1x128x128xf32>
    %get3A_686 = vector.shape_cast %get3A_685 : vector<1x128x128xf32> to vector<128x128xf32>
    %dot_general3A_687 = arith.constant dense<0.000000e+00> : vector<128x512xf32>
    %dot_general3A_688 = tpu.matmul %get3A_686, %add3A_646, %dot_general3A_687 {dimension_numbers = #tpu.dot_dimension_numbers<[0], [0], [1], [1], [0, 1, 1, 1], [], []>, transpose_lhs_hint = false} : vector<128x128xf32>, vector<128x512xf32>, vector<128x512xf32> -> vector<128x512xf32>
    %add3A_689 = arith.addf %add3A_681, %dot_general3A_688 : vector<128x512xf32>
    %get3A_690 = arith.constant 3 : index
    %get3A_691 = arith.constant 0 : index
    %get3A_692 = arith.constant 0 : index
    %get3A_693 = vector.load %arg7[%get3A_690, %get3A_691, %get3A_692] : memref<8x128x128xf32, #tpu.memory_space<vmem>>, vector<1x128x128xf32>
    %get3A_694 = vector.shape_cast %get3A_693 : vector<1x128x128xf32> to vector<128x128xf32>
    %dot_general3A_695 = arith.constant dense<0.000000e+00> : vector<128x512xf32>
    %dot_general3A_696 = tpu.matmul %get3A_694, %add3A_650, %dot_general3A_695 {dimension_numbers = #tpu.dot_dimension_numbers<[0], [0], [1], [1], [0, 1, 1, 1], [], []>, transpose_lhs_hint = false} : vector<128x128xf32>, vector<128x512xf32>, vector<128x512xf32> -> vector<128x512xf32>
    %add3A_697 = arith.addf %add3A_689, %dot_general3A_696 : vector<128x512xf32>
    %get3A_698 = arith.constant 4 : index
    %get3A_699 = arith.constant 0 : index
    %get3A_700 = arith.constant 0 : index
    %get3A_701 = vector.load %arg7[%get3A_698, %get3A_699, %get3A_700] : memref<8x128x128xf32, #tpu.memory_space<vmem>>, vector<1x128x128xf32>
    %get3A_702 = vector.shape_cast %get3A_701 : vector<1x128x128xf32> to vector<128x128xf32>
    %dot_general3A_703 = arith.constant dense<0.000000e+00> : vector<128x512xf32>
    %dot_general3A_704 = tpu.matmul %get3A_702, %add3A_654, %dot_general3A_703 {dimension_numbers = #tpu.dot_dimension_numbers<[0], [0], [1], [1], [0, 1, 1, 1], [], []>, transpose_lhs_hint = false} : vector<128x128xf32>, vector<128x512xf32>, vector<128x512xf32> -> vector<128x512xf32>
    %add3A_705 = arith.addf %add3A_697, %dot_general3A_704 : vector<128x512xf32>
    %get3A_706 = arith.constant 5 : index
    %get3A_707 = arith.constant 0 : index
    %get3A_708 = arith.constant 0 : index
    %get3A_709 = vector.load %arg7[%get3A_706, %get3A_707, %get3A_708] : memref<8x128x128xf32, #tpu.memory_space<vmem>>, vector<1x128x128xf32>
    %get3A_710 = vector.shape_cast %get3A_709 : vector<1x128x128xf32> to vector<128x128xf32>
    %dot_general3A_711 = arith.constant dense<0.000000e+00> : vector<128x512xf32>
    %dot_general3A_712 = tpu.matmul %get3A_710, %add3A_658, %dot_general3A_711 {dimension_numbers = #tpu.dot_dimension_numbers<[0], [0], [1], [1], [0, 1, 1, 1], [], []>, transpose_lhs_hint = false} : vector<128x128xf32>, vector<128x512xf32>, vector<128x512xf32> -> vector<128x512xf32>
    %add3A_713 = arith.addf %add3A_705, %dot_general3A_712 : vector<128x512xf32>
    %get3A_714 = arith.constant 6 : index
    %get3A_715 = arith.constant 0 : index
    %get3A_716 = arith.constant 0 : index
    %get3A_717 = vector.load %arg7[%get3A_714, %get3A_715, %get3A_716] : memref<8x128x128xf32, #tpu.memory_space<vmem>>, vector<1x128x128xf32>
    %get3A_718 = vector.shape_cast %get3A_717 : vector<1x128x128xf32> to vector<128x128xf32>
    %dot_general3A_719 = arith.constant dense<0.000000e+00> : vector<128x512xf32>
    %dot_general3A_720 = tpu.matmul %get3A_718, %add3A_662, %dot_general3A_719 {dimension_numbers = #tpu.dot_dimension_numbers<[0], [0], [1], [1], [0, 1, 1, 1], [], []>, transpose_lhs_hint = false} : vector<128x128xf32>, vector<128x512xf32>, vector<128x512xf32> -> vector<128x512xf32>
    %add3A_721 = arith.addf %add3A_713, %dot_general3A_720 : vector<128x512xf32>
    %get3A_722 = arith.constant 7 : index
    %get3A_723 = arith.constant 0 : index
    %get3A_724 = arith.constant 0 : index
    %get3A_725 = vector.load %arg7[%get3A_722, %get3A_723, %get3A_724] : memref<8x128x128xf32, #tpu.memory_space<vmem>>, vector<1x128x128xf32>
    %get3A_726 = vector.shape_cast %get3A_725 : vector<1x128x128xf32> to vector<128x128xf32>
    %dot_general3A_727 = arith.constant dense<0.000000e+00> : vector<128x512xf32>
    %dot_general3A_728 = tpu.matmul %get3A_726, %add3A_666, %dot_general3A_727 {dimension_numbers = #tpu.dot_dimension_numbers<[0], [0], [1], [1], [0, 1, 1, 1], [], []>, transpose_lhs_hint = false} : vector<128x128xf32>, vector<128x512xf32>, vector<128x512xf32> -> vector<128x512xf32>
    %add3A_729 = arith.addf %add3A_721, %dot_general3A_728 : vector<128x512xf32>
    %get3A_730 = arith.constant 0 : index
    %get3A_731 = arith.constant 0 : index
    %get3A_732 = vector.load %arg8[%get3A_730, %get3A_731] : memref<128x128xf32, #tpu.memory_space<vmem>>, vector<128x128xf32>
    %dot_general3A_733 = arith.constant dense<0.000000e+00> : vector<128x512xf32>
    %dot_general3A_734 = tpu.matmul %get3A_732, %get3A_1, %dot_general3A_733 {dimension_numbers = #tpu.dot_dimension_numbers<[0], [1], [1], [0], [0, 1, 1, 0], [], []>, transpose_lhs_hint = false} : vector<128x128xf32>, vector<512x128xf32>, vector<128x512xf32> -> vector<128x512xf32>
    %add3A_735 = arith.addf %add3A_729, %dot_general3A_734 : vector<128x512xf32>
    %get3A_736 = arith.constant 0 : index
    %get3A_737 = arith.constant 0 : index
    %get3A_738 = vector.load %arg9[%get3A_736, %get3A_737] : memref<128x1xf32, #tpu.memory_space<vmem>>, vector<128x1xf32>
    %add3A_739 = vector.broadcast %get3A_738 : vector<128x1xf32> to vector<128x512xf32>
    %add3A_740 = arith.addf %add3A_735, %add3A_739 : vector<128x512xf32>
    %max3A_741 = arith.constant 0.000000e+00 : f32
    %max3A_742 = vector.broadcast %max3A_741 : f32 to vector<128x512xf32>
    %max3A_743 = arith.maximumf %add3A_740, %max3A_742 : vector<128x512xf32>
    %swap3A = arith.constant 0 : index
    %swap3A_744 = arith.constant 0 : index
    %swap3A_745 = arith.constant 0 : index
    %swap3A_746 = arith.constant 0 : index
    %swap3A_747 = vector.load %arg11[%swap3A, %swap3A_744, %swap3A_745, %swap3A_746] : memref<1x2x128x512xf32, #tpu.memory_space<vmem>>, vector<1x1x128x512xf32>
    %swap3A_748 = vector.shape_cast %swap3A_747 : vector<1x1x128x512xf32> to vector<128x512xf32>
    %swap3A_749 = vector.shape_cast %max3A_743 : vector<128x512xf32> to vector<1x1x128x512xf32>
    tpu.vector_store %arg11[%swap3A, %swap3A_744, %swap3A_745, %swap3A_746], %swap3A_749 {strides = array<i32>} : memref<1x2x128x512xf32, #tpu.memory_space<vmem>>, vector<1x1x128x512xf32>,
    %swap3A_750 = arith.constant 0 : index
    %swap3A_751 = arith.constant 1 : index
    %swap3A_752 = arith.constant 0 : index
    %swap3A_753 = arith.constant 0 : index
    %swap3A_754 = vector.load %arg11[%swap3A_750, %swap3A_751, %swap3A_752, %swap3A_753] : memref<1x2x128x512xf32, #tpu.memory_space<vmem>>, vector<1x1x128x512xf32>
    %swap3A_755 = vector.shape_cast %swap3A_754 : vector<1x1x128x512xf32> to vector<128x512xf32>
    %swap3A_756 = vector.shape_cast %max3A_743 : vector<128x512xf32> to vector<1x1x128x512xf32>
    tpu.vector_store %arg11[%swap3A_750, %swap3A_751, %swap3A_752, %swap3A_753], %swap3A_756 {strides = array<i32>} : memref<1x2x128x512xf32, #tpu.memory_space<vmem>>, vector<1x1x128x512xf32>,
    return
  }
  func.func @transform_0(%arg0: i32) -> (i32, i32, i32) {
    %c0_i32 = arith.constant 0 : i32
    %c0_i32_0 = arith.constant 0 : i32
    %c0_i32_1 = arith.constant 0 : i32
    return %c0_i32, %arg0, %c0_i32_0 : i32, i32, i32
  }
  func.func @transform_1(%arg0: i32) -> (i32, i32) {
    %add3A = arith.constant 10 : i32
    %add3A_0 = arith.addi %arg0, %add3A : i32
    %c0_i32 = arith.constant 0 : i32
    %c0_i32_1 = arith.constant 0 : i32
    return %add3A_0, %c0_i32 : i32, i32
  }
  func.func @transform_2(%arg0: i32) -> (i32, i32) {
    %c0_i32 = arith.constant 0 : i32
    %c0_i32_0 = arith.constant 0 : i32
    %c0_i32_1 = arith.constant 0 : i32
    return %c0_i32, %c0_i32_0 : i32, i32
  }
  func.func @transform_3(%arg0: i32) -> (i32, i32) {
    %c0_i32 = arith.constant 0 : i32
    %c0_i32_0 = arith.constant 0 : i32
    %c0_i32_1 = arith.constant 0 : i32
    return %c0_i32, %c0_i32_0 : i32, i32
  }
  func.func @transform_4(%arg0: i32) -> (i32, i32) {
    %c0_i32 = arith.constant 0 : i32
    %c0_i32_0 = arith.constant 0 : i32
    %c0_i32_1 = arith.constant 0 : i32
    return %c0_i32, %c0_i32_0 : i32, i32
  }
  func.func @transform_5(%arg0: i32) -> (i32, i32) {
    %c0_i32 = arith.constant 0 : i32
    %c0_i32_0 = arith.constant 0 : i32
    %c0_i32_1 = arith.constant 0 : i32
    return %c0_i32, %c0_i32_0 : i32, i32
  }
  func.func @transform_6(%arg0: i32) -> (i32, i32, i32) {
    %c0_i32 = arith.constant 0 : i32
    %c0_i32_0 = arith.constant 0 : i32
    %c0_i32_1 = arith.constant 0 : i32
    %c0_i32_2 = arith.constant 0 : i32
    return %c0_i32, %c0_i32_0, %c0_i32_1 : i32, i32, i32
  }
  func.func @transform_7(%arg0: i32) -> (i32, i32) {
    %c0_i32 = arith.constant 0 : i32
    %c0_i32_0 = arith.constant 0 : i32
    %c0_i32_1 = arith.constant 0 : i32
    return %c0_i32, %c0_i32_0 : i32, i32
  }
  func.func @transform_8(%arg0: i32) -> (i32, i32) {
    %c0_i32 = arith.constant 0 : i32
    %c0_i32_0 = arith.constant 0 : i32
    %c0_i32_1 = arith.constant 0 : i32
    return %c0_i32, %c0_i32_0 : i32, i32
  }
  func.func @transform_10(%arg0: i32) -> (i32, i32, i32, i32) {
    %add3A = arith.constant 10 : i32
    %add3A_0 = arith.addi %arg0, %add3A : i32
    %c0_i32 = arith.constant 0 : i32
    %c0_i32_1 = arith.constant 0 : i32
    %c0_i32_2 = arith.constant 0 : i32
    %c0_i32_3 = arith.constant 0 : i32
    return %c0_i32, %c0_i32_1, %c0_i32_2, %add3A_0 : i32, i32, i32, i32
  }
}

</mosaic_0001>

<sc_bundles>
// kernel: kernel.6.cloned.1.call-start
scs
__scs_entry_jumppad:
0x0: {  	(pc) =	sbr.rel $0x88, $3  }
0x1: {  	(tag) =	ssettag $0x0;
	lr =	simm.s32 $0x1  }
0x2: {  	[smem:$0x3F97] =	sst lr;
	_ =	strace $0xD0000000  }
0x3: {  	_ = 	snop  }
0x4: {  	_ = 	snop  }
0x5: {  	_ = 	snop  }
0x6: {  	_ = 	snop  }
0x7: {  	_ = 	snop  }
__scs_overlays_trampoline_lowered:
0x8: {  	[smem:$0x3FA6] =	sst s0  }
0x9: {  	[smem:$0x3FA7] =	sst s1  }
0xa: {  	[smem:$0x3FA8] =	sst s2  }
0xb: {  	[smem:$0x3FA9] =	sst s3  }
0xc: {  	[smem:$0x3FAA] =	sst s4  }
0xd: {  	[smem:$0x3FAB] =	sst s5  }
0xe: {  	[smem:$0x3FAC] =	sst s6  }
0xf: {  	[smem:$0x3FAD] =	sst s7  }
0x10: {  	[smem:$0x3FAE] =	sst s8  }
0x11: {  	[smem:$0x3FAF] =	sst s9;
	s0 =	simm.s32 @!p0 $0x0  }
0x12: {  	s1 =	sld [smem:$0x3F95];
	s0 =	simm.s32 @p0 $0x1  }
0x13: {  	[smem:$0x3FB0] =	sst s0;
	s0 =	simm.s32 @!p1 $0x0  }
0x14: {  	s2 =	sld [smem:$0x3F94];
	s0 =	simm.s32 @p1 $0x1  }
0x15: {  	[smem:$0x3FB1] =	sst s0;
	s0 =	simm.s32 @!p2 $0x0  }
0x16: {  	s3 =	sld [smem:$0x3FDB];
	s0 =	simm.s32 @p2 $0x1  }
0x17: {  	s4 =	simm.s32 $0x1BF5;
	[smem:$0x3FB3] =	sst s0  }
0x18: {  	s0 =	sld [smem:$0x3F96];
	_ =	swait.ge [sflag:s4], $0x0  }
0x19: {  	s7 =	sld [smem:$0x3F97]  }
0x1a: {  	s8 =	sadd.s32 $0xFFFFE003, lr  }
0x1b: {  	s9 =	sadd.s32 $0xFFFFFEF7, lr;
	s5 =	simm.s32 $0xFFFFFFFF;
	p2 =	slt.u32 s8, $0xFFFFF086  }
0x1c: {  	p1 =	slt.u32 s9, $0xF7A;
	s5 =	simm.s32 @!p2 $0x0  }
0x1d: {  	s5 =	simm.s32 @p1 $0x1;
	p0 =	seq.s32 s7, s2  }
0x1e: {  	s7 =	smul.u32 @!p0 $0xF7A, s2;
	p2 =	seq.s32 @!p0 s5, $0x0  }
0x1f: {  	s9 =	smul.u32 $0xF7A, s1;
	s8 =	simm.s32 @!p0 $0x1BF5;
	p2 =	por !p2, p0  }
0x20: {  	[sflag:s8] =	ssyncset.s32 @!p0 $0xFFFFF086;
	s6 =	sadd.s32 @!p0 s3, s7;
	s7 =	simm.s32 @!p0 $0x108  }
0x21: {  	s3 =	sadd.s32 s3, s9;
	s6 =	sadd.s32 @!p0 $0x88, s6;
	s7 =	simm.s32 @p2 $0x1082  }
0x22: {  	[simem:s7], [sflag:s8] =	dma.local @!p0 [hbm:s6], $0xF7A  }
0x23: {  	s9 =	sor.u32 $0xD0000000, s2;
	s6 =	simm.s32 $0x108;
	_ =	swait.ge @!p0 [sflag:s8], $0x0  }
0x24: {  	s3 =	sadd.s32 $0x88, s3;
	s6 =	simm.s32 @!p1 $0x1082;
	[sflag:s4] =	ssyncset.s32 $0xFFFFF086  }
0x25: {  	[simem:s6], [sflag:s4] =	dma.local [hbm:s3], $0xF7A  }
0x26: {  	[smem:$0x3F97] =	sst s1;
	(tag) =	ssettag s2;
	_ =	strace s9  }
0x27: {  	s1 =	sld [smem:$0x3FA7]  }
0x28: {  	s2 =	sld [smem:$0x3FA8]  }
0x29: {  	s4 =	sld [smem:$0x3FAA]  }
0x2a: {  	p0 =	seq.s32 s5, $0x0;
	s5 =	sld [smem:$0x3FAB]  }
0x2b: {  	s6 =	sld [smem:$0x3FAC]  }
0x2c: {  	s7 =	sld [smem:$0x3FAD]  }
0x2d: {  	s3 =	simm.s32 $0x108;
	s8 =	sld [smem:$0x3FAE]  }
0x2e: {  	s3 =	simm.s32 @!p0 $0x1082;
	s9 =	sld [smem:$0x3FAF]  }
0x2f: {  	lr =	sadd.s32 s0, s3;
	s0 =	sld [smem:$0x3FA6]  }
0x30: {  	s3 =	sld [smem:$0x3FA9]  }
0x31: {  	[smem:$0x3FB2] =	sst s10  }
0x32: {  	s10 =	sld [smem:$0x3FB0];
	_ =	sdelay $0x3  }
0x33: {  	p0 =	seq.s32 s10, $0x1;
	s10 =	sld [smem:$0x3FB2];
	_ =	sdelay $0x3  }
0x34: {  	[smem:$0x3FB2] =	sst s10  }
0x35: {  	s10 =	sld [smem:$0x3FB1];
	_ =	sdelay $0x3  }
0x36: {  	p1 =	seq.s32 s10, $0x1;
	s10 =	sld [smem:$0x3FB2];
	_ =	sdelay $0x3  }
0x37: {  	[smem:$0x3FB2] =	sst s10  }
0x38: {  	s10 =	sld [smem:$0x3FB3]  }
0x39: {  	_ = 	snop;
	(pc) =	sbr.ind lr, $3  }
0x3a: {  	_ = 	snop  }
0x3b: {  	_ = 	snop  }
0x3c: {  	p2 =	seq.s32 s10, $0x1;
	s10 =	sld [smem:$0x3FB2]  }
0x3d: {  	_ =	shalt  }
0x3e: {  	_ =	shalt  }
0x3f: {  	_ =	shalt  }
0x40: {  	_ =	shalt  }
0x41: {  	_ =	shalt  }
0x42: {  	_ =	shalt  }
0x43: {  	_ =	shalt  }
0x44: {  	_ =	shalt  }
0x45: {  	_ =	shalt  }
0x46: {  	_ =	shalt  }
0x47: {  	_ =	shalt  }
0x48: {  	_ =	shalt  }
0x49: {  	_ =	shalt  }
0x4a: {  	_ =	shalt  }
0x4b: {  	_ =	shalt  }
0x4c: {  	_ =	shalt  }
0x4d: {  	_ =	shalt  }
0x4e: {  	_ =	shalt  }
0x4f: {  	_ =	shalt  }
0x50: {  	_ =	shalt  }
0x51: {  	_ =	shalt  }
0x52: {  	_ =	shalt  }
0x53: {  	_ =	shalt  }
0x54: {  	_ =	shalt  }
0x55: {  	_ =	shalt  }
0x56: {  	_ =	shalt  }
0x57: {  	_ =	shalt  }
0x58: {  	_ =	shalt  }
0x59: {  	_ =	shalt  }
0x5a: {  	_ =	shalt  }
0x5b: {  	_ =	shalt  }
0x5c: {  	_ =	shalt  }
0x5d: {  	_ =	shalt  }
0x5e: {  	_ =	shalt  }
0x5f: {  	_ =	shalt  }
0x60: {  	_ =	shalt  }
0x61: {  	_ =	shalt  }
0x62: {  	_ =	shalt  }
0x63: {  	_ =	shalt  }
0x64: {  	_ =	shalt  }
0x65: {  	_ =	shalt  }
0x66: {  	_ =	shalt  }
0x67: {  	_ =	shalt  }
0x68: {  	_ =	shalt  }
0x69: {  	_ =	shalt  }
0x6a: {  	_ =	shalt  }
0x6b: {  	_ =	shalt  }
0x6c: {  	_ =	shalt  }
0x6d: {  	_ =	shalt  }
0x6e: {  	_ =	shalt  }
0x6f: {  	_ =	shalt  }
0x70: {  	_ =	shalt  }
0x71: {  	_ =	shalt  }
0x72: {  	_ =	shalt  }
0x73: {  	_ =	shalt  }
0x74: {  	_ =	shalt  }
0x75: {  	_ =	shalt  }
0x76: {  	_ =	shalt  }
0x77: {  	_ =	shalt  }
0x78: {  	_ =	shalt  }
0x79: {  	_ =	shalt  }
0x7a: {  	_ =	shalt  }
0x7b: {  	_ =	shalt  }
0x7c: {  	_ =	shalt  }
0x7d: {  	_ =	shalt  }
0x7e: {  	_ =	shalt  }
0x7f: {  	_ =	shalt  }
0x80: {  	_ =	shalt  }
0x81: {  	_ =	shalt  }
0x82: {  	_ =	shalt  }
0x83: {  	_ =	shalt  }
0x84: {  	_ =	shalt  }
0x85: {  	_ =	shalt  }
0x86: {  	_ =	shalt  }
0x87: {  	_ =	shalt  }
.Lfunc_end0:
.L_simem_size_0:
called_computation_lowered:
.L_overlay_start_0:
0x88: {  	s2 =	sld [smem:$0x3FD9]  }
0x89: {  	s3 =	sld [smem:$0x3FFE];
	_ =	sdelay $0x1  }
0x8a: {  	s1 =	srdreg.scid  }
0x8b: {  	s0 =	sand.u32 $0x1, s1  }
0x8c: {  	s17 =	sshll.u32 s0, $0xA;
	s2 =	sadd.s32 s3, s2  }
0x8d: {  	s2 =	sadd.s32 s2, s17  }
0x8e: {  	[smem:$0x3FBE] =	sst s2  }
0x8f: {  	_ = 	snop  }
0x90: {  	s2 =	sld [smem:$0x3FD0];
	(tm) =	ssettm $0x1  }
0x91: {  	s18 =	sld [smem:$0x3FFB];
	_ =	sdelay $0x3  }
0x92: {  	_ =	strace s18  }
0x93: {  	s3 =	sld [smem:$0x3FFC];
	_ =	sdelay $0x3  }
0x94: {  	_ =	strace s3  }
0x95: {  	s3 =	sld [smem:$0x3FFD];
	_ =	sdelay $0x3  }
0x96: {  	_ =	strace s3  }
0x97: {  	_ =	strace $0x8FFFFFFF  }
0x98: {  	s19 =	sld [smem:$0x3FDB];
	_ =	sdelay $0x1  }
0x99: {  	s4 =	simm.s32 $_scs_section_size  }
0x9a: {  	s5 =	simm.s32 $_size__tile_overlayer_lowered;
	s6 =	simm.s32 $_tile_overlayer_lowered  }
0x9b: {  	s22 =	simm.s32 $0x1BFF;
	s21 =	sshll.u32 s6, $0x1;
	s3 =	sadd.s32 s4, s19  }
0x9c: {  	s7 =	simm.s32 $0x0;
	s20 =	sshll.u32 s5, $0x1;
	s5 =	sadd.s32 s21, s3  }
0x9d: {  	[timem:s7], [sflag:s22] =	dma.local [hbm:s5], s20  }
0x9e: {  	_ =	swait.ge [sflag:s22], s20  }
0x9f: {  	s4 =	ssub.s32 $0x0, s20;
	[sflag:s22] =	ssyncset.done $0x0  }
0xa0: {  	[sflag:s22] =	ssyncadd.s32 s4;
	_ =	sdelay $0x1  }
0xa1: {  	s23 =	simm.s32 $0x1B8B  }
0xa2: {  	_ =	swait.ge [sflag:s23], $0x1  }
0xa3: {  	[sflag:s23] =	ssyncset.done $0x0  }
0xa4: {  	s25 =	simm.s32 $0x1B8E;
	s24 =	sld [smem:$0x3FFE];
	[sflag:s23] =	ssyncadd.s32 $0xFFFFFFFF  }
0xa5: {  	s26 =	simm.s32 $execute0_lowered;
	[smem:$0x3FD2] =	sst s25  }
0xa6: {  	s5 =	sshll.u32 s26, $0x1;
	_ =	strace $0x80000046;
	[dreg:$0x1] =	wrdreg $0xFFFFFFFF  }
0xa7: {  	s28 =	simm.s32 $_size_execute0_lowered;
	s3 =	sadd.s32 s3, s5;
	[dreg:$0x0] =	wrdreg $0x0  }
0xa8: {  	s5 =	sshll.u32 s28, $0x1;
	[dreg:$0x2] =	wrdreg s3  }
0xa9: {  	[dreg:$0x3] =	wrdreg s5  }
0xaa: {  	[dreg:$0x4] =	wrdreg $0xC0  }
0xab: {  	_ =	task [dreg:s7], $0x5FFFF  }
0xac: {  	[dreg:$0x1] =	wrdreg $0xFFFFFFFF  }
0xad: {  	[dreg:$0x0] =	wrdreg $0x60  }
0xae: {  	[dreg:$0x2] =	wrdreg s2  }
0xaf: {  	[dreg:$0x3] =	wrdreg s24  }
0xb0: {  	[dreg:$0x4] =	wrdreg $0x8C000  }
0xb1: {  	[dreg:$0x5] =	wrdreg $0x9  }
0xb2: {  	_ =	task.clear_ibuf [dreg:s7], $0x6FFFF;
	_ =	strace $0x90000046  }
0xb3: {  	s29 =	simm.s32 $0x9;
	_ =	strace $0x80000048  }
0xb4: {  	_ =	swait.ge [sflag:s29], $0x1  }
0xb5: {  	[sflag:s29] =	ssyncadd.s32 $0xFFFFFFFF  }
0xb6: {  	_ =	strace $0x90000048  }
0xb7: {  	_ =	sfence  }
0xb8: {  	s30 =	sld [smem:$0x0];
	_ =	sdelay $0x2  }
0xb9: {  	s31 =	sshll.u32 s1, $0xD;
	s1 =	sshrl.u32 s1, $0x2  }
0xba: {  	s3 =	sand.u32 $0x4000, s31;
	s1 =	sadd.s32 s1, s30  }
0xbb: {  	s0 =	sor.u32 s3, s0;
	s1 =	sshll.u32 s1, $0x11  }
0xbc: {  	s0 =	sor.u32 s1, s0  }
0xbd: {  	s0 =	sadd.s32 $0x8F2B, s0  }
0xbe: {  	[sflag:s0] =	ssyncadd.remote.s32 $0x1  }
0xbf: {  	_ =	sfence.sel $0xFFFF  }
0xc0: {  	[dreg:$0x0] =	wrdreg $0xFFFFFFFF;
	(pc) =	sbr.abs _section_cstart, $3  }
0xc1: {  	[dreg:$0x1] =	wrdreg $0xFFFFFFFF  }
0xc2: {  	_ =	task.clear_ibuf [dreg:s7], $0x2FFFF;
	_ =	strace $0x9FFFFFFF  }
0xc3: {  	(tm) =	ssettm $0x7FFFFFFF  }
tec
execute0_lowered:
.L_overlay_start_1:
0x0: {  	(tag) =	ssettag $0x1  }
0x1: {  	s4 =	rddreg [dreg:$0x0]  }
0x2: {  	s1 =	srdreg.scid;
	s5 =	rddreg [dreg:$0x1]  }
0x3: {  	s0 =	stileid.u32;
	s2 =	rddreg [dreg:$0x2];
	s3 =	simm.s32 $0x0  }
0x4: {  	s16 =	simm.s32 $0x4C00;
	s17 =	simm.s32 $0x1;
	s18 =	simm.s32 $0x2  }
0x5: {  	s19 =	simm.s32 $0x3;
	s20 =	simm.s32 $0x4;
	s9 =	smul.u32 $0x50000, s0  }
0x6: {  	s21 =	simm.s32 $0x0;
	s8 =	sand.u32 $0x1, s1;
	s11 =	smul.u32 $0x2800, s0  }
0x7: {  	s23 =	sshll.u32 s0, $0x1;
	s1 =	rddreg [dreg:$0x3];
	s25 =	smul.u32 $0x28, s0  }
0x8: {  	[smem:$0x7FF] =	sst s3;
	s10 =	sadd.s32 $0x5000, s5;
	s15 =	smul.u32 $0x14000, s0  }
0x9: {  	s26 =	sshll.u32 s0, $0x6;
	s6 =	sor.u32 s8, s23;
	s28 =	smul.u32 $0x14, s8  }
0xa: {  	_ =	strace $0x80000047;
	s24 =	ssub.s32 $0x2, s8;
	s29 =	smul.u32 $0xA000, s8  }
0xb: {  	s7 =	smul.u32 $0x180, s6;
	s12 =	sshrl.u32 s24, $0x1;
	s9 =	sshrl.u32 s9, $0x2  }
0xc: {  	s13 =	smul.u32 $0xA000, s6;
	s4 =	sadd.s32 s4, s11;
	s31 =	sadd.s32 s15, s10  }
0xd: {  	s15 =	simm.s32 $0xC00;
	s12 =	ssub.s32 s24, s12;
	s14 =	sadd.s32 s9, s2  }
0xe: {  	s9 =	sadd.s32 s28, s25;
	s11 =	sadd.s32 s29, s31;
	s7 =	sadd.s32 s7, s5  }
0xf: {  	s5 =	sor.u32 $0x1C05, s26;
	s8 =	sadd.s32 s10, s13;
	s30 =	sshll.u32 s9, $0xB  }
0x10: {  	s11 =	sadd.s32 $0x1000, s11;
	s13 =	simm.s32 $0x5;
	s6 =	sadd.s32 $0x2000, s7  }
0x11: {  	s7 =	smax.u32 s12, $0x1;
	s9 =	sadd.s32 $0x800, s8;
	s10 =	sadd.s32 s30, s10  }
0x12: {  	s12 =	sshrl.u32 s14, $0x3;
	s14 =	simm.s32 $0x80;
	s10 =	sadd.s32 $0x1800, s10  }
.LBB2_1:
0x13: {  	[spmem:s12], [sflag:s5] =	dma.local [hbm:s4], $0x2800  }
0x14: {  	_ =	swait.ge [sflag:s13], $0x2800  }
0x15: {  	[sflag:s13] =	ssyncset.done $0x0  }
0x16: {  	[sflag:s13] =	ssyncadd.s32 $0xFFFFD800  }
0x17: {  	[tilespmem:s3], [sflag:$0x5] =	stream.linear.gather [hbm4b:s6+s3], $0xA00, $0x38;
	[tilespmem:$0x1CC00] =	vst v63  }
0x18: {  	_ =	swait.ge [sflag:s13], $0xA00  }
0x19: {  	[sflag:s13] =	ssyncset.done $0x0  }
0x1a: {  	[sflag:s13] =	ssyncadd.s32 $0xFFFFF600  }
0x1b: {  	[bflag:$0x0] =	sbarrier.arrive $0xFFFF  }
0x1c: {  	[tilespmem:s15], [sflag:$0x1] =	stream.indirect.gather [spmem:s2], $0x80, s3, s14, $0xb8;
	[tilespmem:$0x1CC00] =	vst v63  }
0x1d: {  	_ = 	snop  }
0x1e: {  	[tilespmem:s16], [sflag:$0x2] =	stream.indirect.gather [spmem:s2], $0x80, s14, s14, $0xb8;
	[tilespmem:$0x1CC00] =	vst v63  }
0x1f: {  	_ =	swait.ge [sflag:s17], $0x4000  }
0x20: {  	[sflag:s17] =	ssyncset.done $0x0  }
0x21: {  	[sflag:s17] =	ssyncadd.s32 $0xFFFFC000  }
0x22: {  	[hbm4b:s8+s3] =	stream.linear.scatter [tilespmem:s15], [sflag:$0x3], $0x4000, $0x38;
	[tilespmem:$0x1CC00] =	vst v63  }
0x23: {  	_ =	swait.ge [sflag:s18], $0x4000  }
0x24: {  	[sflag:s18] =	ssyncset.done $0x0  }
0x25: {  	[sflag:s18] =	ssyncadd.s32 $0xFFFFC000  }
0x26: {  	[hbm4b:s9+s3] =	stream.linear.scatter [tilespmem:s16], [sflag:$0x4], $0x4000, $0x38;
	[tilespmem:$0x1CC00] =	vst v63  }
0x27: {  	_ =	swait.ge [sflag:s19], $0x4000  }
0x28: {  	[sflag:s19] =	ssyncset.done $0x0  }
0x29: {  	s22 =	simm.s32 $0x100;
	[sflag:s19] =	ssyncadd.s32 $0xFFFFC000  }
0x2a: {  	[tilespmem:s15], [sflag:$0x1] =	stream.indirect.gather [spmem:s2], $0x80, s22, s14, $0xb8;
	[tilespmem:$0x1CC00] =	vst v63  }
0x2b: {  	_ =	swait.ge [sflag:s20], $0x4000  }
0x2c: {  	[sflag:s20] =	ssyncset.done $0x0  }
0x2d: {  	s30 =	simm.s32 $0x180;
	[sflag:s20] =	ssyncadd.s32 $0xFFFFC000  }
0x2e: {  	[tilespmem:s16], [sflag:$0x2] =	stream.indirect.gather [spmem:s2], $0x80, s30, s14, $0xb8;
	[tilespmem:$0x1CC00] =	vst v63  }
0x2f: {  	_ =	swait.ge [sflag:s17], $0x4000  }
0x30: {  	[sflag:s17] =	ssyncset.done $0x0  }
0x31: {  	s31 =	sadd.s32 $0x0, s11;
	[sflag:s17] =	ssyncadd.s32 $0xFFFFC000  }
0x32: {  	[hbm4b:s31+s3] =	stream.linear.scatter [tilespmem:s15], [sflag:$0x3], $0x4000, $0x38;
	[tilespmem:$0x1CC00] =	vst v63  }
0x33: {  	_ =	swait.ge [sflag:s18], $0x4000  }
0x34: {  	s24 =	sadd.s32 $0x0, s10;
	[sflag:s18] =	ssyncset.done $0x0  }
0x35: {  	s23 =	simm.s32 $0x200;
	s22 =	simm.s32 $0x1000;
	[sflag:s18] =	ssyncadd.s32 $0xFFFFC000  }
.LBB2_2:
0x36: {  	[hbm4b:s24+s3] =	stream.linear.scatter [tilespmem:s16], [sflag:$0x4], $0x4000, $0x38;
	[tilespmem:$0x1CC00] =	vst v63  }
0x37: {  	s24 =	smov.u32 s22  }
0x38: {  	p0 =	sne.s32 s22, $0x8000;
	s22 =	sadd.s32 $0x1000, s22;
	_ =	swait.ge [sflag:s19], $0x4000  }
0x39: {  	[sflag:s19] =	ssyncset.done $0x0  }
0x3a: {  	[sflag:s19] =	ssyncadd.s32 $0xFFFFC000  }
0x3b: {  	[tilespmem:s15], [sflag:$0x1] =	stream.indirect.gather [spmem:s2], $0x80, s23, s14, $0xb8;
	[tilespmem:$0x1CC00] =	vst v63  }
0x3c: {  	_ =	swait.ge [sflag:s20], $0x4000  }
0x3d: {  	[sflag:s20] =	ssyncset.done $0x0  }
0x3e: {  	s25 =	sadd.s32 $0x80, s23;
	[sflag:s20] =	ssyncadd.s32 $0xFFFFC000  }
0x3f: {  	[tilespmem:s16], [sflag:$0x2] =	stream.indirect.gather [spmem:s2], $0x80, s25, s14, $0xb8;
	[tilespmem:$0x1CC00] =	vst v63  }
0x40: {  	_ =	swait.ge [sflag:s17], $0x4000  }
0x41: {  	[sflag:s17] =	ssyncset.done $0x0  }
.Ltmp0:
0x42: {  	s25 =	sadd.s32 s24, s11;
	[sflag:s17] =	ssyncadd.s32 $0xFFFFC000;
	(pc) =	sbr.rel @p0 .LBB2_2-.Ltmp0, $4  }
0x43: {  	[hbm4b:s25+s3] =	stream.linear.scatter [tilespmem:s15], [sflag:$0x3], $0x4000, $0x38;
	[tilespmem:$0x1CC00] =	vst v63  }
0x44: {  	_ =	swait.ge [sflag:s18], $0x4000  }
0x45: {  	[sflag:s18] =	ssyncset.done $0x0  }
0x46: {  	s23 =	sadd.s32 $0x100, s23;
	s24 =	sadd.s32 s24, s10;
	[sflag:s18] =	ssyncadd.s32 $0xFFFFC000  }
0x47: {  	[hbm4b:s24+s3] =	stream.linear.scatter [tilespmem:s16], [sflag:$0x4], $0x4000, $0x38;
	[tilespmem:$0x1CC00] =	vst v63  }
0x48: {  	s21 =	sadd.s32 $0x1, s21  }
0x49: {  	_ =	swait.ge [sflag:s19], $0x4000;
	p0 =	sne.s32 s21, s7  }
.Ltmp1:
0x4a: {  	[sflag:s19] =	ssyncset.done $0x0;
	(pc) =	sbr.rel @p0 .LBB2_1-.Ltmp1, $4  }
0x4b: {  	[sflag:s19] =	ssyncadd.s32 $0xFFFFC000  }
0x4c: {  	_ =	swait.ge [sflag:s20], $0x4000  }
0x4d: {  	[sflag:s20] =	ssyncset.done $0x0  }
0x4e: {  	[sflag:s20] =	ssyncadd.s32 $0xFFFFC000  }
0x4f: {  	_ =	sfence.sel $0x180000  }
0x50: {  	[bflag:$0x0] =	sbarrier.arrive $0xFFFF  }
0x51: {  	p0 =	sne.s32 s0, $0x0;
	_ =	strace $0x90000047  }
0x52: {  	s0 =	sadd.s32 @!p0 $0x100000, s1;
	[bflag:$0x2] =	sbarrier.arrive $0xFFFF  }
0x53: {  	[sflag:s0] =	ssyncadd.tile.s32 @!p0 $0x1;
	_ =	shalt  }
.Lfunc_end2:
_tile_overlayer_lowered:
.L_overlay_start_2:
0x54: {  	(tag) =	ssettag $0x2  }
0x55: {  	s0 =	rddreg [dreg:$0x0];
	s2 =	stileid.u32  }
0x56: {  	s1 =	rddreg [dreg:$0x1];
	p0 =	sne.s32 s2, $0x0  }
0x57: {  	s3 =	rddreg [dreg:$0x2];
	[bflag:$0x3] =	sbarrier.arrive $0xFFFF;
	s2 =	simm.s32 @!p0 $0x1C05  }
0x58: {  	[timem:s3], [sflag:s2] =	dma.local @!p0 [hbm:s0], s1  }
0x59: {  	s0 =	simm.s32 @!p0 $0x5  }
0x5a: {  	_ =	swait.ge @!p0 [sflag:s0], s1  }
0x5b: {  	s1 =	ssub.s32 @!p0 $0x0, s1;
	[sflag:s0] =	ssyncset.done @!p0 $0x0  }
0x5c: {  	[sflag:s0] =	ssyncadd.s32 @!p0 s1  }
0x5d: {  	[bflag:$0x3] =	sbarrier.arrive $0xFFFF  }
0x5e: {  	_ =	shalt  }

// kernel: kernel.9.cloned.1.call-start
scs
__scs_entry_jumppad:
0x0: {  	(pc) =	sbr.rel $0x88, $3  }
0x1: {  	(tag) =	ssettag $0x0;
	lr =	simm.s32 $0x1  }
0x2: {  	[smem:$0x3F97] =	sst lr;
	_ =	strace $0xD0000000  }
0x3: {  	_ = 	snop  }
0x4: {  	_ = 	snop  }
0x5: {  	_ = 	snop  }
0x6: {  	_ = 	snop  }
0x7: {  	_ = 	snop  }
__scs_overlays_trampoline_lowered:
0x8: {  	[smem:$0x3FA6] =	sst s0  }
0x9: {  	[smem:$0x3FA7] =	sst s1  }
0xa: {  	[smem:$0x3FA8] =	sst s2  }
0xb: {  	[smem:$0x3FA9] =	sst s3  }
0xc: {  	[smem:$0x3FAA] =	sst s4  }
0xd: {  	[smem:$0x3FAB] =	sst s5  }
0xe: {  	[smem:$0x3FAC] =	sst s6  }
0xf: {  	[smem:$0x3FAD] =	sst s7  }
0x10: {  	[smem:$0x3FAE] =	sst s8  }
0x11: {  	[smem:$0x3FAF] =	sst s9;
	s0 =	simm.s32 @!p0 $0x0  }
0x12: {  	s1 =	sld [smem:$0x3F95];
	s0 =	simm.s32 @p0 $0x1  }
0x13: {  	[smem:$0x3FB0] =	sst s0;
	s0 =	simm.s32 @!p1 $0x0  }
0x14: {  	s2 =	sld [smem:$0x3F94];
	s0 =	simm.s32 @p1 $0x1  }
0x15: {  	[smem:$0x3FB1] =	sst s0;
	s0 =	simm.s32 @!p2 $0x0  }
0x16: {  	s3 =	sld [smem:$0x3FDB];
	s0 =	simm.s32 @p2 $0x1  }
0x17: {  	s4 =	simm.s32 $0x1BF5;
	[smem:$0x3FB3] =	sst s0  }
0x18: {  	s0 =	sld [smem:$0x3F96];
	_ =	swait.ge [sflag:s4], $0x0  }
0x19: {  	s7 =	sld [smem:$0x3F97]  }
0x1a: {  	s8 =	sadd.s32 $0xFFFFE003, lr  }
0x1b: {  	s9 =	sadd.s32 $0xFFFFFEF7, lr;
	s5 =	simm.s32 $0xFFFFFFFF;
	p2 =	slt.u32 s8, $0xFFFFF086  }
0x1c: {  	p1 =	slt.u32 s9, $0xF7A;
	s5 =	simm.s32 @!p2 $0x0  }
0x1d: {  	s5 =	simm.s32 @p1 $0x1;
	p0 =	seq.s32 s7, s2  }
0x1e: {  	s7 =	smul.u32 @!p0 $0xF7A, s2;
	p2 =	seq.s32 @!p0 s5, $0x0  }
0x1f: {  	s9 =	smul.u32 $0xF7A, s1;
	s8 =	simm.s32 @!p0 $0x1BF5;
	p2 =	por !p2, p0  }
0x20: {  	[sflag:s8] =	ssyncset.s32 @!p0 $0xFFFFF086;
	s6 =	sadd.s32 @!p0 s3, s7;
	s7 =	simm.s32 @!p0 $0x108  }
0x21: {  	s3 =	sadd.s32 s3, s9;
	s6 =	sadd.s32 @!p0 $0x88, s6;
	s7 =	simm.s32 @p2 $0x1082  }
0x22: {  	[simem:s7], [sflag:s8] =	dma.local @!p0 [hbm:s6], $0xF7A  }
0x23: {  	s9 =	sor.u32 $0xD0000000, s2;
	s6 =	simm.s32 $0x108;
	_ =	swait.ge @!p0 [sflag:s8], $0x0  }
0x24: {  	s3 =	sadd.s32 $0x88, s3;
	s6 =	simm.s32 @!p1 $0x1082;
	[sflag:s4] =	ssyncset.s32 $0xFFFFF086  }
0x25: {  	[simem:s6], [sflag:s4] =	dma.local [hbm:s3], $0xF7A  }
0x26: {  	[smem:$0x3F97] =	sst s1;
	(tag) =	ssettag s2;
	_ =	strace s9  }
0x27: {  	s1 =	sld [smem:$0x3FA7]  }
0x28: {  	s2 =	sld [smem:$0x3FA8]  }
0x29: {  	s4 =	sld [smem:$0x3FAA]  }
0x2a: {  	p0 =	seq.s32 s5, $0x0;
	s5 =	sld [smem:$0x3FAB]  }
0x2b: {  	s6 =	sld [smem:$0x3FAC]  }
0x2c: {  	s7 =	sld [smem:$0x3FAD]  }
0x2d: {  	s3 =	simm.s32 $0x108;
	s8 =	sld [smem:$0x3FAE]  }
0x2e: {  	s3 =	simm.s32 @!p0 $0x1082;
	s9 =	sld [smem:$0x3FAF]  }
0x2f: {  	lr =	sadd.s32 s0, s3;
	s0 =	sld [smem:$0x3FA6]  }
0x30: {  	s3 =	sld [smem:$0x3FA9]  }
0x31: {  	[smem:$0x3FB2] =	sst s10  }
0x32: {  	s10 =	sld [smem:$0x3FB0];
	_ =	sdelay $0x3  }
0x33: {  	p0 =	seq.s32 s10, $0x1;
	s10 =	sld [smem:$0x3FB2];
	_ =	sdelay $0x3  }
0x34: {  	[smem:$0x3FB2] =	sst s10  }
0x35: {  	s10 =	sld [smem:$0x3FB1];
	_ =	sdelay $0x3  }
0x36: {  	p1 =	seq.s32 s10, $0x1;
	s10 =	sld [smem:$0x3FB2];
	_ =	sdelay $0x3  }
0x37: {  	[smem:$0x3FB2] =	sst s10  }
0x38: {  	s10 =	sld [smem:$0x3FB3]  }
0x39: {  	_ = 	snop;
	(pc) =	sbr.ind lr, $3  }
0x3a: {  	_ = 	snop  }
0x3b: {  	_ = 	snop  }
0x3c: {  	p2 =	seq.s32 s10, $0x1;
	s10 =	sld [smem:$0x3FB2]  }
0x3d: {  	_ =	shalt  }
0x3e: {  	_ =	shalt  }
0x3f: {  	_ =	shalt  }
0x40: {  	_ =	shalt  }
0x41: {  	_ =	shalt  }
0x42: {  	_ =	shalt  }
0x43: {  	_ =	shalt  }
0x44: {  	_ =	shalt  }
0x45: {  	_ =	shalt  }
0x46: {  	_ =	shalt  }
0x47: {  	_ =	shalt  }
0x48: {  	_ =	shalt  }
0x49: {  	_ =	shalt  }
0x4a: {  	_ =	shalt  }
0x4b: {  	_ =	shalt  }
0x4c: {  	_ =	shalt  }
0x4d: {  	_ =	shalt  }
0x4e: {  	_ =	shalt  }
0x4f: {  	_ =	shalt  }
0x50: {  	_ =	shalt  }
0x51: {  	_ =	shalt  }
0x52: {  	_ =	shalt  }
0x53: {  	_ =	shalt  }
0x54: {  	_ =	shalt  }
0x55: {  	_ =	shalt  }
0x56: {  	_ =	shalt  }
0x57: {  	_ =	shalt  }
0x58: {  	_ =	shalt  }
0x59: {  	_ =	shalt  }
0x5a: {  	_ =	shalt  }
0x5b: {  	_ =	shalt  }
0x5c: {  	_ =	shalt  }
0x5d: {  	_ =	shalt  }
0x5e: {  	_ =	shalt  }
0x5f: {  	_ =	shalt  }
0x60: {  	_ =	shalt  }
0x61: {  	_ =	shalt  }
0x62: {  	_ =	shalt  }
0x63: {  	_ =	shalt  }
0x64: {  	_ =	shalt  }
0x65: {  	_ =	shalt  }
0x66: {  	_ =	shalt  }
0x67: {  	_ =	shalt  }
0x68: {  	_ =	shalt  }
0x69: {  	_ =	shalt  }
0x6a: {  	_ =	shalt  }
0x6b: {  	_ =	shalt  }
0x6c: {  	_ =	shalt  }
0x6d: {  	_ =	shalt  }
0x6e: {  	_ =	shalt  }
0x6f: {  	_ =	shalt  }
0x70: {  	_ =	shalt  }
0x71: {  	_ =	shalt  }
0x72: {  	_ =	shalt  }
0x73: {  	_ =	shalt  }
0x74: {  	_ =	shalt  }
0x75: {  	_ =	shalt  }
0x76: {  	_ =	shalt  }
0x77: {  	_ =	shalt  }
0x78: {  	_ =	shalt  }
0x79: {  	_ =	shalt  }
0x7a: {  	_ =	shalt  }
0x7b: {  	_ =	shalt  }
0x7c: {  	_ =	shalt  }
0x7d: {  	_ =	shalt  }
0x7e: {  	_ =	shalt  }
0x7f: {  	_ =	shalt  }
0x80: {  	_ =	shalt  }
0x81: {  	_ =	shalt  }
0x82: {  	_ =	shalt  }
0x83: {  	_ =	shalt  }
0x84: {  	_ =	shalt  }
0x85: {  	_ =	shalt  }
0x86: {  	_ =	shalt  }
0x87: {  	_ =	shalt  }
.Lfunc_end0:
.L_simem_size_0:
called_computation.1_lowered:
.L_overlay_start_0:
0x88: {  	s2 =	sld [smem:$0x3FD9]  }
0x89: {  	s3 =	sld [smem:$0x3FFE];
	_ =	sdelay $0x1  }
0x8a: {  	s1 =	srdreg.scid  }
0x8b: {  	s0 =	sand.u32 $0x1, s1  }
0x8c: {  	s17 =	sshll.u32 s0, $0xA;
	s2 =	sadd.s32 s3, s2  }
0x8d: {  	s2 =	sadd.s32 s2, s17  }
0x8e: {  	[smem:$0x3FBE] =	sst s2  }
0x8f: {  	_ = 	snop  }
0x90: {  	s18 =	sld [smem:$0x3FD0];
	(tm) =	ssettm $0x1  }
0x91: {  	s19 =	sld [smem:$0x3FFB];
	_ =	sdelay $0x3  }
0x92: {  	_ =	strace s19  }
0x93: {  	s2 =	sld [smem:$0x3FFC];
	_ =	sdelay $0x3  }
0x94: {  	_ =	strace s2  }
0x95: {  	s2 =	sld [smem:$0x3FFD];
	_ =	sdelay $0x3  }
0x96: {  	_ =	strace s2  }
0x97: {  	_ =	strace $0x8FFFFFFF  }
0x98: {  	s20 =	sld [smem:$0x3FDB];
	_ =	sdelay $0x1  }
0x99: {  	s4 =	simm.s32 $_scs_section_size  }
0x9a: {  	s5 =	simm.s32 $_size__tile_overlayer_lowered;
	s6 =	simm.s32 $_tile_overlayer_lowered  }
0x9b: {  	s7 =	simm.s32 $0x1BFF;
	s21 =	sshll.u32 s6, $0x1;
	s4 =	sadd.s32 s4, s20  }
0x9c: {  	s22 =	simm.s32 $0x0;
	s5 =	sshll.u32 s5, $0x1;
	s6 =	sadd.s32 s21, s4  }
0x9d: {  	[timem:s22], [sflag:s7] =	dma.local [hbm:s6], s5  }
0x9e: {  	_ =	swait.ge [sflag:s7], s5  }
0x9f: {  	s5 =	ssub.s32 $0x0, s5;
	[sflag:s7] =	ssyncset.done $0x0  }
0xa0: {  	[sflag:s7] =	ssyncadd.s32 s5;
	_ =	sdelay $0x1  }
0xa1: {  	s23 =	simm.s32 $0x1B8B  }
0xa2: {  	_ =	swait.ge [sflag:s23], $0x1  }
0xa3: {  	[sflag:s23] =	ssyncset.done $0x0  }
0xa4: {  	[sflag:s23] =	ssyncadd.s32 $0xFFFFFFFF  }
0xa5: {  	s5 =	sld [smem:$0x0]  }
0xa6: {  	s6 =	sand.u32 $0xFFFFFFFE, s1  }
0xa7: {  	p0 =	sne.s32 s1, s6  }
0xa8: {  	s6 =	sshll.u32 @p0 s6, $0xE  }
0xa9: {  	s6 =	sadd.s32 @p0 $0x11B8D, s6;
	s7 =	sshll.u32 @p0 s5, $0x11  }
0xaa: {  	s6 =	sor.u32 @p0 s7, s6  }
0xab: {  	[sflag:s6] =	ssyncadd.remote.s32 @p0 $0x1;
	_ =	sdelay $0x1  }
0xac: {  	s6 =	simm.s32 @p0 $0x1B8D  }
0xad: {  	_ =	swait.eq @p0 [sflag:s6], $0x1  }
0xae: {  	[sflag:s6] =	ssyncadd.s32 @p0 $0xFFFFFFFF  }
0xaf: {  	s7 =	sshll.u32 @!p0 s1, $0xE  }
0xb0: {  	s7 =	sor.u32 @!p0 $0x4000, s7;
	s6 =	simm.s32 @!p0 $0x1B8D  }
0xb1: {  	s5 =	sshll.u32 @!p0 s5, $0x11;
	s7 =	sadd.s32 @!p0 $0x11B8D, s7;
	_ =	swait.eq @!p0 [sflag:s6], $0x1  }
0xb2: {  	s5 =	sor.u32 @!p0 s5, s7;
	[sflag:s6] =	ssyncadd.s32 @!p0 $0xFFFFFFFF  }
0xb3: {  	s25 =	simm.s32 $0x1B8E;
	s24 =	sld [smem:$0x3FFE];
	[sflag:s5] =	ssyncadd.remote.s32 @!p0 $0x1  }
0xb4: {  	s26 =	simm.s32 $execute0_lowered;
	[smem:$0x3FD2] =	sst s25  }
0xb5: {  	s6 =	sshll.u32 s26, $0x1;
	_ =	strace $0x80000049;
	[dreg:$0x1] =	wrdreg $0xFFFFFFFF  }
0xb6: {  	s28 =	simm.s32 $_size_execute0_lowered;
	s4 =	sadd.s32 s4, s6;
	[dreg:$0x0] =	wrdreg $0x0  }
0xb7: {  	s6 =	sshll.u32 s28, $0x1;
	[dreg:$0x2] =	wrdreg s4  }
0xb8: {  	[dreg:$0x3] =	wrdreg s6  }
0xb9: {  	[dreg:$0x4] =	wrdreg $0xC0  }
0xba: {  	_ =	task [dreg:s22], $0x5FFFF  }
0xbb: {  	[dreg:$0x1] =	wrdreg $0xFFFFFFFF  }
0xbc: {  	[dreg:$0x0] =	wrdreg $0x60  }
0xbd: {  	[dreg:$0x2] =	wrdreg s18  }
0xbe: {  	[dreg:$0x3] =	wrdreg s24  }
0xbf: {  	[dreg:$0x4] =	wrdreg $0x8C000  }
0xc0: {  	[dreg:$0x5] =	wrdreg $0xA  }
0xc1: {  	_ =	task.clear_ibuf [dreg:s22], $0x6FFFF;
	_ =	strace $0x90000049  }
0xc2: {  	s29 =	simm.s32 $0xA;
	_ =	strace $0x8000004B  }
0xc3: {  	_ =	swait.ge [sflag:s29], $0x1  }
0xc4: {  	[sflag:s29] =	ssyncadd.s32 $0xFFFFFFFF  }
0xc5: {  	_ =	strace $0x9000004B  }
0xc6: {  	_ =	sfence  }
0xc7: {  	s30 =	sld [smem:$0x0];
	_ =	sdelay $0x2  }
0xc8: {  	s31 =	sshll.u32 s1, $0xD;
	s1 =	sshrl.u32 s1, $0x2  }
0xc9: {  	s4 =	sand.u32 $0x4000, s31;
	s1 =	sadd.s32 s1, s30  }
0xca: {  	s0 =	sor.u32 s4, s0;
	s1 =	sshll.u32 s1, $0x11  }
0xcb: {  	s0 =	sor.u32 s1, s0  }
0xcc: {  	s0 =	sadd.s32 $0x8F2B, s0  }
0xcd: {  	[sflag:s0] =	ssyncadd.remote.s32 $0x1  }
0xce: {  	_ =	sfence.sel $0xFFFF  }
0xcf: {  	[dreg:$0x0] =	wrdreg $0xFFFFFFFF;
	(pc) =	sbr.abs _section_cstart, $3  }
0xd0: {  	[dreg:$0x1] =	wrdreg $0xFFFFFFFF  }
0xd1: {  	_ =	task.clear_ibuf [dreg:s22], $0x2FFFF;
	_ =	strace $0x9FFFFFFF  }
0xd2: {  	(tm) =	ssettm $0x7FFFFFFF  }
0xd3: {  	_ =	shalt  }
tec
execute0_lowered:
.L_overlay_start_1:
0x0: {  	(tag) =	ssettag $0x1  }
0x1: {  	s4 =	rddreg [dreg:$0x0]  }
0x2: {  	s1 =	srdreg.scid;
	s5 =	rddreg [dreg:$0x1]  }
0x3: {  	s0 =	stileid.u32;
	s2 =	rddreg [dreg:$0x2];
	s3 =	simm.s32 $0x0  }
0x4: {  	s16 =	simm.s32 $0x4C00;
	s17 =	simm.s32 $0x1;
	s18 =	simm.s32 $0x2  }
0x5: {  	s19 =	simm.s32 $0x3;
	s20 =	simm.s32 $0x4;
	s9 =	smul.u32 $0x50000, s0  }
0x6: {  	s21 =	simm.s32 $0x0;
	s8 =	sand.u32 $0x1, s1;
	s11 =	smul.u32 $0x2800, s0  }
0x7: {  	s23 =	sshll.u32 s0, $0x1;
	s1 =	rddreg [dreg:$0x3];
	s25 =	smul.u32 $0x28, s0  }
0x8: {  	[smem:$0x7FF] =	sst s3;
	s10 =	sadd.s32 $0x148000, s5;
	s15 =	smul.u32 $0x14000, s0  }
0x9: {  	s26 =	sshll.u32 s0, $0x6;
	s6 =	sor.u32 s8, s23;
	s28 =	smul.u32 $0x14, s8  }
0xa: {  	_ =	strace $0x8000004A;
	s24 =	ssub.s32 $0x2, s8;
	s29 =	smul.u32 $0xA000, s8  }
0xb: {  	s7 =	smul.u32 $0x180, s6;
	s12 =	sshrl.u32 s24, $0x1;
	s9 =	sshrl.u32 s9, $0x2  }
0xc: {  	s13 =	smul.u32 $0xA000, s6;
	s4 =	sadd.s32 s4, s11;
	s31 =	sadd.s32 s15, s10  }
0xd: {  	s15 =	simm.s32 $0xC00;
	s12 =	ssub.s32 s24, s12;
	s14 =	sadd.s32 s9, s2  }
0xe: {  	s9 =	sadd.s32 s28, s25;
	s11 =	sadd.s32 s29, s31;
	s7 =	sadd.s32 s7, s5  }
0xf: {  	s5 =	sor.u32 $0x1C05, s26;
	s8 =	sadd.s32 s10, s13;
	s30 =	sshll.u32 s9, $0xB  }
0x10: {  	s11 =	sadd.s32 $0x1000, s11;
	s13 =	simm.s32 $0x5;
	s6 =	sadd.s32 $0x145000, s7  }
0x11: {  	s7 =	smax.u32 s12, $0x1;
	s9 =	sadd.s32 $0x800, s8;
	s10 =	sadd.s32 s30, s10  }
0x12: {  	s12 =	sshrl.u32 s14, $0x3;
	s14 =	simm.s32 $0x80;
	s10 =	sadd.s32 $0x1800, s10  }
.LBB2_1:
0x13: {  	[spmem:s12], [sflag:s5] =	dma.local [hbm:s4], $0x2800  }
0x14: {  	_ =	swait.ge [sflag:s13], $0x2800  }
0x15: {  	[sflag:s13] =	ssyncset.done $0x0  }
0x16: {  	[sflag:s13] =	ssyncadd.s32 $0xFFFFD800  }
0x17: {  	[tilespmem:s3], [sflag:$0x5] =	stream.linear.gather [hbm4b:s6+s3], $0xA00, $0x38;
	[tilespmem:$0x1CC00] =	vst v63  }
0x18: {  	_ =	swait.ge [sflag:s13], $0xA00  }
0x19: {  	[sflag:s13] =	ssyncset.done $0x0  }
0x1a: {  	[sflag:s13] =	ssyncadd.s32 $0xFFFFF600  }
0x1b: {  	[bflag:$0x0] =	sbarrier.arrive $0xFFFF  }
0x1c: {  	[tilespmem:s15], [sflag:$0x1] =	stream.indirect.gather [spmem:s2], $0x80, s3, s14, $0xb8;
	[tilespmem:$0x1CC00] =	vst v63  }
0x1d: {  	_ = 	snop  }
0x1e: {  	[tilespmem:s16], [sflag:$0x2] =	stream.indirect.gather [spmem:s2], $0x80, s14, s14, $0xb8;
	[tilespmem:$0x1CC00] =	vst v63  }
0x1f: {  	_ =	swait.ge [sflag:s17], $0x4000  }
0x20: {  	[sflag:s17] =	ssyncset.done $0x0  }
0x21: {  	[sflag:s17] =	ssyncadd.s32 $0xFFFFC000  }
0x22: {  	[hbm4b:s8+s3] =	stream.linear.scatter [tilespmem:s15], [sflag:$0x3], $0x4000, $0x38;
	[tilespmem:$0x1CC00] =	vst v63  }
0x23: {  	_ =	swait.ge [sflag:s18], $0x4000  }
0x24: {  	[sflag:s18] =	ssyncset.done $0x0  }
0x25: {  	[sflag:s18] =	ssyncadd.s32 $0xFFFFC000  }
0x26: {  	[hbm4b:s9+s3] =	stream.linear.scatter [tilespmem:s16], [sflag:$0x4], $0x4000, $0x38;
	[tilespmem:$0x1CC00] =	vst v63  }
0x27: {  	_ =	swait.ge [sflag:s19], $0x4000  }
0x28: {  	[sflag:s19] =	ssyncset.done $0x0  }
0x29: {  	s22 =	simm.s32 $0x100;
	[sflag:s19] =	ssyncadd.s32 $0xFFFFC000  }
0x2a: {  	[tilespmem:s15], [sflag:$0x1] =	stream.indirect.gather [spmem:s2], $0x80, s22, s14, $0xb8;
	[tilespmem:$0x1CC00] =	vst v63  }
0x2b: {  	_ =	swait.ge [sflag:s20], $0x4000  }
0x2c: {  	[sflag:s20] =	ssyncset.done $0x0  }
0x2d: {  	s30 =	simm.s32 $0x180;
	[sflag:s20] =	ssyncadd.s32 $0xFFFFC000  }
0x2e: {  	[tilespmem:s16], [sflag:$0x2] =	stream.indirect.gather [spmem:s2], $0x80, s30, s14, $0xb8;
	[tilespmem:$0x1CC00] =	vst v63  }
0x2f: {  	_ =	swait.ge [sflag:s17], $0x4000  }
0x30: {  	[sflag:s17] =	ssyncset.done $0x0  }
0x31: {  	s31 =	sadd.s32 $0x0, s11;
	[sflag:s17] =	ssyncadd.s32 $0xFFFFC000  }
0x32: {  	[hbm4b:s31+s3] =	stream.linear.scatter [tilespmem:s15], [sflag:$0x3], $0x4000, $0x38;
	[tilespmem:$0x1CC00] =	vst v63  }
0x33: {  	_ =	swait.ge [sflag:s18], $0x4000  }
0x34: {  	s24 =	sadd.s32 $0x0, s10;
	[sflag:s18] =	ssyncset.done $0x0  }
0x35: {  	s23 =	simm.s32 $0x200;
	s22 =	simm.s32 $0x1000;
	[sflag:s18] =	ssyncadd.s32 $0xFFFFC000  }
.LBB2_2:
0x36: {  	[hbm4b:s24+s3] =	stream.linear.scatter [tilespmem:s16], [sflag:$0x4], $0x4000, $0x38;
	[tilespmem:$0x1CC00] =	vst v63  }
0x37: {  	s24 =	smov.u32 s22  }
0x38: {  	p0 =	sne.s32 s22, $0x8000;
	s22 =	sadd.s32 $0x1000, s22;
	_ =	swait.ge [sflag:s19], $0x4000  }
0x39: {  	[sflag:s19] =	ssyncset.done $0x0  }
0x3a: {  	[sflag:s19] =	ssyncadd.s32 $0xFFFFC000  }
0x3b: {  	[tilespmem:s15], [sflag:$0x1] =	stream.indirect.gather [spmem:s2], $0x80, s23, s14, $0xb8;
	[tilespmem:$0x1CC00] =	vst v63  }
0x3c: {  	_ =	swait.ge [sflag:s20], $0x4000  }
0x3d: {  	[sflag:s20] =	ssyncset.done $0x0  }
0x3e: {  	s25 =	sadd.s32 $0x80, s23;
	[sflag:s20] =	ssyncadd.s32 $0xFFFFC000  }
0x3f: {  	[tilespmem:s16], [sflag:$0x2] =	stream.indirect.gather [spmem:s2], $0x80, s25, s14, $0xb8;
	[tilespmem:$0x1CC00] =	vst v63  }
0x40: {  	_ =	swait.ge [sflag:s17], $0x4000  }
0x41: {  	[sflag:s17] =	ssyncset.done $0x0  }
.Ltmp0:
0x42: {  	s25 =	sadd.s32 s24, s11;
	[sflag:s17] =	ssyncadd.s32 $0xFFFFC000;
	(pc) =	sbr.rel @p0 .LBB2_2-.Ltmp0, $4  }
0x43: {  	[hbm4b:s25+s3] =	stream.linear.scatter [tilespmem:s15], [sflag:$0x3], $0x4000, $0x38;
	[tilespmem:$0x1CC00] =	vst v63  }
0x44: {  	_ =	swait.ge [sflag:s18], $0x4000  }
0x45: {  	[sflag:s18] =	ssyncset.done $0x0  }
0x46: {  	s23 =	sadd.s32 $0x100, s23;
	s24 =	sadd.s32 s24, s10;
	[sflag:s18] =	ssyncadd.s32 $0xFFFFC000  }
0x47: {  	[hbm4b:s24+s3] =	stream.linear.scatter [tilespmem:s16], [sflag:$0x4], $0x4000, $0x38;
	[tilespmem:$0x1CC00] =	vst v63  }
0x48: {  	s21 =	sadd.s32 $0x1, s21  }
0x49: {  	_ =	swait.ge [sflag:s19], $0x4000;
	p0 =	sne.s32 s21, s7  }
.Ltmp1:
0x4a: {  	[sflag:s19] =	ssyncset.done $0x0;
	(pc) =	sbr.rel @p0 .LBB2_1-.Ltmp1, $4  }
0x4b: {  	[sflag:s19] =	ssyncadd.s32 $0xFFFFC000  }
0x4c: {  	_ =	swait.ge [sflag:s20], $0x4000  }
0x4d: {  	[sflag:s20] =	ssyncset.done $0x0  }
0x4e: {  	[sflag:s20] =	ssyncadd.s32 $0xFFFFC000  }
0x4f: {  	_ =	sfence.sel $0x180000  }
0x50: {  	[bflag:$0x0] =	sbarrier.arrive $0xFFFF  }
0x51: {  	p0 =	sne.s32 s0, $0x0;
	_ =	strace $0x9000004A  }
0x52: {  	s0 =	sadd.s32 @!p0 $0x100000, s1;
	[bflag:$0x2] =	sbarrier.arrive $0xFFFF  }
0x53: {  	[sflag:s0] =	ssyncadd.tile.s32 @!p0 $0x1;
	_ =	shalt  }
.Lfunc_end2:
_tile_overlayer_lowered:
.L_overlay_start_2:
0x54: {  	(tag) =	ssettag $0x2  }
0x55: {  	s0 =	rddreg [dreg:$0x0];
	s2 =	stileid.u32  }
0x56: {  	s1 =	rddreg [dreg:$0x1];
	p0 =	sne.s32 s2, $0x0  }
0x57: {  	s3 =	rddreg [dreg:$0x2];
	[bflag:$0x3] =	sbarrier.arrive $0xFFFF;
	s2 =	simm.s32 @!p0 $0x1C05  }
0x58: {  	[timem:s3], [sflag:s2] =	dma.local @!p0 [hbm:s0], s1  }
0x59: {  	s0 =	simm.s32 @!p0 $0x5  }
0x5a: {  	_ =	swait.ge @!p0 [sflag:s0], s1  }
0x5b: {  	s1 =	ssub.s32 @!p0 $0x0, s1;
	[sflag:s0] =	ssyncset.done @!p0 $0x0  }
0x5c: {  	[sflag:s0] =	ssyncadd.s32 @!p0 s1  }
0x5d: {  	[bflag:$0x3] =	sbarrier.arrive $0xFFFF  }
0x5e: {  	_ =	shalt  }

</sc_bundles>
